<compile_context>
chip_gen: v7x
topology: tpu7x:2x2x1
jax: 0.10.2.dev20260603
libtpu: 0.0.44.dev20260713+nightly
codegen_flags: <defaults>
</compile_context>

<pallas_src>
import jax
import jax.numpy as jnp
from jax import lax
from jax.experimental import pallas as pl
from jax.experimental.pallas import tpu as pltpu
from jax.experimental.pallas import tpu_sc as plsc

B, L, H, M = 16, 2048, 256, 8192
CH = 64
NCHB = M // CH
WMAX = M // 2
NLANE = 16
RING = 4
NW = 32


def _sc_body(xf, pd, sd, sl, out, tl16,
             pd_v, sd_v, sl_v, tl_v, trow_v, a_ref, g_ref, bufs, zbuf,
             gsems, osems, zsem):
    cid = lax.axis_index("c")
    sid = lax.axis_index("s")
    w = 2 * sid + cid
    lane = lax.iota(jnp.int32, NLANE)

    pltpu.sync_copy(sl, sl_v)
    src_len_own = jnp.sum(jnp.where(lane == sid, sl_v[...], 0))

    zero16 = jnp.zeros((NLANE,), jnp.int32)
    zf16 = jnp.zeros((NLANE,), jnp.float32)

    with jax.named_scope("p0_init"):
        def zinit_body(i, _):
            zbuf[i // (H // NLANE), pl.ds((i % (H // NLANE)) * NLANE, NLANE)] = zf16
            return 0
        lax.fori_loop(0, CH * H // NLANE, zinit_body, 0)

    with jax.named_scope("p1_prepass"):
        def prebatch(bb, _):
            pltpu.sync_copy(pd.at[bb], pd_v)
            pltpu.sync_copy(sd.at[bb], sd_v)
            src_len_bb = jnp.sum(jnp.where(lane == bb, sl_v[...], 0))

            def pre_body(i, acc):
                lvec = i * NLANE + lane
                valid = lvec < src_len_bb
                prr = jnp.maximum(
                    jnp.where(valid, pd_v[pl.ds(i * NLANE, NLANE)], 0), 1)
                srr = jnp.where(valid, sd_v[pl.ds(i * NLANE, NLANE)], 0)
                return acc + prr + srr
            acc = lax.fori_loop(0, L // NLANE, pre_body, zero16)
            tgt_bb = jnp.sum(acc)
            trow_v[...] = jnp.where(lane == bb,
                                    jnp.full((NLANE,), tgt_bb, jnp.int32),
                                    trow_v[...])

            @pl.when((bb == sid) & (cid == 0))
            def _():
                tl_v[...] = jnp.full((NLANE,), tgt_bb, jnp.int32)
                pltpu.sync_copy(tl_v, tl16.at[sid])
            return 0
        lax.fori_loop(0, B, prebatch, 0)

        def vc_of(bb):
            tgt_bb = jnp.max(jnp.where(lane == bb, trow_v[...], 0))
            nvt = jnp.clip(tgt_bb, 0, M)
            return nvt, (nvt + CH - 1) // CH

        def tot_body(bb, carry):
            _, vc = vc_of(bb)
            return carry[0] + vc, carry[1] + (NCHB - vc)
        tvc, tzc = lax.fori_loop(0, B, tot_body, (0, 0))

        vcp = (tvc + NW - 1) // NW
        gv0 = jnp.minimum(w * vcp, tvc)
        gv1 = jnp.minimum(gv0 + vcp, tvc)
        zcp = (tzc + NW - 1) // NW
        gz0 = jnp.minimum(w * zcp, tzc)
        gz1 = jnp.minimum(gz0 + zcp, tzc)

    def gather(c, k):
        pltpu.async_copy(xf.at[g_ref.at[c]], bufs[k], gsems[k])

    def gwait(c, k):
        pltpu.make_async_copy(xf.at[g_ref.at[c]], bufs[k], gsems[k]).wait()

    def process_valid(bb, nvt, lo, ncl, owns_bnd):
        obase = bb * M + lo

        def owait(k):
            pltpu.make_async_copy(bufs[k], out.at[pl.ds(obase, CH)],
                                  osems[k]).wait()

        pltpu.sync_copy(pd.at[bb], pd_v)
        pltpu.sync_copy(sd.at[bb], sd_v)
        src_len = jnp.sum(jnp.where(lane == bb, sl_v[...], 0))
        wlen = ncl * CH

        def az_body(i, _):
            a_ref[pl.ds(i * NLANE, NLANE)] = zero16
            return 0
        lax.fori_loop(0, ncl * (CH // NLANE), az_body, 0)

        def scan_body(i, carry):
            cp, cs, c0 = carry
            lvec = i * NLANE + lane
            valid = lvec < src_len
            prr = jnp.maximum(jnp.where(valid, pd_v[pl.ds(i * NLANE, NLANE)], 0), 1)
            srr = jnp.where(valid, sd_v[pl.ds(i * NLANE, NLANE)], 0)
            P = plsc.cumsum(prr) + cp
            S = plsc.cumsum(srr) + cs
            Pe = P - prr
            Se = S - srr
            key_p = 2 * lvec
            key_s = key_p + 1
            st_p = Pe + Se
            st_s = P + Se
            lp = st_p - lo
            ls = st_s - lo
            mask_p = (lp >= 0) & (lp < wlen)
            mask_s = (ls >= 0) & (ls < wlen) & (srr > 0)
            plsc.store_scatter(a_ref, [jnp.clip(lp, 0, WMAX - 1)], key_p,
                               mask=mask_p)
            plsc.store_scatter(a_ref, [jnp.clip(ls, 0, WMAX - 1)], key_s,
                               mask=mask_s)
            c0 = jnp.maximum(c0, jnp.max(jnp.where(st_p < lo, key_p, 0)))
            c0 = jnp.maximum(c0, jnp.max(jnp.where((st_s < lo) & (srr > 0),
                                                   key_s, 0)))
            return cp + jnp.sum(prr), cs + jnp.sum(srr), c0

        _, _, c0 = lax.fori_loop(0, L // NLANE, scan_body, (0, 0, 0))

        def fill_body(i, cm):
            seg = jnp.maximum(plsc.cummax(a_ref[pl.ds(i * NLANE, NLANE)]), cm)
            tvec = lo + i * NLANE + lane
            row = jnp.where((seg & 1) == 1, 0, seg >> 1)
            gid = bb * L + jnp.where(tvec < nvt, row, 0)
            g_ref[i // (CH // NLANE), pl.ds((i % (CH // NLANE)) * NLANE, NLANE)] = gid
            return jnp.max(seg)
        lax.fori_loop(0, ncl * (CH // NLANE), fill_body, c0)

        gather(0, 0)

        @pl.when(ncl > 1)
        def _():
            gather(1, 1)

        def zero_tail(c, k):
            nvl = nvt - lo

            def zrow(r, _):
                @pl.when(c * CH + r >= nvl)
                def _():
                    for j in range(H // NLANE):
                        bufs[k][r, pl.ds(j * NLANE, NLANE)] = zf16
                return 0
            lax.fori_loop(0, CH, zrow, 0)

        def gbody(i, _):
            for k in range(RING):
                c = RING * i + k

                @pl.when(c < ncl)
                def _():
                    gwait(c, k)

                    @pl.when(owns_bnd & (c == ncl - 1))
                    def _():
                        zero_tail(c, k)
                    pltpu.async_copy(bufs[k], out.at[pl.ds(obase + c * CH, CH)],
                                     osems[k])

                    @pl.when(c + 2 < ncl)
                    def _():
                        k2 = (k + 2) % RING

                        @pl.when(c >= 2)
                        def _():
                            owait(k2)
                        gather(c + 2, k2)
            return 0
        lax.fori_loop(0, (ncl + RING - 1) // RING, gbody, 0)

        for k in range(RING):
            @pl.when(ncl > k)
            def _():
                owait(k)

    def batch_body(bb, carry):
        vpfx, zpfx = carry
        nvt, vc = vc_of(bb)
        a0 = jnp.maximum(gv0, vpfx)
        a1 = jnp.minimum(gv1, vpfx + vc)

        @pl.when(a1 > a0)
        def _():
            process_valid(bb, nvt, (a0 - vpfx) * CH, a1 - a0,
                          a1 == vpfx + vc)

        zc = NCHB - vc
        b0 = jnp.maximum(gz0, zpfx)
        b1 = jnp.minimum(gz1, zpfx + zc)

        @pl.when(b1 > b0)
        def _():
            def zfire(c, _):
                pltpu.async_copy(zbuf, out.at[pl.ds(bb * M + c * CH, CH)], zsem)
                return 0
            lax.fori_loop(vc + (b0 - zpfx), vc + (b1 - zpfx), zfire, 0)

        return vpfx + vc, zpfx + zc

    with jax.named_scope("p3_batches"):
        lax.fori_loop(0, B, batch_body, (0, 0))

    with jax.named_scope("p4_drain"):
        def zdrain(j, _):
            pltpu.make_async_copy(zbuf, out.at[pl.ds(0, CH)], zsem).wait()
            return 0
        lax.fori_loop(0, gz1 - gz0, zdrain, 0)


@jax.jit
def _run(xf, pd, sd, sl):
    mesh = plsc.VectorSubcoreMesh(core_axis_name="c", subcore_axis_name="s")
    f = pl.kernel(
        _sc_body,
        out_type=(
            jax.ShapeDtypeStruct((B * M, H), jnp.float32),
            jax.ShapeDtypeStruct((16, 16), jnp.int32),
        ),
        mesh=mesh,
        scratch_types=[
            pltpu.VMEM((L,), jnp.int32),
            pltpu.VMEM((L,), jnp.int32),
            pltpu.VMEM((16,), jnp.int32),
            pltpu.VMEM((16,), jnp.int32),
            pltpu.VMEM((16,), jnp.int32),
            pltpu.VMEM((WMAX,), jnp.int32),
            pltpu.VMEM((WMAX // CH, CH), jnp.int32),
            [pltpu.VMEM((CH, H), jnp.float32) for _ in range(RING)],
            pltpu.VMEM((CH, H), jnp.float32),
            [pltpu.SemaphoreType.DMA for _ in range(RING)],
            [pltpu.SemaphoreType.DMA for _ in range(RING)],
            pltpu.SemaphoreType.DMA,
        ],
        compiler_params=pltpu.CompilerParams(needs_layout_passes=False),
    )
    return f(xf, pd, sd, sl)


def kernel(x, phone_duration, sil_duration, src_lens, max_len):
    out_flat, tl16 = _run(x.reshape(B * L, H), phone_duration,
                          sil_duration, src_lens)
    return out_flat.reshape(B, M, H), tl16[:, 0]

# --- scband reference (transcript-rebuilt; emitter-appended) ---
"""Pipeline reference for scband-length-regulator-20323785244726 (READ-ONLY COPY).

The authoritative reference and input builder live on the scoring server;
editing this copy changes nothing except your own understanding.
"""

import jax, jax.numpy as jnp
import numpy as np


def setup_inputs(seed: int = 0) -> dict:
    key = jax.random.key(seed)
    k1, k2, k3, k4 = jax.random.split(key, 4)
    B, L, H = 16, 2048, 256
    x = jax.random.normal(k1, (B, L, H), dtype=jnp.float32)
    phone_duration = jax.random.randint(k2, (B, L), 0, 8, dtype=jnp.int32)
    sil_duration = jax.random.randint(k3, (B, L), 0, 3, dtype=jnp.int32)
    src_lens = jax.random.randint(k4, (B,), 512, L + 1, dtype=jnp.int32)
    max_len = 8192
    return {"x": x, "phone_duration": phone_duration, "sil_duration": sil_duration,
            "src_lens": src_lens, "max_len": max_len}


def reference(x, phone_duration, sil_duration, src_lens, max_len):
    B, L, H = x.shape
    pd = phone_duration.astype(jnp.float32)
    sd = sil_duration.astype(jnp.float32)
    idx = jnp.arange(L)[None, :]
    valid_mask = idx < src_lens[:, None]
    phone_repeat = jnp.where(valid_mask, pd, jnp.zeros_like(pd))
    # NOTE: torch clamps AFTER masking, so invalid positions also become 1
    phone_repeat = jnp.clip(jnp.round(phone_repeat).astype(jnp.int32), 1, None)
    sil_repeat = jnp.where(valid_mask, sd, jnp.zeros_like(sd))
    sil_repeat = jnp.clip(jnp.round(sil_repeat).astype(jnp.int32), 0, None)
    sil_frames = jnp.broadcast_to(x[:, :1, :], (B, L, H))
    segments = jnp.stack((x, sil_frames), axis=2).reshape(B, 2 * L, H)
    repeats = jnp.stack((phone_repeat, sil_repeat), axis=2).reshape(B, 2 * L)
    tgt_len = repeats.sum(axis=1)
    csum = jnp.cumsum(repeats, axis=1)
    MAX_LEN = 8192
    t = jnp.arange(MAX_LEN) + (max_len - MAX_LEN)

    def expand_one(seg, cs, tl):
        # frame t belongs to segment i with csum[i-1] <= t < csum[i]
        seg_idx = jnp.searchsorted(cs, t, side='right')
        seg_idx = jnp.minimum(seg_idx, 2 * L - 1)
        out = jnp.take(seg, seg_idx, axis=0)
        mask = (t < tl)[:, None]
        return jnp.where(mask, out, jnp.zeros_like(out))

    output = jax.vmap(expand_one)(segments, csum, tgt_len)
    return output, tgt_len

if __name__ == "__main__":
    import jax
    _d = setup_inputs()
    print(jax.jit(kernel)(*tuple(_d.values())))

</pallas_src>

<mosaic_0001>
#map = affine_map<(d0, d1) -> (0, 0)>
#map1 = affine_map<(d0, d1) -> (0)>
module attributes {stable_mosaic.version = 14 : i64} {
  func.func @_sc_body(%arg0: i32, %arg1: i32, %arg2: memref<32768x256xf32, #tpu.memory_space<hbm>>, %arg3: memref<16x2048xi32, #tpu.memory_space<hbm>>, %arg4: memref<16x2048xi32, #tpu.memory_space<hbm>>, %arg5: memref<16xi32, #tpu.memory_space<hbm>>, %arg6: memref<131072x256xf32, #tpu.memory_space<hbm>>, %arg7: memref<16x16xi32, #tpu.memory_space<hbm>>, %arg8: memref<2048xi32, #tpu.memory_space<vmem>>, %arg9: memref<2048xi32, #tpu.memory_space<vmem>>, %arg10: memref<16xi32, #tpu.memory_space<vmem>>, %arg11: memref<16xi32, #tpu.memory_space<vmem>>, %arg12: memref<16xi32, #tpu.memory_space<vmem>>, %arg13: memref<4096xi32, #tpu.memory_space<vmem>>, %arg14: memref<64x64xi32, #tpu.memory_space<vmem>>, %arg15: memref<64x256xf32, #tpu.memory_space<vmem>>, %arg16: memref<64x256xf32, #tpu.memory_space<vmem>>, %arg17: memref<64x256xf32, #tpu.memory_space<vmem>>, %arg18: memref<64x256xf32, #tpu.memory_space<vmem>>, %arg19: memref<64x256xf32, #tpu.memory_space<vmem>>, %arg20: memref<!tpu.dma_semaphore, #tpu.memory_space<semaphore_mem>>, %arg21: memref<!tpu.dma_semaphore, #tpu.memory_space<semaphore_mem>>, %arg22: memref<!tpu.dma_semaphore, #tpu.memory_space<semaphore_mem>>, %arg23: memref<!tpu.dma_semaphore, #tpu.memory_space<semaphore_mem>>, %arg24: memref<!tpu.dma_semaphore, #tpu.memory_space<semaphore_mem>>, %arg25: memref<!tpu.dma_semaphore, #tpu.memory_space<semaphore_mem>>, %arg26: memref<!tpu.dma_semaphore, #tpu.memory_space<semaphore_mem>>, %arg27: memref<!tpu.dma_semaphore, #tpu.memory_space<semaphore_mem>>, %arg28: memref<!tpu.dma_semaphore, #tpu.memory_space<semaphore_mem>>) attributes {dimension_semantics = [#tpu.dimension_semantics<core_parallel>, #tpu.dimension_semantics<subcore_parallel>], iteration_bounds = array<i64: 2, 16>, scalar_prefetch = 0 : i64, scratch_operands = 21 : i64, tpu.core_type = #tpu.core_type<sc_vector_subcore>, window_params = [{transform_indices = #map}, {transform_indices = #map}, {transform_indices = #map}, {transform_indices = #map1}, {transform_indices = #map}, {transform_indices = #map}]} {
    %mul3A = arith.constant 2 : i32
    %mul3A_0 = arith.muli %mul3A, %arg1 : i32
    %add3A = arith.addi %mul3A_0, %arg0 : i32
    %iota3A = tpu.iota {dimensions = array<i32: 0>} : vector<16xi32>
    "tpu.region"() ({
      %run_scoped3A = tpu.sem_alloc : memref<!tpu.dma_semaphore, #tpu.memory_space<semaphore_mem>>
      tpu.enqueue_dma source(%arg5 : memref<16xi32, #tpu.memory_space<hbm>>) target(%arg10 : memref<16xi32, #tpu.memory_space<vmem>>) target_semaphore(%run_scoped3A : memref<!tpu.dma_semaphore, #tpu.memory_space<semaphore_mem>>)
      tpu.wait_dma2 semaphore(%run_scoped3A : memref<!tpu.dma_semaphore, #tpu.memory_space<semaphore_mem>>) src(%arg5 : memref<16xi32, #tpu.memory_space<hbm>>) dst(%arg10 : memref<16xi32, #tpu.memory_space<vmem>>)
      tpu.yield
    }) : () -> ()
    %eq3A = vector.broadcast %arg1 : i32 to vector<16xi32>
    %eq3A_1 = arith.cmpi eq, %iota3A, %eq3A : vector<16xi32>
    %get3A = arith.constant 0 : index
    %get3A_2 = tpu.vector_load %arg10[%get3A] {strides = array<i32>} : memref<16xi32, #tpu.memory_space<vmem>>, vector<16xi32>,
    %jit3A = arith.constant 0 : i32
    %broadcast_in_dim3A = vector.broadcast %jit3A : i32 to vector<16xi32>
    %select_n3A = arith.select %eq3A_1, %get3A_2, %broadcast_in_dim3A : vector<16xi1>, vector<16xi32>
    %reduce_sum3A = arith.constant true
    %reduce_sum3A_3 = vector.broadcast %reduce_sum3A : i1 to vector<16xi1>
    %reduce_sum3A_4 = tpu.scan <sum>, %select_n3A masked %reduce_sum3A_3 : vector<16xi32>, vector<16xi1> -> vector<16xi32>
    %reduce_sum3A_5 = vector.extract %reduce_sum3A_4[15] : i32 from vector<16xi32>
    %broadcast_in_dim3A_6 = arith.constant 0 : i32
    %broadcast_in_dim3A_7 = vector.broadcast %broadcast_in_dim3A_6 : i32 to vector<16xi32>
    %broadcast_in_dim3A_8 = arith.constant 0.000000e+00 : f32
    %broadcast_in_dim3A_9 = vector.broadcast %broadcast_in_dim3A_8 : f32 to vector<16xf32>
    "tpu.trace_start"() <{level = 10 : i32, message = "p0_init"}> : () -> ()
    %scan3A = arith.constant 0 : i32
    %scan3A_10 = arith.constant 0 : i32
    %scan3A_11 = arith.constant 1024 : i32
    %scan3A_12 = arith.addi %scan3A_10, %scan3A_11 : i32
    %scan3A_13 = arith.constant 1 : i32
    %scan3A_14 = scf.for %scan3A_108 = %scan3A_10 to %scan3A_12 step %scan3A_13 iter_args(%scan3A_109 = %scan3A) -> (i32)  : i32 {
      %jit3A_110 = arith.constant 16 : i32
      %div3A_111 = arith.divsi %scan3A_108, %jit3A_110 : i32
      %sign3A_112 = arith.constant 0 : i32
      %sign3A_113 = arith.cmpi sgt, %scan3A_108, %sign3A_112 : i32
      %sign3A_114 = arith.extui %sign3A_113 : i1 to i32
      %sign3A_115 = arith.constant 0 : i32
      %sign3A_116 = arith.cmpi slt, %scan3A_108, %sign3A_115 : i32
      %sign3A_117 = arith.extui %sign3A_116 : i1 to i32
      %sign3A_118 = arith.subi %sign3A_114, %sign3A_117 : i32
      %sign3A_119 = arith.constant 0 : i32
      %sign3A_120 = arith.cmpi sgt, %jit3A_110, %sign3A_119 : i32
      %sign3A_121 = arith.extui %sign3A_120 : i1 to i32
      %sign3A_122 = arith.constant 0 : i32
      %sign3A_123 = arith.cmpi slt, %jit3A_110, %sign3A_122 : i32
      %sign3A_124 = arith.extui %sign3A_123 : i1 to i32
      %sign3A_125 = arith.subi %sign3A_121, %sign3A_124 : i32
      %ne3A_126 = arith.cmpi ne, %sign3A_118, %sign3A_125 : i32
      %rem3A_127 = arith.remsi %scan3A_108, %jit3A_110 : i32
      %ne3A_128 = arith.constant 0 : i32
      %ne3A_129 = arith.cmpi ne, %rem3A_127, %ne3A_128 : i32
      %and3A_130 = arith.andi %ne3A_126, %ne3A_129 : i1
      %sub3A_131 = arith.constant 1 : i32
      %sub3A_132 = arith.subi %div3A_111, %sub3A_131 : i32
      %select_n3A_133 = arith.select %and3A_130, %sub3A_132, %div3A_111 : i32
      %jit3A_134 = arith.constant 16 : i32
      %eq3A_135 = arith.constant 0 : i32
      %eq3A_136 = arith.cmpi eq, %jit3A_134, %eq3A_135 : i32
      %jit3A_137 = arith.constant 1 : i32
      %select_n3A_138 = arith.select %eq3A_136, %jit3A_137, %jit3A_134 : i32
      %rem3A_139 = arith.remsi %scan3A_108, %select_n3A_138 : i32
      %ne3A_140 = arith.constant 0 : i32
      %ne3A_141 = arith.cmpi ne, %rem3A_139, %ne3A_140 : i32
      %lt3A = arith.constant 0 : i32
      %lt3A_142 = arith.cmpi slt, %rem3A_139, %lt3A : i32
      %lt3A_143 = arith.constant 0 : i32
      %lt3A_144 = arith.cmpi slt, %select_n3A_138, %lt3A_143 : i32
      %ne3A_145 = arith.xori %lt3A_142, %lt3A_144 : i1
      %and3A_146 = arith.andi %ne3A_145, %ne3A_141 : i1
      %add3A_147 = arith.addi %rem3A_139, %select_n3A_138 : i32
      %select_n3A_148 = arith.select %and3A_146, %add3A_147, %rem3A_139 : i32
      %mul3A_149 = arith.constant 16 : i32
      %mul3A_150 = arith.muli %select_n3A_148, %mul3A_149 : i32
      %swap3A = arith.index_cast %select_n3A_133 : i32 to index
      %swap3A_151 = arith.index_cast %mul3A_150 : i32 to index
      %swap3A_152 = tpu.vector_load %arg19[%swap3A, %swap3A_151] {strides = array<i32>} : memref<64x256xf32, #tpu.memory_space<vmem>>, vector<16xf32>,
      tpu.vector_store %arg19[%swap3A, %swap3A_151], %broadcast_in_dim3A_9 {strides = array<i32>} : memref<64x256xf32, #tpu.memory_space<vmem>>, vector<16xf32>,
      %scan3A_153 = arith.constant 0 : i32
      scf.yield %scan3A_153 : i32
    }
    %scan3A_15 = arith.constant 1024 : i32
    "tpu.trace_stop"() : () -> ()
    "tpu.trace_start"() <{level = 10 : i32, message = "p1_prepass"}> : () -> ()
    %scan3A_16 = arith.constant 0 : i32
    %scan3A_17 = arith.constant 0 : i32
    %scan3A_18 = arith.constant 16 : i32
    %scan3A_19 = arith.addi %scan3A_17, %scan3A_18 : i32
    %scan3A_20 = arith.constant 1 : i32
    %scan3A_21 = scf.for %scan3A_108 = %scan3A_17 to %scan3A_19 step %scan3A_20 iter_args(%scan3A_109 = %scan3A_16) -> (i32)  : i32 {
      "tpu.region"() ({
        %run_scoped3A = tpu.sem_alloc : memref<!tpu.dma_semaphore, #tpu.memory_space<semaphore_mem>>
        %dma_start3A = arith.constant 0 : i32
        %dma_start3A_144 = tpu.memref_slice %arg3[%scan3A_108, %dma_start3A] : memref<16x2048xi32, #tpu.memory_space<hbm>> -> memref<1x2048xi32, #tpu.memory_space<hbm>>
        %dma_start3A_145 = tpu.memref_squeeze %dma_start3A_144 : memref<1x2048xi32, #tpu.memory_space<hbm>> -> memref<2048xi32, #tpu.memory_space<hbm>>
        %dma_start3A_146 = arith.constant 0 : i32
        %dma_start3A_147 = tpu.memref_slice %arg3[%scan3A_108, %dma_start3A_146] : memref<16x2048xi32, #tpu.memory_space<hbm>> -> memref<1x2048xi32, #tpu.memory_space<hbm>>
        %dma_start3A_148 = tpu.memref_squeeze %dma_start3A_147 : memref<1x2048xi32, #tpu.memory_space<hbm>> -> memref<2048xi32, #tpu.memory_space<hbm>>
        tpu.enqueue_dma source(%dma_start3A_148 : memref<2048xi32, #tpu.memory_space<hbm>>) target(%arg8 : memref<2048xi32, #tpu.memory_space<vmem>>) target_semaphore(%run_scoped3A : memref<!tpu.dma_semaphore, #tpu.memory_space<semaphore_mem>>)
        %dma_wait3A = arith.constant 0 : i32
        %dma_wait3A_149 = tpu.memref_slice %arg3[%scan3A_108, %dma_wait3A] : memref<16x2048xi32, #tpu.memory_space<hbm>> -> memref<1x2048xi32, #tpu.memory_space<hbm>>
        %dma_wait3A_150 = tpu.memref_squeeze %dma_wait3A_149 : memref<1x2048xi32, #tpu.memory_space<hbm>> -> memref<2048xi32, #tpu.memory_space<hbm>>
        %dma_wait3A_151 = arith.constant 0 : i32
        %dma_wait3A_152 = tpu.memref_slice %arg3[%scan3A_108, %dma_wait3A_151] : memref<16x2048xi32, #tpu.memory_space<hbm>> -> memref<1x2048xi32, #tpu.memory_space<hbm>>
        %dma_wait3A_153 = tpu.memref_squeeze %dma_wait3A_152 : memref<1x2048xi32, #tpu.memory_space<hbm>> -> memref<2048xi32, #tpu.memory_space<hbm>>
        tpu.wait_dma2 semaphore(%run_scoped3A : memref<!tpu.dma_semaphore, #tpu.memory_space<semaphore_mem>>) src(%dma_wait3A_153 : memref<2048xi32, #tpu.memory_space<hbm>>) dst(%arg8 : memref<2048xi32, #tpu.memory_space<vmem>>)
        tpu.yield
      }) : () -> ()
      "tpu.region"() ({
        %run_scoped3A = tpu.sem_alloc : memref<!tpu.dma_semaphore, #tpu.memory_space<semaphore_mem>>
        %dma_start3A = arith.constant 0 : i32
        %dma_start3A_144 = tpu.memref_slice %arg4[%scan3A_108, %dma_start3A] : memref<16x2048xi32, #tpu.memory_space<hbm>> -> memref<1x2048xi32, #tpu.memory_space<hbm>>
        %dma_start3A_145 = tpu.memref_squeeze %dma_start3A_144 : memref<1x2048xi32, #tpu.memory_space<hbm>> -> memref<2048xi32, #tpu.memory_space<hbm>>
        %dma_start3A_146 = arith.constant 0 : i32
        %dma_start3A_147 = tpu.memref_slice %arg4[%scan3A_108, %dma_start3A_146] : memref<16x2048xi32, #tpu.memory_space<hbm>> -> memref<1x2048xi32, #tpu.memory_space<hbm>>
        %dma_start3A_148 = tpu.memref_squeeze %dma_start3A_147 : memref<1x2048xi32, #tpu.memory_space<hbm>> -> memref<2048xi32, #tpu.memory_space<hbm>>
        tpu.enqueue_dma source(%dma_start3A_148 : memref<2048xi32, #tpu.memory_space<hbm>>) target(%arg9 : memref<2048xi32, #tpu.memory_space<vmem>>) target_semaphore(%run_scoped3A : memref<!tpu.dma_semaphore, #tpu.memory_space<semaphore_mem>>)
        %dma_wait3A = arith.constant 0 : i32
        %dma_wait3A_149 = tpu.memref_slice %arg4[%scan3A_108, %dma_wait3A] : memref<16x2048xi32, #tpu.memory_space<hbm>> -> memref<1x2048xi32, #tpu.memory_space<hbm>>
        %dma_wait3A_150 = tpu.memref_squeeze %dma_wait3A_149 : memref<1x2048xi32, #tpu.memory_space<hbm>> -> memref<2048xi32, #tpu.memory_space<hbm>>
        %dma_wait3A_151 = arith.constant 0 : i32
        %dma_wait3A_152 = tpu.memref_slice %arg4[%scan3A_108, %dma_wait3A_151] : memref<16x2048xi32, #tpu.memory_space<hbm>> -> memref<1x2048xi32, #tpu.memory_space<hbm>>
        %dma_wait3A_153 = tpu.memref_squeeze %dma_wait3A_152 : memref<1x2048xi32, #tpu.memory_space<hbm>> -> memref<2048xi32, #tpu.memory_space<hbm>>
        tpu.wait_dma2 semaphore(%run_scoped3A : memref<!tpu.dma_semaphore, #tpu.memory_space<semaphore_mem>>) src(%dma_wait3A_153 : memref<2048xi32, #tpu.memory_space<hbm>>) dst(%arg9 : memref<2048xi32, #tpu.memory_space<vmem>>)
        tpu.yield
      }) : () -> ()
      %eq3A_110 = vector.broadcast %scan3A_108 : i32 to vector<16xi32>
      %eq3A_111 = arith.cmpi eq, %iota3A, %eq3A_110 : vector<16xi32>
      %get3A_112 = arith.constant 0 : index
      %get3A_113 = tpu.vector_load %arg10[%get3A_112] {strides = array<i32>} : memref<16xi32, #tpu.memory_space<vmem>>, vector<16xi32>,
      %jit3A_114 = arith.constant 0 : i32
      %broadcast_in_dim3A_115 = vector.broadcast %jit3A_114 : i32 to vector<16xi32>
      %select_n3A_116 = arith.select %eq3A_111, %get3A_113, %broadcast_in_dim3A_115 : vector<16xi1>, vector<16xi32>
      %reduce_sum3A_117 = arith.constant true
      %reduce_sum3A_118 = vector.broadcast %reduce_sum3A_117 : i1 to vector<16xi1>
      %reduce_sum3A_119 = tpu.scan <sum>, %select_n3A_116 masked %reduce_sum3A_118 : vector<16xi32>, vector<16xi1> -> vector<16xi32>
      %reduce_sum3A_120 = vector.extract %reduce_sum3A_119[15] : i32 from vector<16xi32>
      %scan3A_121 = arith.constant 0 : i32
      %scan3A_122 = arith.constant 128 : i32
      %scan3A_123 = arith.addi %scan3A_121, %scan3A_122 : i32
      %scan3A_124 = arith.constant 1 : i32
      %scan3A_125 = scf.for %scan3A_144 = %scan3A_121 to %scan3A_123 step %scan3A_124 iter_args(%scan3A_145 = %broadcast_in_dim3A_7) -> (vector<16xi32>)  : i32 {
        %mul3A_146 = arith.constant 16 : i32
        %mul3A_147 = arith.muli %scan3A_144, %mul3A_146 : i32
        %add3A_148 = vector.broadcast %mul3A_147 : i32 to vector<16xi32>
        %add3A_149 = arith.addi %add3A_148, %iota3A : vector<16xi32>
        %lt3A = vector.broadcast %reduce_sum3A_120 : i32 to vector<16xi32>
        %lt3A_150 = arith.cmpi slt, %add3A_149, %lt3A : vector<16xi32>
        %mul3A_151 = arith.constant 16 : i32
        %mul3A_152 = arith.muli %scan3A_144, %mul3A_151 : i32
        %get3A_153 = arith.index_cast %mul3A_152 : i32 to index
        %get3A_154 = tpu.vector_load %arg8[%get3A_153] {strides = array<i32>} : memref<2048xi32, #tpu.memory_space<vmem>>, vector<16xi32>,
        %jit3A_155 = arith.constant 0 : i32
        %broadcast_in_dim3A_156 = vector.broadcast %jit3A_155 : i32 to vector<16xi32>
        %select_n3A_157 = arith.select %lt3A_150, %get3A_154, %broadcast_in_dim3A_156 : vector<16xi1>, vector<16xi32>
        %max3A = arith.constant 1 : i32
        %max3A_158 = vector.broadcast %max3A : i32 to vector<16xi32>
        %max3A_159 = arith.maxsi %select_n3A_157, %max3A_158 : vector<16xi32>
        %mul3A_160 = arith.constant 16 : i32
        %mul3A_161 = arith.muli %scan3A_144, %mul3A_160 : i32
        %get3A_162 = arith.index_cast %mul3A_161 : i32 to index
        %get3A_163 = tpu.vector_load %arg9[%get3A_162] {strides = array<i32>} : memref<2048xi32, #tpu.memory_space<vmem>>, vector<16xi32>,
        %jit3A_164 = arith.constant 0 : i32
        %broadcast_in_dim3A_165 = vector.broadcast %jit3A_164 : i32 to vector<16xi32>
        %select_n3A_166 = arith.select %lt3A_150, %get3A_163, %broadcast_in_dim3A_165 : vector<16xi1>, vector<16xi32>
        %add3A_167 = arith.addi %scan3A_145, %max3A_159 : vector<16xi32>
        %add3A_168 = arith.addi %add3A_167, %select_n3A_166 : vector<16xi32>
        scf.yield %add3A_168 : vector<16xi32>
      }
      %scan3A_126 = arith.constant 128 : i32
      %reduce_sum3A_127 = arith.constant true
      %reduce_sum3A_128 = vector.broadcast %reduce_sum3A_127 : i1 to vector<16xi1>
      %reduce_sum3A_129 = tpu.scan <sum>, %scan3A_125 masked %reduce_sum3A_128 : vector<16xi32>, vector<16xi1> -> vector<16xi32>
      %reduce_sum3A_130 = vector.extract %reduce_sum3A_129[15] : i32 from vector<16xi32>
      %eq3A_131 = vector.broadcast %scan3A_108 : i32 to vector<16xi32>
      %eq3A_132 = arith.cmpi eq, %iota3A, %eq3A_131 : vector<16xi32>
      %broadcast_in_dim3A_133 = vector.broadcast %reduce_sum3A_130 : i32 to vector<16xi32>
      %get3A_134 = arith.constant 0 : index
      %get3A_135 = tpu.vector_load %arg12[%get3A_134] {strides = array<i32>} : memref<16xi32, #tpu.memory_space<vmem>>, vector<16xi32>,
      %select_n3A_136 = arith.select %eq3A_132, %broadcast_in_dim3A_133, %get3A_135 : vector<16xi1>, vector<16xi32>
      %swap3A = arith.constant 0 : index
      %swap3A_137 = tpu.vector_load %arg12[%swap3A] {strides = array<i32>} : memref<16xi32, #tpu.memory_space<vmem>>, vector<16xi32>,
      tpu.vector_store %arg12[%swap3A], %select_n3A_136 {strides = array<i32>} : memref<16xi32, #tpu.memory_space<vmem>>, vector<16xi32>,
      %eq3A_138 = arith.cmpi eq, %scan3A_108, %arg1 : i32
      %eq3A_139 = arith.constant 0 : i32
      %eq3A_140 = arith.cmpi eq, %arg0, %eq3A_139 : i32
      %and3A_141 = arith.andi %eq3A_138, %eq3A_140 : i1
      %convert_element_type3A = arith.extui %and3A_141 : i1 to i32
      %cond3A = arith.constant 0 : i32
      %cond3A_142 = arith.cmpi ne, %convert_element_type3A, %cond3A : i32
      scf.if %cond3A_142 {
        %broadcast_in_dim3A_144 = vector.broadcast %reduce_sum3A_130 : i32 to vector<16xi32>
        %swap3A_145 = arith.constant 0 : index
        %swap3A_146 = tpu.vector_load %arg11[%swap3A_145] {strides = array<i32>} : memref<16xi32, #tpu.memory_space<vmem>>, vector<16xi32>,
        tpu.vector_store %arg11[%swap3A_145], %broadcast_in_dim3A_144 {strides = array<i32>} : memref<16xi32, #tpu.memory_space<vmem>>, vector<16xi32>,
        "tpu.region"() ({
          %run_scoped3A = tpu.sem_alloc : memref<!tpu.dma_semaphore, #tpu.memory_space<semaphore_mem>>
          %dma_start3A = arith.constant 0 : i32
          %dma_start3A_147 = tpu.memref_slice %arg7[%arg1, %dma_start3A] : memref<16x16xi32, #tpu.memory_space<hbm>> -> memref<1x16xi32, #tpu.memory_space<hbm>>
          %dma_start3A_148 = tpu.memref_squeeze %dma_start3A_147 : memref<1x16xi32, #tpu.memory_space<hbm>> -> memref<16xi32, #tpu.memory_space<hbm>>
          %dma_start3A_149 = arith.constant 0 : i32
          %dma_start3A_150 = tpu.memref_slice %arg7[%arg1, %dma_start3A_149] : memref<16x16xi32, #tpu.memory_space<hbm>> -> memref<1x16xi32, #tpu.memory_space<hbm>>
          %dma_start3A_151 = tpu.memref_squeeze %dma_start3A_150 : memref<1x16xi32, #tpu.memory_space<hbm>> -> memref<16xi32, #tpu.memory_space<hbm>>
          tpu.enqueue_dma source(%arg11 : memref<16xi32, #tpu.memory_space<vmem>>) target(%dma_start3A_151 : memref<16xi32, #tpu.memory_space<hbm>>) target_semaphore(%run_scoped3A : memref<!tpu.dma_semaphore, #tpu.memory_space<semaphore_mem>>)
          %dma_wait3A = arith.constant 0 : i32
          %dma_wait3A_152 = tpu.memref_slice %arg7[%arg1, %dma_wait3A] : memref<16x16xi32, #tpu.memory_space<hbm>> -> memref<1x16xi32, #tpu.memory_space<hbm>>
          %dma_wait3A_153 = tpu.memref_squeeze %dma_wait3A_152 : memref<1x16xi32, #tpu.memory_space<hbm>> -> memref<16xi32, #tpu.memory_space<hbm>>
          %dma_wait3A_154 = arith.constant 0 : i32
          %dma_wait3A_155 = tpu.memref_slice %arg7[%arg1, %dma_wait3A_154] : memref<16x16xi32, #tpu.memory_space<hbm>> -> memref<1x16xi32, #tpu.memory_space<hbm>>
          %dma_wait3A_156 = tpu.memref_squeeze %dma_wait3A_155 : memref<1x16xi32, #tpu.memory_space<hbm>> -> memref<16xi32, #tpu.memory_space<hbm>>
          tpu.wait_dma2 semaphore(%run_scoped3A : memref<!tpu.dma_semaphore, #tpu.memory_space<semaphore_mem>>) src(%arg11 : memref<16xi32, #tpu.memory_space<vmem>>) dst(%dma_wait3A_156 : memref<16xi32, #tpu.memory_space<hbm>>)
          tpu.yield
        }) : () -> ()
      } else {
      }
      %scan3A_143 = arith.constant 0 : i32
      scf.yield %scan3A_143 : i32
    }
    %scan3A_22 = arith.constant 16 : i32
    %scan3A_23 = arith.constant 0 : i32
    %scan3A_24 = arith.constant 0 : i32
    %scan3A_25 = arith.constant 0 : i32
    %scan3A_26 = arith.constant 16 : i32
    %scan3A_27 = arith.addi %scan3A_25, %scan3A_26 : i32
    %scan3A_28 = arith.constant 1 : i32
    %scan3A_29:2 = scf.for %scan3A_108 = %scan3A_25 to %scan3A_27 step %scan3A_28 iter_args(%scan3A_109 = %scan3A_23, %scan3A_110 = %scan3A_24) -> (i32, i32)  : i32 {
      %eq3A_111 = vector.broadcast %scan3A_108 : i32 to vector<16xi32>
      %eq3A_112 = arith.cmpi eq, %iota3A, %eq3A_111 : vector<16xi32>
      %get3A_113 = arith.constant 0 : index
      %get3A_114 = tpu.vector_load %arg12[%get3A_113] {strides = array<i32>} : memref<16xi32, #tpu.memory_space<vmem>>, vector<16xi32>,
      %jit3A_115 = arith.constant 0 : i32
      %broadcast_in_dim3A_116 = vector.broadcast %jit3A_115 : i32 to vector<16xi32>
      %select_n3A_117 = arith.select %eq3A_112, %get3A_114, %broadcast_in_dim3A_116 : vector<16xi1>, vector<16xi32>
      %reduce_max3A = arith.constant true
      %reduce_max3A_118 = vector.broadcast %reduce_max3A : i1 to vector<16xi1>
      %reduce_max3A_119 = arith.constant -2147483648 : i32
      %reduce_max3A_120 = vector.broadcast %reduce_max3A_119 : i32 to vector<16xi32>
      %reduce_max3A_121 = arith.xori %select_n3A_117, %reduce_max3A_120 : vector<16xi32>
      %reduce_max3A_122 = tpu.scan <max>, %reduce_max3A_121 masked %reduce_max3A_118 : vector<16xi32>, vector<16xi1> -> vector<16xi32>
      %reduce_max3A_123 = arith.xori %reduce_max3A_122, %reduce_max3A_120 : vector<16xi32>
      %reduce_max3A_124 = vector.extract %reduce_max3A_123[15] : i32 from vector<16xi32>
      %jit3A_125 = arith.constant 0 : i32
      %jit3A_126 = arith.constant 8192 : i32
      %max3A = arith.maxsi %jit3A_125, %reduce_max3A_124 : i32
      %min3A_127 = arith.minsi %jit3A_126, %max3A : i32
      %add3A_128 = arith.constant 64 : i32
      %add3A_129 = arith.addi %min3A_127, %add3A_128 : i32
      %sub3A_130 = arith.constant 1 : i32
      %sub3A_131 = arith.subi %add3A_129, %sub3A_130 : i32
      %jit3A_132 = arith.constant 64 : i32
      %div3A_133 = arith.divsi %sub3A_131, %jit3A_132 : i32
      %sign3A_134 = arith.constant 0 : i32
      %sign3A_135 = arith.cmpi sgt, %sub3A_131, %sign3A_134 : i32
      %sign3A_136 = arith.extui %sign3A_135 : i1 to i32
      %sign3A_137 = arith.constant 0 : i32
      %sign3A_138 = arith.cmpi slt, %sub3A_131, %sign3A_137 : i32
      %sign3A_139 = arith.extui %sign3A_138 : i1 to i32
      %sign3A_140 = arith.subi %sign3A_136, %sign3A_139 : i32
      %sign3A_141 = arith.constant 0 : i32
      %sign3A_142 = arith.cmpi sgt, %jit3A_132, %sign3A_141 : i32
      %sign3A_143 = arith.extui %sign3A_142 : i1 to i32
      %sign3A_144 = arith.constant 0 : i32
      %sign3A_145 = arith.cmpi slt, %jit3A_132, %sign3A_144 : i32
      %sign3A_146 = arith.extui %sign3A_145 : i1 to i32
      %sign3A_147 = arith.subi %sign3A_143, %sign3A_146 : i32
      %ne3A_148 = arith.cmpi ne, %sign3A_140, %sign3A_147 : i32
      %rem3A_149 = arith.remsi %sub3A_131, %jit3A_132 : i32
      %ne3A_150 = arith.constant 0 : i32
      %ne3A_151 = arith.cmpi ne, %rem3A_149, %ne3A_150 : i32
      %and3A_152 = arith.andi %ne3A_148, %ne3A_151 : i1
      %sub3A_153 = arith.constant 1 : i32
      %sub3A_154 = arith.subi %div3A_133, %sub3A_153 : i32
      %select_n3A_155 = arith.select %and3A_152, %sub3A_154, %div3A_133 : i32
      %add3A_156 = arith.addi %scan3A_109, %select_n3A_155 : i32
      %sub3A_157 = arith.constant 128 : i32
      %sub3A_158 = arith.subi %sub3A_157, %select_n3A_155 : i32
      %add3A_159 = arith.addi %scan3A_110, %sub3A_158 : i32
      scf.yield %add3A_156, %add3A_159 : i32, i32
    }
    %scan3A_30 = arith.constant 16 : i32
    %add3A_31 = arith.constant 32 : i32
    %add3A_32 = arith.addi %scan3A_29#0, %add3A_31 : i32
    %sub3A = arith.constant 1 : i32
    %sub3A_33 = arith.subi %add3A_32, %sub3A : i32
    %jit3A_34 = arith.constant 32 : i32
    %div3A = arith.divsi %sub3A_33, %jit3A_34 : i32
    %sign3A = arith.constant 0 : i32
    %sign3A_35 = arith.cmpi sgt, %sub3A_33, %sign3A : i32
    %sign3A_36 = arith.extui %sign3A_35 : i1 to i32
    %sign3A_37 = arith.constant 0 : i32
    %sign3A_38 = arith.cmpi slt, %sub3A_33, %sign3A_37 : i32
    %sign3A_39 = arith.extui %sign3A_38 : i1 to i32
    %sign3A_40 = arith.subi %sign3A_36, %sign3A_39 : i32
    %sign3A_41 = arith.constant 0 : i32
    %sign3A_42 = arith.cmpi sgt, %jit3A_34, %sign3A_41 : i32
    %sign3A_43 = arith.extui %sign3A_42 : i1 to i32
    %sign3A_44 = arith.constant 0 : i32
    %sign3A_45 = arith.cmpi slt, %jit3A_34, %sign3A_44 : i32
    %sign3A_46 = arith.extui %sign3A_45 : i1 to i32
    %sign3A_47 = arith.subi %sign3A_43, %sign3A_46 : i32
    %ne3A = arith.cmpi ne, %sign3A_40, %sign3A_47 : i32
    %rem3A = arith.remsi %sub3A_33, %jit3A_34 : i32
    %ne3A_48 = arith.constant 0 : i32
    %ne3A_49 = arith.cmpi ne, %rem3A, %ne3A_48 : i32
    %and3A = arith.andi %ne3A, %ne3A_49 : i1
    %sub3A_50 = arith.constant 1 : i32
    %sub3A_51 = arith.subi %div3A, %sub3A_50 : i32
    %select_n3A_52 = arith.select %and3A, %sub3A_51, %div3A : i32
    %mul3A_53 = arith.muli %add3A, %select_n3A_52 : i32
    %min3A = arith.minsi %mul3A_53, %scan3A_29#0 : i32
    %add3A_54 = arith.addi %min3A, %select_n3A_52 : i32
    %min3A_55 = arith.minsi %add3A_54, %scan3A_29#0 : i32
    %add3A_56 = arith.constant 32 : i32
    %add3A_57 = arith.addi %scan3A_29#1, %add3A_56 : i32
    %sub3A_58 = arith.constant 1 : i32
    %sub3A_59 = arith.subi %add3A_57, %sub3A_58 : i32
    %jit3A_60 = arith.constant 32 : i32
    %div3A_61 = arith.divsi %sub3A_59, %jit3A_60 : i32
    %sign3A_62 = arith.constant 0 : i32
    %sign3A_63 = arith.cmpi sgt, %sub3A_59, %sign3A_62 : i32
    %sign3A_64 = arith.extui %sign3A_63 : i1 to i32
    %sign3A_65 = arith.constant 0 : i32
    %sign3A_66 = arith.cmpi slt, %sub3A_59, %sign3A_65 : i32
    %sign3A_67 = arith.extui %sign3A_66 : i1 to i32
    %sign3A_68 = arith.subi %sign3A_64, %sign3A_67 : i32
    %sign3A_69 = arith.constant 0 : i32
    %sign3A_70 = arith.cmpi sgt, %jit3A_60, %sign3A_69 : i32
    %sign3A_71 = arith.extui %sign3A_70 : i1 to i32
    %sign3A_72 = arith.constant 0 : i32
    %sign3A_73 = arith.cmpi slt, %jit3A_60, %sign3A_72 : i32
    %sign3A_74 = arith.extui %sign3A_73 : i1 to i32
    %sign3A_75 = arith.subi %sign3A_71, %sign3A_74 : i32
    %ne3A_76 = arith.cmpi ne, %sign3A_68, %sign3A_75 : i32
    %rem3A_77 = arith.remsi %sub3A_59, %jit3A_60 : i32
    %ne3A_78 = arith.constant 0 : i32
    %ne3A_79 = arith.cmpi ne, %rem3A_77, %ne3A_78 : i32
    %and3A_80 = arith.andi %ne3A_76, %ne3A_79 : i1
    %sub3A_81 = arith.constant 1 : i32
    %sub3A_82 = arith.subi %div3A_61, %sub3A_81 : i32
    %select_n3A_83 = arith.select %and3A_80, %sub3A_82, %div3A_61 : i32
    %mul3A_84 = arith.muli %add3A, %select_n3A_83 : i32
    %min3A_85 = arith.minsi %mul3A_84, %scan3A_29#1 : i32
    %add3A_86 = arith.addi %min3A_85, %select_n3A_83 : i32
    %min3A_87 = arith.minsi %add3A_86, %scan3A_29#1 : i32
    "tpu.trace_stop"() : () -> ()
    "tpu.trace_start"() <{level = 10 : i32, message = "p3_batches"}> : () -> ()
    %scan3A_88 = arith.constant 0 : i32
    %scan3A_89 = arith.constant 0 : i32
    %scan3A_90 = arith.constant 0 : i32
    %scan3A_91 = arith.constant 16 : i32
    %scan3A_92 = arith.addi %scan3A_90, %scan3A_91 : i32
    %scan3A_93 = arith.constant 1 : i32
    %scan3A_94:2 = scf.for %scan3A_108 = %scan3A_90 to %scan3A_92 step %scan3A_93 iter_args(%scan3A_109 = %scan3A_88, %scan3A_110 = %scan3A_89) -> (i32, i32)  : i32 {
      %eq3A_111 = vector.broadcast %scan3A_108 : i32 to vector<16xi32>
      %eq3A_112 = arith.cmpi eq, %iota3A, %eq3A_111 : vector<16xi32>
      %get3A_113 = arith.constant 0 : index
      %get3A_114 = tpu.vector_load %arg12[%get3A_113] {strides = array<i32>} : memref<16xi32, #tpu.memory_space<vmem>>, vector<16xi32>,
      %jit3A_115 = arith.constant 0 : i32
      %broadcast_in_dim3A_116 = vector.broadcast %jit3A_115 : i32 to vector<16xi32>
      %select_n3A_117 = arith.select %eq3A_112, %get3A_114, %broadcast_in_dim3A_116 : vector<16xi1>, vector<16xi32>
      %reduce_max3A = arith.constant true
      %reduce_max3A_118 = vector.broadcast %reduce_max3A : i1 to vector<16xi1>
      %reduce_max3A_119 = arith.constant -2147483648 : i32
      %reduce_max3A_120 = vector.broadcast %reduce_max3A_119 : i32 to vector<16xi32>
      %reduce_max3A_121 = arith.xori %select_n3A_117, %reduce_max3A_120 : vector<16xi32>
      %reduce_max3A_122 = tpu.scan <max>, %reduce_max3A_121 masked %reduce_max3A_118 : vector<16xi32>, vector<16xi1> -> vector<16xi32>
      %reduce_max3A_123 = arith.xori %reduce_max3A_122, %reduce_max3A_120 : vector<16xi32>
      %reduce_max3A_124 = vector.extract %reduce_max3A_123[15] : i32 from vector<16xi32>
      %jit3A_125 = arith.constant 0 : i32
      %jit3A_126 = arith.constant 8192 : i32
      %max3A = arith.maxsi %jit3A_125, %reduce_max3A_124 : i32
      %min3A_127 = arith.minsi %jit3A_126, %max3A : i32
      %add3A_128 = arith.constant 64 : i32
      %add3A_129 = arith.addi %min3A_127, %add3A_128 : i32
      %sub3A_130 = arith.constant 1 : i32
      %sub3A_131 = arith.subi %add3A_129, %sub3A_130 : i32
      %jit3A_132 = arith.constant 64 : i32
      %div3A_133 = arith.divsi %sub3A_131, %jit3A_132 : i32
      %sign3A_134 = arith.constant 0 : i32
      %sign3A_135 = arith.cmpi sgt, %sub3A_131, %sign3A_134 : i32
      %sign3A_136 = arith.extui %sign3A_135 : i1 to i32
      %sign3A_137 = arith.constant 0 : i32
      %sign3A_138 = arith.cmpi slt, %sub3A_131, %sign3A_137 : i32
      %sign3A_139 = arith.extui %sign3A_138 : i1 to i32
      %sign3A_140 = arith.subi %sign3A_136, %sign3A_139 : i32
      %sign3A_141 = arith.constant 0 : i32
      %sign3A_142 = arith.cmpi sgt, %jit3A_132, %sign3A_141 : i32
      %sign3A_143 = arith.extui %sign3A_142 : i1 to i32
      %sign3A_144 = arith.constant 0 : i32
      %sign3A_145 = arith.cmpi slt, %jit3A_132, %sign3A_144 : i32
      %sign3A_146 = arith.extui %sign3A_145 : i1 to i32
      %sign3A_147 = arith.subi %sign3A_143, %sign3A_146 : i32
      %ne3A_148 = arith.cmpi ne, %sign3A_140, %sign3A_147 : i32
      %rem3A_149 = arith.remsi %sub3A_131, %jit3A_132 : i32
      %ne3A_150 = arith.constant 0 : i32
      %ne3A_151 = arith.cmpi ne, %rem3A_149, %ne3A_150 : i32
      %and3A_152 = arith.andi %ne3A_148, %ne3A_151 : i1
      %sub3A_153 = arith.constant 1 : i32
      %sub3A_154 = arith.subi %div3A_133, %sub3A_153 : i32
      %select_n3A_155 = arith.select %and3A_152, %sub3A_154, %div3A_133 : i32
      %max3A_156 = arith.maxsi %min3A, %scan3A_109 : i32
      %add3A_157 = arith.addi %scan3A_109, %select_n3A_155 : i32
      %min3A_158 = arith.minsi %min3A_55, %add3A_157 : i32
      %gt3A = arith.cmpi sgt, %min3A_158, %max3A_156 : i32
      %convert_element_type3A = arith.extui %gt3A : i1 to i32
      %cond3A = arith.constant 0 : i32
      %cond3A_159 = arith.cmpi ne, %convert_element_type3A, %cond3A : i32
      scf.if %cond3A_159 {
        %sub3A_171 = arith.subi %max3A_156, %scan3A_109 : i32
        %mul3A_172 = arith.constant 64 : i32
        %mul3A_173 = arith.muli %sub3A_171, %mul3A_172 : i32
        %sub3A_174 = arith.subi %min3A_158, %max3A_156 : i32
        %add3A_175 = arith.addi %scan3A_109, %select_n3A_155 : i32
        %eq3A_176 = arith.cmpi eq, %min3A_158, %add3A_175 : i32
        %mul3A_177 = arith.constant 8192 : i32
        %mul3A_178 = arith.muli %scan3A_108, %mul3A_177 : i32
        %add3A_179 = arith.addi %mul3A_178, %mul3A_173 : i32
        "tpu.region"() ({
          %run_scoped3A = tpu.sem_alloc : memref<!tpu.dma_semaphore, #tpu.memory_space<semaphore_mem>>
          %dma_start3A_300 = arith.constant 0 : i32
          %dma_start3A_301 = tpu.memref_slice %arg3[%scan3A_108, %dma_start3A_300] : memref<16x2048xi32, #tpu.memory_space<hbm>> -> memref<1x2048xi32, #tpu.memory_space<hbm>>
          %dma_start3A_302 = tpu.memref_squeeze %dma_start3A_301 : memref<1x2048xi32, #tpu.memory_space<hbm>> -> memref<2048xi32, #tpu.memory_space<hbm>>
          %dma_start3A_303 = arith.constant 0 : i32
          %dma_start3A_304 = tpu.memref_slice %arg3[%scan3A_108, %dma_start3A_303] : memref<16x2048xi32, #tpu.memory_space<hbm>> -> memref<1x2048xi32, #tpu.memory_space<hbm>>
          %dma_start3A_305 = tpu.memref_squeeze %dma_start3A_304 : memref<1x2048xi32, #tpu.memory_space<hbm>> -> memref<2048xi32, #tpu.memory_space<hbm>>
          tpu.enqueue_dma source(%dma_start3A_305 : memref<2048xi32, #tpu.memory_space<hbm>>) target(%arg8 : memref<2048xi32, #tpu.memory_space<vmem>>) target_semaphore(%run_scoped3A : memref<!tpu.dma_semaphore, #tpu.memory_space<semaphore_mem>>)
          %dma_wait3A = arith.constant 0 : i32
          %dma_wait3A_306 = tpu.memref_slice %arg3[%scan3A_108, %dma_wait3A] : memref<16x2048xi32, #tpu.memory_space<hbm>> -> memref<1x2048xi32, #tpu.memory_space<hbm>>
          %dma_wait3A_307 = tpu.memref_squeeze %dma_wait3A_306 : memref<1x2048xi32, #tpu.memory_space<hbm>> -> memref<2048xi32, #tpu.memory_space<hbm>>
          %dma_wait3A_308 = arith.constant 0 : i32
          %dma_wait3A_309 = tpu.memref_slice %arg3[%scan3A_108, %dma_wait3A_308] : memref<16x2048xi32, #tpu.memory_space<hbm>> -> memref<1x2048xi32, #tpu.memory_space<hbm>>
          %dma_wait3A_310 = tpu.memref_squeeze %dma_wait3A_309 : memref<1x2048xi32, #tpu.memory_space<hbm>> -> memref<2048xi32, #tpu.memory_space<hbm>>
          tpu.wait_dma2 semaphore(%run_scoped3A : memref<!tpu.dma_semaphore, #tpu.memory_space<semaphore_mem>>) src(%dma_wait3A_310 : memref<2048xi32, #tpu.memory_space<hbm>>) dst(%arg8 : memref<2048xi32, #tpu.memory_space<vmem>>)
          tpu.yield
        }) : () -> ()
        "tpu.region"() ({
          %run_scoped3A = tpu.sem_alloc : memref<!tpu.dma_semaphore, #tpu.memory_space<semaphore_mem>>
          %dma_start3A_300 = arith.constant 0 : i32
          %dma_start3A_301 = tpu.memref_slice %arg4[%scan3A_108, %dma_start3A_300] : memref<16x2048xi32, #tpu.memory_space<hbm>> -> memref<1x2048xi32, #tpu.memory_space<hbm>>
          %dma_start3A_302 = tpu.memref_squeeze %dma_start3A_301 : memref<1x2048xi32, #tpu.memory_space<hbm>> -> memref<2048xi32, #tpu.memory_space<hbm>>
          %dma_start3A_303 = arith.constant 0 : i32
          %dma_start3A_304 = tpu.memref_slice %arg4[%scan3A_108, %dma_start3A_303] : memref<16x2048xi32, #tpu.memory_space<hbm>> -> memref<1x2048xi32, #tpu.memory_space<hbm>>
          %dma_start3A_305 = tpu.memref_squeeze %dma_start3A_304 : memref<1x2048xi32, #tpu.memory_space<hbm>> -> memref<2048xi32, #tpu.memory_space<hbm>>
          tpu.enqueue_dma source(%dma_start3A_305 : memref<2048xi32, #tpu.memory_space<hbm>>) target(%arg9 : memref<2048xi32, #tpu.memory_space<vmem>>) target_semaphore(%run_scoped3A : memref<!tpu.dma_semaphore, #tpu.memory_space<semaphore_mem>>)
          %dma_wait3A = arith.constant 0 : i32
          %dma_wait3A_306 = tpu.memref_slice %arg4[%scan3A_108, %dma_wait3A] : memref<16x2048xi32, #tpu.memory_space<hbm>> -> memref<1x2048xi32, #tpu.memory_space<hbm>>
          %dma_wait3A_307 = tpu.memref_squeeze %dma_wait3A_306 : memref<1x2048xi32, #tpu.memory_space<hbm>> -> memref<2048xi32, #tpu.memory_space<hbm>>
          %dma_wait3A_308 = arith.constant 0 : i32
          %dma_wait3A_309 = tpu.memref_slice %arg4[%scan3A_108, %dma_wait3A_308] : memref<16x2048xi32, #tpu.memory_space<hbm>> -> memref<1x2048xi32, #tpu.memory_space<hbm>>
          %dma_wait3A_310 = tpu.memref_squeeze %dma_wait3A_309 : memref<1x2048xi32, #tpu.memory_space<hbm>> -> memref<2048xi32, #tpu.memory_space<hbm>>
          tpu.wait_dma2 semaphore(%run_scoped3A : memref<!tpu.dma_semaphore, #tpu.memory_space<semaphore_mem>>) src(%dma_wait3A_310 : memref<2048xi32, #tpu.memory_space<hbm>>) dst(%arg9 : memref<2048xi32, #tpu.memory_space<vmem>>)
          tpu.yield
        }) : () -> ()
        %eq3A_180 = vector.broadcast %scan3A_108 : i32 to vector<16xi32>
        %eq3A_181 = arith.cmpi eq, %iota3A, %eq3A_180 : vector<16xi32>
        %get3A_182 = arith.constant 0 : index
        %get3A_183 = tpu.vector_load %arg10[%get3A_182] {strides = array<i32>} : memref<16xi32, #tpu.memory_space<vmem>>, vector<16xi32>,
        %jit3A_184 = arith.constant 0 : i32
        %broadcast_in_dim3A_185 = vector.broadcast %jit3A_184 : i32 to vector<16xi32>
        %select_n3A_186 = arith.select %eq3A_181, %get3A_183, %broadcast_in_dim3A_185 : vector<16xi1>, vector<16xi32>
        %reduce_sum3A_187 = arith.constant true
        %reduce_sum3A_188 = vector.broadcast %reduce_sum3A_187 : i1 to vector<16xi1>
        %reduce_sum3A_189 = tpu.scan <sum>, %select_n3A_186 masked %reduce_sum3A_188 : vector<16xi32>, vector<16xi1> -> vector<16xi32>
        %reduce_sum3A_190 = vector.extract %reduce_sum3A_189[15] : i32 from vector<16xi32>
        %mul3A_191 = arith.constant 64 : i32
        %mul3A_192 = arith.muli %sub3A_174, %mul3A_191 : i32
        %mul3A_193 = arith.constant 4 : i32
        %mul3A_194 = arith.muli %sub3A_174, %mul3A_193 : i32
        %while3A_195 = arith.constant 0 : i32
        %while3A_196 = arith.constant 0 : i32
        %while3A_197 = arith.subi %mul3A_194, %while3A_195 : i32
        %while3A_198 = arith.addi %while3A_195, %while3A_197 : i32
        %while3A_199 = arith.constant 1 : i32
        %while3A_200 = arith.divsi %while3A_197, %while3A_199 : i32
        %while3A_201 = arith.muli %while3A_200, %while3A_199 : i32
        %while3A_202 = arith.addi %while3A_195, %while3A_201 : i32
        %while3A_203 = arith.constant 1 : i32
        %while3A_204 = scf.for %while3A_300 = %while3A_195 to %while3A_202 step %while3A_203 iter_args(%while3A_301 = %while3A_196) -> (i32)  : i32 {
          %mul3A_302 = arith.constant 16 : i32
          %mul3A_303 = arith.muli %while3A_300, %mul3A_302 : i32
          %swap3A = arith.index_cast %mul3A_303 : i32 to index
          %swap3A_304 = tpu.vector_load %arg13[%swap3A] {strides = array<i32>} : memref<4096xi32, #tpu.memory_space<vmem>>, vector<16xi32>,
          tpu.vector_store %arg13[%swap3A], %broadcast_in_dim3A_7 {strides = array<i32>} : memref<4096xi32, #tpu.memory_space<vmem>>, vector<16xi32>,
          %while3A_305 = arith.constant 0 : i32
          scf.yield %while3A_305 : i32
        }
        %while3A_205 = arith.constant 1 : i32
        %while3A_206 = scf.for %while3A_300 = %while3A_202 to %while3A_198 step %while3A_205 iter_args(%while3A_301 = %while3A_204) -> (i32)  : i32 {
          %mul3A_302 = arith.constant 16 : i32
          %mul3A_303 = arith.muli %while3A_300, %mul3A_302 : i32
          %swap3A = arith.index_cast %mul3A_303 : i32 to index
          %swap3A_304 = tpu.vector_load %arg13[%swap3A] {strides = array<i32>} : memref<4096xi32, #tpu.memory_space<vmem>>, vector<16xi32>,
          tpu.vector_store %arg13[%swap3A], %broadcast_in_dim3A_7 {strides = array<i32>} : memref<4096xi32, #tpu.memory_space<vmem>>, vector<16xi32>,
          %while3A_305 = arith.constant 0 : i32
          scf.yield %while3A_305 : i32
        }
        %scan3A_207 = arith.constant 0 : i32
        %scan3A_208 = arith.constant 0 : i32
        %scan3A_209 = arith.constant 0 : i32
        %scan3A_210 = arith.constant 0 : i32
        %scan3A_211 = arith.constant 128 : i32
        %scan3A_212 = arith.addi %scan3A_210, %scan3A_211 : i32
        %scan3A_213 = arith.constant 1 : i32
        %scan3A_214:3 = scf.for %scan3A_300 = %scan3A_210 to %scan3A_212 step %scan3A_213 iter_args(%scan3A_301 = %scan3A_207, %scan3A_302 = %scan3A_208, %scan3A_303 = %scan3A_209) -> (i32, i32, i32)  : i32 {
          %mul3A_304 = arith.constant 16 : i32
          %mul3A_305 = arith.muli %scan3A_300, %mul3A_304 : i32
          %add3A_306 = vector.broadcast %mul3A_305 : i32 to vector<16xi32>
          %add3A_307 = arith.addi %add3A_306, %iota3A : vector<16xi32>
          %lt3A = vector.broadcast %reduce_sum3A_190 : i32 to vector<16xi32>
          %lt3A_308 = arith.cmpi slt, %add3A_307, %lt3A : vector<16xi32>
          %mul3A_309 = arith.constant 16 : i32
          %mul3A_310 = arith.muli %scan3A_300, %mul3A_309 : i32
          %get3A_311 = arith.index_cast %mul3A_310 : i32 to index
          %get3A_312 = tpu.vector_load %arg8[%get3A_311] {strides = array<i32>} : memref<2048xi32, #tpu.memory_space<vmem>>, vector<16xi32>,
          %jit3A_313 = arith.constant 0 : i32
          %broadcast_in_dim3A_314 = vector.broadcast %jit3A_313 : i32 to vector<16xi32>
          %select_n3A_315 = arith.select %lt3A_308, %get3A_312, %broadcast_in_dim3A_314 : vector<16xi1>, vector<16xi32>
          %max3A_316 = arith.constant 1 : i32
          %max3A_317 = vector.broadcast %max3A_316 : i32 to vector<16xi32>
          %max3A_318 = arith.maxsi %select_n3A_315, %max3A_317 : vector<16xi32>
          %mul3A_319 = arith.constant 16 : i32
          %mul3A_320 = arith.muli %scan3A_300, %mul3A_319 : i32
          %get3A_321 = arith.index_cast %mul3A_320 : i32 to index
          %get3A_322 = tpu.vector_load %arg9[%get3A_321] {strides = array<i32>} : memref<2048xi32, #tpu.memory_space<vmem>>, vector<16xi32>,
          %jit3A_323 = arith.constant 0 : i32
          %broadcast_in_dim3A_324 = vector.broadcast %jit3A_323 : i32 to vector<16xi32>
          %select_n3A_325 = arith.select %lt3A_308, %get3A_322, %broadcast_in_dim3A_324 : vector<16xi1>, vector<16xi32>
          %broadcast_in_dim3A_326 = arith.constant true
          %broadcast_in_dim3A_327 = vector.broadcast %broadcast_in_dim3A_326 : i1 to vector<16xi1>
          %masked_cumsum3A = tpu.scan <sum>, %max3A_318 masked %broadcast_in_dim3A_327 : vector<16xi32>, vector<16xi1> -> vector<16xi32>
          %add3A_328 = vector.broadcast %scan3A_301 : i32 to vector<16xi32>
          %add3A_329 = arith.addi %masked_cumsum3A, %add3A_328 : vector<16xi32>
          %broadcast_in_dim3A_330 = arith.constant true
          %broadcast_in_dim3A_331 = vector.broadcast %broadcast_in_dim3A_330 : i1 to vector<16xi1>
          %masked_cumsum3A_332 = tpu.scan <sum>, %select_n3A_325 masked %broadcast_in_dim3A_331 : vector<16xi32>, vector<16xi1> -> vector<16xi32>
          %add3A_333 = vector.broadcast %scan3A_302 : i32 to vector<16xi32>
          %add3A_334 = arith.addi %masked_cumsum3A_332, %add3A_333 : vector<16xi32>
          %sub3A_335 = arith.subi %add3A_329, %max3A_318 : vector<16xi32>
          %sub3A_336 = arith.subi %add3A_334, %select_n3A_325 : vector<16xi32>
          %mul3A_337 = arith.constant 2 : i32
          %mul3A_338 = vector.broadcast %mul3A_337 : i32 to vector<16xi32>
          %mul3A_339 = arith.muli %mul3A_338, %add3A_307 : vector<16xi32>
          %add3A_340 = arith.constant 1 : i32
          %add3A_341 = vector.broadcast %add3A_340 : i32 to vector<16xi32>
          %add3A_342 = arith.addi %mul3A_339, %add3A_341 : vector<16xi32>
          %add3A_343 = arith.addi %sub3A_335, %sub3A_336 : vector<16xi32>
          %add3A_344 = arith.addi %add3A_329, %sub3A_336 : vector<16xi32>
          %sub3A_345 = vector.broadcast %mul3A_173 : i32 to vector<16xi32>
          %sub3A_346 = arith.subi %add3A_343, %sub3A_345 : vector<16xi32>
          %sub3A_347 = vector.broadcast %mul3A_173 : i32 to vector<16xi32>
          %sub3A_348 = arith.subi %add3A_344, %sub3A_347 : vector<16xi32>
          %ge3A = arith.constant 0 : i32
          %ge3A_349 = vector.broadcast %ge3A : i32 to vector<16xi32>
          %ge3A_350 = arith.cmpi sge, %sub3A_346, %ge3A_349 : vector<16xi32>
          %lt3A_351 = vector.broadcast %mul3A_192 : i32 to vector<16xi32>
          %lt3A_352 = arith.cmpi slt, %sub3A_346, %lt3A_351 : vector<16xi32>
          %and3A_353 = arith.andi %ge3A_350, %lt3A_352 : vector<16xi1>
          %ge3A_354 = arith.constant 0 : i32
          %ge3A_355 = vector.broadcast %ge3A_354 : i32 to vector<16xi32>
          %ge3A_356 = arith.cmpi sge, %sub3A_348, %ge3A_355 : vector<16xi32>
          %lt3A_357 = vector.broadcast %mul3A_192 : i32 to vector<16xi32>
          %lt3A_358 = arith.cmpi slt, %sub3A_348, %lt3A_357 : vector<16xi32>
          %and3A_359 = arith.andi %ge3A_356, %lt3A_358 : vector<16xi1>
          %gt3A_360 = arith.constant 0 : i32
          %gt3A_361 = vector.broadcast %gt3A_360 : i32 to vector<16xi32>
          %gt3A_362 = arith.cmpi sgt, %select_n3A_325, %gt3A_361 : vector<16xi32>
          %and3A_363 = arith.andi %and3A_359, %gt3A_362 : vector<16xi1>
          %jit3A_364 = arith.constant 0 : i32
          %jit3A_365 = arith.constant 4095 : i32
          %max3A_366 = vector.broadcast %jit3A_364 : i32 to vector<16xi32>
          %max3A_367 = arith.maxsi %max3A_366, %sub3A_346 : vector<16xi32>
          %min3A_368 = vector.broadcast %jit3A_365 : i32 to vector<16xi32>
          %min3A_369 = arith.minsi %min3A_368, %max3A_367 : vector<16xi32>
          tpu.vector_store_idx %arg13[%min3A_369], %mul3A_339 masked %and3A_353 : memref<4096xi32, #tpu.memory_space<vmem>>[vector<16xi32>], vector<16xi32>, vector<16xi1>
          %jit3A_370 = arith.constant 0 : i32
          %jit3A_371 = arith.constant 4095 : i32
          %max3A_372 = vector.broadcast %jit3A_370 : i32 to vector<16xi32>
          %max3A_373 = arith.maxsi %max3A_372, %sub3A_348 : vector<16xi32>
          %min3A_374 = vector.broadcast %jit3A_371 : i32 to vector<16xi32>
          %min3A_375 = arith.minsi %min3A_374, %max3A_373 : vector<16xi32>
          tpu.vector_store_idx %arg13[%min3A_375], %add3A_342 masked %and3A_363 : memref<4096xi32, #tpu.memory_space<vmem>>[vector<16xi32>], vector<16xi32>, vector<16xi1>
          %lt3A_376 = vector.broadcast %mul3A_173 : i32 to vector<16xi32>
          %lt3A_377 = arith.cmpi slt, %add3A_343, %lt3A_376 : vector<16xi32>
          %jit3A_378 = arith.constant 0 : i32
          %broadcast_in_dim3A_379 = vector.broadcast %jit3A_378 : i32 to vector<16xi32>
          %select_n3A_380 = arith.select %lt3A_377, %mul3A_339, %broadcast_in_dim3A_379 : vector<16xi1>, vector<16xi32>
          %reduce_max3A_381 = arith.constant true
          %reduce_max3A_382 = vector.broadcast %reduce_max3A_381 : i1 to vector<16xi1>
          %reduce_max3A_383 = arith.constant -2147483648 : i32
          %reduce_max3A_384 = vector.broadcast %reduce_max3A_383 : i32 to vector<16xi32>
          %reduce_max3A_385 = arith.xori %select_n3A_380, %reduce_max3A_384 : vector<16xi32>
          %reduce_max3A_386 = tpu.scan <max>, %reduce_max3A_385 masked %reduce_max3A_382 : vector<16xi32>, vector<16xi1> -> vector<16xi32>
          %reduce_max3A_387 = arith.xori %reduce_max3A_386, %reduce_max3A_384 : vector<16xi32>
          %reduce_max3A_388 = vector.extract %reduce_max3A_387[15] : i32 from vector<16xi32>
          %max3A_389 = arith.maxsi %scan3A_303, %reduce_max3A_388 : i32
          %lt3A_390 = vector.broadcast %mul3A_173 : i32 to vector<16xi32>
          %lt3A_391 = arith.cmpi slt, %add3A_344, %lt3A_390 : vector<16xi32>
          %gt3A_392 = arith.constant 0 : i32
          %gt3A_393 = vector.broadcast %gt3A_392 : i32 to vector<16xi32>
          %gt3A_394 = arith.cmpi sgt, %select_n3A_325, %gt3A_393 : vector<16xi32>
          %and3A_395 = arith.andi %lt3A_391, %gt3A_394 : vector<16xi1>
          %jit3A_396 = arith.constant 0 : i32
          %broadcast_in_dim3A_397 = vector.broadcast %jit3A_396 : i32 to vector<16xi32>
          %select_n3A_398 = arith.select %and3A_395, %add3A_342, %broadcast_in_dim3A_397 : vector<16xi1>, vector<16xi32>
          %reduce_max3A_399 = arith.constant true
          %reduce_max3A_400 = vector.broadcast %reduce_max3A_399 : i1 to vector<16xi1>
          %reduce_max3A_401 = arith.constant -2147483648 : i32
          %reduce_max3A_402 = vector.broadcast %reduce_max3A_401 : i32 to vector<16xi32>
          %reduce_max3A_403 = arith.xori %select_n3A_398, %reduce_max3A_402 : vector<16xi32>
          %reduce_max3A_404 = tpu.scan <max>, %reduce_max3A_403 masked %reduce_max3A_400 : vector<16xi32>, vector<16xi1> -> vector<16xi32>
          %reduce_max3A_405 = arith.xori %reduce_max3A_404, %reduce_max3A_402 : vector<16xi32>
          %reduce_max3A_406 = vector.extract %reduce_max3A_405[15] : i32 from vector<16xi32>
          %max3A_407 = arith.maxsi %max3A_389, %reduce_max3A_406 : i32
          %reduce_sum3A_408 = arith.constant true
          %reduce_sum3A_409 = vector.broadcast %reduce_sum3A_408 : i1 to vector<16xi1>
          %reduce_sum3A_410 = tpu.scan <sum>, %max3A_318 masked %reduce_sum3A_409 : vector<16xi32>, vector<16xi1> -> vector<16xi32>
          %reduce_sum3A_411 = vector.extract %reduce_sum3A_410[15] : i32 from vector<16xi32>
          %add3A_412 = arith.addi %scan3A_301, %reduce_sum3A_411 : i32
          %reduce_sum3A_413 = arith.constant true
          %reduce_sum3A_414 = vector.broadcast %reduce_sum3A_413 : i1 to vector<16xi1>
          %reduce_sum3A_415 = tpu.scan <sum>, %select_n3A_325 masked %reduce_sum3A_414 : vector<16xi32>, vector<16xi1> -> vector<16xi32>
          %reduce_sum3A_416 = vector.extract %reduce_sum3A_415[15] : i32 from vector<16xi32>
          %add3A_417 = arith.addi %scan3A_302, %reduce_sum3A_416 : i32
          scf.yield %add3A_412, %add3A_417, %max3A_407 : i32, i32, i32
        }
        %scan3A_215 = arith.constant 128 : i32
        %mul3A_216 = arith.constant 4 : i32
        %mul3A_217 = arith.muli %sub3A_174, %mul3A_216 : i32
        %while3A_218 = arith.constant 0 : i32
        %while3A_219 = arith.subi %mul3A_217, %while3A_218 : i32
        %while3A_220 = arith.addi %while3A_218, %while3A_219 : i32
        %while3A_221 = arith.constant 1 : i32
        %while3A_222 = arith.divsi %while3A_219, %while3A_221 : i32
        %while3A_223 = arith.muli %while3A_222, %while3A_221 : i32
        %while3A_224 = arith.addi %while3A_218, %while3A_223 : i32
        %while3A_225 = arith.constant 1 : i32
        %while3A_226 = scf.for %while3A_300 = %while3A_218 to %while3A_224 step %while3A_225 iter_args(%while3A_301 = %scan3A_214#2) -> (i32)  : i32 {
          %mul3A_302 = arith.constant 16 : i32
          %mul3A_303 = arith.muli %while3A_300, %mul3A_302 : i32
          %get3A_304 = arith.index_cast %mul3A_303 : i32 to index
          %get3A_305 = tpu.vector_load %arg13[%get3A_304] {strides = array<i32>} : memref<4096xi32, #tpu.memory_space<vmem>>, vector<16xi32>,
          %broadcast_in_dim3A_306 = arith.constant true
          %broadcast_in_dim3A_307 = vector.broadcast %broadcast_in_dim3A_306 : i1 to vector<16xi1>
          %masked_cummax3A = arith.constant -2147483648 : i32
          %masked_cummax3A_308 = vector.broadcast %masked_cummax3A : i32 to vector<16xi32>
          %masked_cummax3A_309 = arith.xori %get3A_305, %masked_cummax3A_308 : vector<16xi32>
          %masked_cummax3A_310 = tpu.scan <max>, %masked_cummax3A_309 masked %broadcast_in_dim3A_307 : vector<16xi32>, vector<16xi1> -> vector<16xi32>
          %masked_cummax3A_311 = arith.xori %masked_cummax3A_310, %masked_cummax3A_308 : vector<16xi32>
          %max3A_312 = vector.broadcast %while3A_301 : i32 to vector<16xi32>
          %max3A_313 = arith.maxsi %masked_cummax3A_311, %max3A_312 : vector<16xi32>
          %mul3A_314 = arith.constant 16 : i32
          %mul3A_315 = arith.muli %while3A_300, %mul3A_314 : i32
          %add3A_316 = arith.addi %mul3A_173, %mul3A_315 : i32
          %add3A_317 = vector.broadcast %add3A_316 : i32 to vector<16xi32>
          %add3A_318 = arith.addi %add3A_317, %iota3A : vector<16xi32>
          %and3A_319 = arith.constant 1 : i32
          %and3A_320 = vector.broadcast %and3A_319 : i32 to vector<16xi32>
          %and3A_321 = arith.andi %max3A_313, %and3A_320 : vector<16xi32>
          %eq3A_322 = arith.constant 1 : i32
          %eq3A_323 = vector.broadcast %eq3A_322 : i32 to vector<16xi32>
          %eq3A_324 = arith.cmpi eq, %and3A_321, %eq3A_323 : vector<16xi32>
          %shift_right_arithmetic3A = arith.constant 1 : i32
          %shift_right_arithmetic3A_325 = vector.broadcast %shift_right_arithmetic3A : i32 to vector<16xi32>
          %shift_right_arithmetic3A_326 = arith.shrsi %max3A_313, %shift_right_arithmetic3A_325 : vector<16xi32>
          %jit3A_327 = arith.constant 0 : i32
          %broadcast_in_dim3A_328 = vector.broadcast %jit3A_327 : i32 to vector<16xi32>
          %select_n3A_329 = arith.select %eq3A_324, %broadcast_in_dim3A_328, %shift_right_arithmetic3A_326 : vector<16xi1>, vector<16xi32>
          %mul3A_330 = arith.constant 2048 : i32
          %mul3A_331 = arith.muli %scan3A_108, %mul3A_330 : i32
          %lt3A = vector.broadcast %min3A_127 : i32 to vector<16xi32>
          %lt3A_332 = arith.cmpi slt, %add3A_318, %lt3A : vector<16xi32>
          %jit3A_333 = arith.constant 0 : i32
          %broadcast_in_dim3A_334 = vector.broadcast %jit3A_333 : i32 to vector<16xi32>
          %select_n3A_335 = arith.select %lt3A_332, %select_n3A_329, %broadcast_in_dim3A_334 : vector<16xi1>, vector<16xi32>
          %add3A_336 = vector.broadcast %mul3A_331 : i32 to vector<16xi32>
          %add3A_337 = arith.addi %add3A_336, %select_n3A_335 : vector<16xi32>
          %jit3A_338 = arith.constant 4 : i32
          %div3A_339 = arith.divsi %while3A_300, %jit3A_338 : i32
          %sign3A_340 = arith.constant 0 : i32
          %sign3A_341 = arith.cmpi sgt, %while3A_300, %sign3A_340 : i32
          %sign3A_342 = arith.extui %sign3A_341 : i1 to i32
          %sign3A_343 = arith.constant 0 : i32
          %sign3A_344 = arith.cmpi slt, %while3A_300, %sign3A_343 : i32
          %sign3A_345 = arith.extui %sign3A_344 : i1 to i32
          %sign3A_346 = arith.subi %sign3A_342, %sign3A_345 : i32
          %sign3A_347 = arith.constant 0 : i32
          %sign3A_348 = arith.cmpi sgt, %jit3A_338, %sign3A_347 : i32
          %sign3A_349 = arith.extui %sign3A_348 : i1 to i32
          %sign3A_350 = arith.constant 0 : i32
          %sign3A_351 = arith.cmpi slt, %jit3A_338, %sign3A_350 : i32
          %sign3A_352 = arith.extui %sign3A_351 : i1 to i32
          %sign3A_353 = arith.subi %sign3A_349, %sign3A_352 : i32
          %ne3A_354 = arith.cmpi ne, %sign3A_346, %sign3A_353 : i32
          %rem3A_355 = arith.remsi %while3A_300, %jit3A_338 : i32
          %ne3A_356 = arith.constant 0 : i32
          %ne3A_357 = arith.cmpi ne, %rem3A_355, %ne3A_356 : i32
          %and3A_358 = arith.andi %ne3A_354, %ne3A_357 : i1
          %sub3A_359 = arith.constant 1 : i32
          %sub3A_360 = arith.subi %div3A_339, %sub3A_359 : i32
          %select_n3A_361 = arith.select %and3A_358, %sub3A_360, %div3A_339 : i32
          %jit3A_362 = arith.constant 4 : i32
          %eq3A_363 = arith.constant 0 : i32
          %eq3A_364 = arith.cmpi eq, %jit3A_362, %eq3A_363 : i32
          %jit3A_365 = arith.constant 1 : i32
          %select_n3A_366 = arith.select %eq3A_364, %jit3A_365, %jit3A_362 : i32
          %rem3A_367 = arith.remsi %while3A_300, %select_n3A_366 : i32
          %ne3A_368 = arith.constant 0 : i32
          %ne3A_369 = arith.cmpi ne, %rem3A_367, %ne3A_368 : i32
          %lt3A_370 = arith.constant 0 : i32
          %lt3A_371 = arith.cmpi slt, %rem3A_367, %lt3A_370 : i32
          %lt3A_372 = arith.constant 0 : i32
          %lt3A_373 = arith.cmpi slt, %select_n3A_366, %lt3A_372 : i32
          %ne3A_374 = arith.xori %lt3A_371, %lt3A_373 : i1
          %and3A_375 = arith.andi %ne3A_374, %ne3A_369 : i1
          %add3A_376 = arith.addi %rem3A_367, %select_n3A_366 : i32
          %select_n3A_377 = arith.select %and3A_375, %add3A_376, %rem3A_367 : i32
          %mul3A_378 = arith.constant 16 : i32
          %mul3A_379 = arith.muli %select_n3A_377, %mul3A_378 : i32
          %swap3A = arith.index_cast %select_n3A_361 : i32 to index
          %swap3A_380 = arith.index_cast %mul3A_379 : i32 to index
          %swap3A_381 = tpu.vector_load %arg14[%swap3A, %swap3A_380] {strides = array<i32>} : memref<64x64xi32, #tpu.memory_space<vmem>>, vector<16xi32>,
          tpu.vector_store %arg14[%swap3A, %swap3A_380], %add3A_337 {strides = array<i32>} : memref<64x64xi32, #tpu.memory_space<vmem>>, vector<16xi32>,
          %reduce_max3A_382 = arith.constant true
          %reduce_max3A_383 = vector.broadcast %reduce_max3A_382 : i1 to vector<16xi1>
          %reduce_max3A_384 = arith.constant -2147483648 : i32
          %reduce_max3A_385 = vector.broadcast %reduce_max3A_384 : i32 to vector<16xi32>
          %reduce_max3A_386 = arith.xori %max3A_313, %reduce_max3A_385 : vector<16xi32>
          %reduce_max3A_387 = tpu.scan <max>, %reduce_max3A_386 masked %reduce_max3A_383 : vector<16xi32>, vector<16xi1> -> vector<16xi32>
          %reduce_max3A_388 = arith.xori %reduce_max3A_387, %reduce_max3A_385 : vector<16xi32>
          %reduce_max3A_389 = vector.extract %reduce_max3A_388[15] : i32 from vector<16xi32>
          scf.yield %reduce_max3A_389 : i32
        }
        %while3A_227 = arith.constant 1 : i32
        %while3A_228 = scf.for %while3A_300 = %while3A_224 to %while3A_220 step %while3A_227 iter_args(%while3A_301 = %while3A_226) -> (i32)  : i32 {
          %mul3A_302 = arith.constant 16 : i32
          %mul3A_303 = arith.muli %while3A_300, %mul3A_302 : i32
          %get3A_304 = arith.index_cast %mul3A_303 : i32 to index
          %get3A_305 = tpu.vector_load %arg13[%get3A_304] {strides = array<i32>} : memref<4096xi32, #tpu.memory_space<vmem>>, vector<16xi32>,
          %broadcast_in_dim3A_306 = arith.constant true
          %broadcast_in_dim3A_307 = vector.broadcast %broadcast_in_dim3A_306 : i1 to vector<16xi1>
          %masked_cummax3A = arith.constant -2147483648 : i32
          %masked_cummax3A_308 = vector.broadcast %masked_cummax3A : i32 to vector<16xi32>
          %masked_cummax3A_309 = arith.xori %get3A_305, %masked_cummax3A_308 : vector<16xi32>
          %masked_cummax3A_310 = tpu.scan <max>, %masked_cummax3A_309 masked %broadcast_in_dim3A_307 : vector<16xi32>, vector<16xi1> -> vector<16xi32>
          %masked_cummax3A_311 = arith.xori %masked_cummax3A_310, %masked_cummax3A_308 : vector<16xi32>
          %max3A_312 = vector.broadcast %while3A_301 : i32 to vector<16xi32>
          %max3A_313 = arith.maxsi %masked_cummax3A_311, %max3A_312 : vector<16xi32>
          %mul3A_314 = arith.constant 16 : i32
          %mul3A_315 = arith.muli %while3A_300, %mul3A_314 : i32
          %add3A_316 = arith.addi %mul3A_173, %mul3A_315 : i32
          %add3A_317 = vector.broadcast %add3A_316 : i32 to vector<16xi32>
          %add3A_318 = arith.addi %add3A_317, %iota3A : vector<16xi32>
          %and3A_319 = arith.constant 1 : i32
          %and3A_320 = vector.broadcast %and3A_319 : i32 to vector<16xi32>
          %and3A_321 = arith.andi %max3A_313, %and3A_320 : vector<16xi32>
          %eq3A_322 = arith.constant 1 : i32
          %eq3A_323 = vector.broadcast %eq3A_322 : i32 to vector<16xi32>
          %eq3A_324 = arith.cmpi eq, %and3A_321, %eq3A_323 : vector<16xi32>
          %shift_right_arithmetic3A = arith.constant 1 : i32
          %shift_right_arithmetic3A_325 = vector.broadcast %shift_right_arithmetic3A : i32 to vector<16xi32>
          %shift_right_arithmetic3A_326 = arith.shrsi %max3A_313, %shift_right_arithmetic3A_325 : vector<16xi32>
          %jit3A_327 = arith.constant 0 : i32
          %broadcast_in_dim3A_328 = vector.broadcast %jit3A_327 : i32 to vector<16xi32>
          %select_n3A_329 = arith.select %eq3A_324, %broadcast_in_dim3A_328, %shift_right_arithmetic3A_326 : vector<16xi1>, vector<16xi32>
          %mul3A_330 = arith.constant 2048 : i32
          %mul3A_331 = arith.muli %scan3A_108, %mul3A_330 : i32
          %lt3A = vector.broadcast %min3A_127 : i32 to vector<16xi32>
          %lt3A_332 = arith.cmpi slt, %add3A_318, %lt3A : vector<16xi32>
          %jit3A_333 = arith.constant 0 : i32
          %broadcast_in_dim3A_334 = vector.broadcast %jit3A_333 : i32 to vector<16xi32>
          %select_n3A_335 = arith.select %lt3A_332, %select_n3A_329, %broadcast_in_dim3A_334 : vector<16xi1>, vector<16xi32>
          %add3A_336 = vector.broadcast %mul3A_331 : i32 to vector<16xi32>
          %add3A_337 = arith.addi %add3A_336, %select_n3A_335 : vector<16xi32>
          %jit3A_338 = arith.constant 4 : i32
          %div3A_339 = arith.divsi %while3A_300, %jit3A_338 : i32
          %sign3A_340 = arith.constant 0 : i32
          %sign3A_341 = arith.cmpi sgt, %while3A_300, %sign3A_340 : i32
          %sign3A_342 = arith.extui %sign3A_341 : i1 to i32
          %sign3A_343 = arith.constant 0 : i32
          %sign3A_344 = arith.cmpi slt, %while3A_300, %sign3A_343 : i32
          %sign3A_345 = arith.extui %sign3A_344 : i1 to i32
          %sign3A_346 = arith.subi %sign3A_342, %sign3A_345 : i32
          %sign3A_347 = arith.constant 0 : i32
          %sign3A_348 = arith.cmpi sgt, %jit3A_338, %sign3A_347 : i32
          %sign3A_349 = arith.extui %sign3A_348 : i1 to i32
          %sign3A_350 = arith.constant 0 : i32
          %sign3A_351 = arith.cmpi slt, %jit3A_338, %sign3A_350 : i32
          %sign3A_352 = arith.extui %sign3A_351 : i1 to i32
          %sign3A_353 = arith.subi %sign3A_349, %sign3A_352 : i32
          %ne3A_354 = arith.cmpi ne, %sign3A_346, %sign3A_353 : i32
          %rem3A_355 = arith.remsi %while3A_300, %jit3A_338 : i32
          %ne3A_356 = arith.constant 0 : i32
          %ne3A_357 = arith.cmpi ne, %rem3A_355, %ne3A_356 : i32
          %and3A_358 = arith.andi %ne3A_354, %ne3A_357 : i1
          %sub3A_359 = arith.constant 1 : i32
          %sub3A_360 = arith.subi %div3A_339, %sub3A_359 : i32
          %select_n3A_361 = arith.select %and3A_358, %sub3A_360, %div3A_339 : i32
          %jit3A_362 = arith.constant 4 : i32
          %eq3A_363 = arith.constant 0 : i32
          %eq3A_364 = arith.cmpi eq, %jit3A_362, %eq3A_363 : i32
          %jit3A_365 = arith.constant 1 : i32
          %select_n3A_366 = arith.select %eq3A_364, %jit3A_365, %jit3A_362 : i32
          %rem3A_367 = arith.remsi %while3A_300, %select_n3A_366 : i32
          %ne3A_368 = arith.constant 0 : i32
          %ne3A_369 = arith.cmpi ne, %rem3A_367, %ne3A_368 : i32
          %lt3A_370 = arith.constant 0 : i32
          %lt3A_371 = arith.cmpi slt, %rem3A_367, %lt3A_370 : i32
          %lt3A_372 = arith.constant 0 : i32
          %lt3A_373 = arith.cmpi slt, %select_n3A_366, %lt3A_372 : i32
          %ne3A_374 = arith.xori %lt3A_371, %lt3A_373 : i1
          %and3A_375 = arith.andi %ne3A_374, %ne3A_369 : i1
          %add3A_376 = arith.addi %rem3A_367, %select_n3A_366 : i32
          %select_n3A_377 = arith.select %and3A_375, %add3A_376, %rem3A_367 : i32
          %mul3A_378 = arith.constant 16 : i32
          %mul3A_379 = arith.muli %select_n3A_377, %mul3A_378 : i32
          %swap3A = arith.index_cast %select_n3A_361 : i32 to index
          %swap3A_380 = arith.index_cast %mul3A_379 : i32 to index
          %swap3A_381 = tpu.vector_load %arg14[%swap3A, %swap3A_380] {strides = array<i32>} : memref<64x64xi32, #tpu.memory_space<vmem>>, vector<16xi32>,
          tpu.vector_store %arg14[%swap3A, %swap3A_380], %add3A_337 {strides = array<i32>} : memref<64x64xi32, #tpu.memory_space<vmem>>, vector<16xi32>,
          %reduce_max3A_382 = arith.constant true
          %reduce_max3A_383 = vector.broadcast %reduce_max3A_382 : i1 to vector<16xi1>
          %reduce_max3A_384 = arith.constant -2147483648 : i32
          %reduce_max3A_385 = vector.broadcast %reduce_max3A_384 : i32 to vector<16xi32>
          %reduce_max3A_386 = arith.xori %max3A_313, %reduce_max3A_385 : vector<16xi32>
          %reduce_max3A_387 = tpu.scan <max>, %reduce_max3A_386 masked %reduce_max3A_383 : vector<16xi32>, vector<16xi1> -> vector<16xi32>
          %reduce_max3A_388 = arith.xori %reduce_max3A_387, %reduce_max3A_385 : vector<16xi32>
          %reduce_max3A_389 = vector.extract %reduce_max3A_388[15] : i32 from vector<16xi32>
          scf.yield %reduce_max3A_389 : i32
        }
        %dma_start3A = arith.constant 0 : i32
        %dma_start3A_229 = arith.constant 0 : i32
        %dma_start3A_230 = tpu.memref_slice %arg14[%dma_start3A, %dma_start3A_229] : memref<64x64xi32, #tpu.memory_space<vmem>> -> memref<1x64xi32, #tpu.memory_space<vmem>>
        %dma_start3A_231 = tpu.memref_squeeze %dma_start3A_230 : memref<1x64xi32, #tpu.memory_space<vmem>> -> memref<64xi32, #tpu.memory_space<vmem>>
        %dma_start3A_232 = arith.constant 0 : i32
        %dma_start3A_233 = arith.constant 0 : i32
        %dma_start3A_234 = tpu.memref_slice %arg2[%dma_start3A_232, %dma_start3A_233] : memref<32768x256xf32, #tpu.memory_space<hbm>> -> memref<32768x256xf32, #tpu.memory_space<hbm>>
        tpu.enqueue_indirect_dma source(%dma_start3A_234 : memref<32768x256xf32, #tpu.memory_space<hbm>>) target(%arg15 : memref<64x256xf32, #tpu.memory_space<vmem>>) offsets(%dma_start3A_231 : memref<64xi32, #tpu.memory_space<vmem>>) semaphore(%arg20 : memref<!tpu.dma_semaphore, #tpu.memory_space<semaphore_mem>>)
        %gt3A_235 = arith.constant 1 : i32
        %gt3A_236 = arith.cmpi sgt, %sub3A_174, %gt3A_235 : i32
        %convert_element_type3A_237 = arith.extui %gt3A_236 : i1 to i32
        %cond3A_238 = arith.constant 0 : i32
        %cond3A_239 = arith.cmpi ne, %convert_element_type3A_237, %cond3A_238 : i32
        scf.if %cond3A_239 {
          %dma_start3A_300 = arith.constant 1 : i32
          %dma_start3A_301 = arith.constant 0 : i32
          %dma_start3A_302 = tpu.memref_slice %arg14[%dma_start3A_300, %dma_start3A_301] : memref<64x64xi32, #tpu.memory_space<vmem>> -> memref<1x64xi32, #tpu.memory_space<vmem>>
          %dma_start3A_303 = tpu.memref_squeeze %dma_start3A_302 : memref<1x64xi32, #tpu.memory_space<vmem>> -> memref<64xi32, #tpu.memory_space<vmem>>
          %dma_start3A_304 = arith.constant 0 : i32
          %dma_start3A_305 = arith.constant 0 : i32
          %dma_start3A_306 = tpu.memref_slice %arg2[%dma_start3A_304, %dma_start3A_305] : memref<32768x256xf32, #tpu.memory_space<hbm>> -> memref<32768x256xf32, #tpu.memory_space<hbm>>
          tpu.enqueue_indirect_dma source(%dma_start3A_306 : memref<32768x256xf32, #tpu.memory_space<hbm>>) target(%arg16 : memref<64x256xf32, #tpu.memory_space<vmem>>) offsets(%dma_start3A_303 : memref<64xi32, #tpu.memory_space<vmem>>) semaphore(%arg21 : memref<!tpu.dma_semaphore, #tpu.memory_space<semaphore_mem>>)
        } else {
        }
        %add3A_240 = arith.constant 4 : i32
        %add3A_241 = arith.addi %sub3A_174, %add3A_240 : i32
        %sub3A_242 = arith.constant 1 : i32
        %sub3A_243 = arith.subi %add3A_241, %sub3A_242 : i32
        %jit3A_244 = arith.constant 4 : i32
        %div3A_245 = arith.divsi %sub3A_243, %jit3A_244 : i32
        %sign3A_246 = arith.constant 0 : i32
        %sign3A_247 = arith.cmpi sgt, %sub3A_243, %sign3A_246 : i32
        %sign3A_248 = arith.extui %sign3A_247 : i1 to i32
        %sign3A_249 = arith.constant 0 : i32
        %sign3A_250 = arith.cmpi slt, %sub3A_243, %sign3A_249 : i32
        %sign3A_251 = arith.extui %sign3A_250 : i1 to i32
        %sign3A_252 = arith.subi %sign3A_248, %sign3A_251 : i32
        %sign3A_253 = arith.constant 0 : i32
        %sign3A_254 = arith.cmpi sgt, %jit3A_244, %sign3A_253 : i32
        %sign3A_255 = arith.extui %sign3A_254 : i1 to i32
        %sign3A_256 = arith.constant 0 : i32
        %sign3A_257 = arith.cmpi slt, %jit3A_244, %sign3A_256 : i32
        %sign3A_258 = arith.extui %sign3A_257 : i1 to i32
        %sign3A_259 = arith.subi %sign3A_255, %sign3A_258 : i32
        %ne3A_260 = arith.cmpi ne, %sign3A_252, %sign3A_259 : i32
        %rem3A_261 = arith.remsi %sub3A_243, %jit3A_244 : i32
        %ne3A_262 = arith.constant 0 : i32
        %ne3A_263 = arith.cmpi ne, %rem3A_261, %ne3A_262 : i32
        %and3A_264 = arith.andi %ne3A_260, %ne3A_263 : i1
        %sub3A_265 = arith.constant 1 : i32
        %sub3A_266 = arith.subi %div3A_245, %sub3A_265 : i32
        %select_n3A_267 = arith.select %and3A_264, %sub3A_266, %div3A_245 : i32
        %while3A_268 = arith.constant 0 : i32
        %while3A_269 = arith.constant 0 : i32
        %while3A_270 = arith.subi %select_n3A_267, %while3A_268 : i32
        %while3A_271 = arith.addi %while3A_268, %while3A_270 : i32
        %while3A_272 = arith.constant 1 : i32
        %while3A_273 = arith.divsi %while3A_270, %while3A_272 : i32
        %while3A_274 = arith.muli %while3A_273, %while3A_272 : i32
        %while3A_275 = arith.addi %while3A_268, %while3A_274 : i32
        %while3A_276 = arith.constant 1 : i32
        %while3A_277 = scf.for %while3A_300 = %while3A_268 to %while3A_275 step %while3A_276 iter_args(%while3A_301 = %while3A_269) -> (i32)  : i32 {
          %mul3A_302 = arith.constant 4 : i32
          %mul3A_303 = arith.muli %mul3A_302, %while3A_300 : i32
          %add3A_304 = arith.constant 0 : i32
          %add3A_305 = arith.addi %mul3A_303, %add3A_304 : i32
          %lt3A = arith.cmpi slt, %add3A_305, %sub3A_174 : i32
          %convert_element_type3A_306 = arith.extui %lt3A : i1 to i32
          %cond3A_307 = arith.constant 0 : i32
          %cond3A_308 = arith.cmpi ne, %convert_element_type3A_306, %cond3A_307 : i32
          scf.if %cond3A_308 {
            %dma_wait3A = arith.constant 0 : i32
            %dma_wait3A_334 = tpu.memref_slice %arg14[%add3A_305, %dma_wait3A] : memref<64x64xi32, #tpu.memory_space<vmem>> -> memref<1x64xi32, #tpu.memory_space<vmem>>
            %dma_wait3A_335 = tpu.memref_squeeze %dma_wait3A_334 : memref<1x64xi32, #tpu.memory_space<vmem>> -> memref<64xi32, #tpu.memory_space<vmem>>
            %dma_wait3A_336 = arith.constant 0 : i32
            %dma_wait3A_337 = arith.constant 0 : i32
            %dma_wait3A_338 = tpu.memref_slice %arg2[%dma_wait3A_336, %dma_wait3A_337] : memref<32768x256xf32, #tpu.memory_space<hbm>> -> memref<32768x256xf32, #tpu.memory_space<hbm>>
            tpu.wait_indirect_dma semaphore(%arg20 : memref<!tpu.dma_semaphore, #tpu.memory_space<semaphore_mem>>) src(%dma_wait3A_338 : memref<32768x256xf32, #tpu.memory_space<hbm>>) dst(%arg15 : memref<64x256xf32, #tpu.memory_space<vmem>>)
            %sub3A_339 = arith.constant 1 : i32
            %sub3A_340 = arith.subi %sub3A_174, %sub3A_339 : i32
            %eq3A_341 = arith.cmpi eq, %add3A_305, %sub3A_340 : i32
            %and3A_342 = arith.andi %eq3A_176, %eq3A_341 : i1
            %convert_element_type3A_343 = arith.extui %and3A_342 : i1 to i32
            %cond3A_344 = arith.constant 0 : i32
            %cond3A_345 = arith.cmpi ne, %convert_element_type3A_343, %cond3A_344 : i32
            scf.if %cond3A_345 {
              %sub3A_359 = arith.subi %min3A_127, %mul3A_173 : i32
              %scan3A_360 = arith.constant 0 : i32
              %scan3A_361 = arith.constant 0 : i32
              %scan3A_362 = arith.constant 64 : i32
              %scan3A_363 = arith.addi %scan3A_361, %scan3A_362 : i32
              %scan3A_364 = arith.constant 1 : i32
              %scan3A_365 = scf.for %scan3A_367 = %scan3A_361 to %scan3A_363 step %scan3A_364 iter_args(%scan3A_368 = %scan3A_360) -> (i32)  : i32 {
                %mul3A_369 = arith.constant 64 : i32
                %mul3A_370 = arith.muli %add3A_305, %mul3A_369 : i32
                %add3A_371 = arith.addi %mul3A_370, %scan3A_367 : i32
                %ge3A = arith.cmpi sge, %add3A_371, %sub3A_359 : i32
                %convert_element_type3A_372 = arith.extui %ge3A : i1 to i32
                %cond3A_373 = arith.constant 0 : i32
                %cond3A_374 = arith.cmpi ne, %convert_element_type3A_372, %cond3A_373 : i32
                scf.if %cond3A_374 {
                  %swap3A = arith.index_cast %scan3A_367 : i32 to index
                  %swap3A_376 = arith.constant 0 : index
                  %swap3A_377 = tpu.vector_load %arg15[%swap3A, %swap3A_376] {strides = array<i32>} : memref<64x256xf32, #tpu.memory_space<vmem>>, vector<16xf32>,
                  tpu.vector_store %arg15[%swap3A, %swap3A_376], %broadcast_in_dim3A_9 {strides = array<i32>} : memref<64x256xf32, #tpu.memory_space<vmem>>, vector<16xf32>,
                  %swap3A_378 = arith.index_cast %scan3A_367 : i32 to index
                  %swap3A_379 = arith.constant 16 : index
                  %swap3A_380 = tpu.vector_load %arg15[%swap3A_378, %swap3A_379] {strides = array<i32>} : memref<64x256xf32, #tpu.memory_space<vmem>>, vector<16xf32>,
                  tpu.vector_store %arg15[%swap3A_378, %swap3A_379], %broadcast_in_dim3A_9 {strides = array<i32>} : memref<64x256xf32, #tpu.memory_space<vmem>>, vector<16xf32>,
                  %swap3A_381 = arith.index_cast %scan3A_367 : i32 to index
                  %swap3A_382 = arith.constant 32 : index
                  %swap3A_383 = tpu.vector_load %arg15[%swap3A_381, %swap3A_382] {strides = array<i32>} : memref<64x256xf32, #tpu.memory_space<vmem>>, vector<16xf32>,
                  tpu.vector_store %arg15[%swap3A_381, %swap3A_382], %broadcast_in_dim3A_9 {strides = array<i32>} : memref<64x256xf32, #tpu.memory_space<vmem>>, vector<16xf32>,
                  %swap3A_384 = arith.index_cast %scan3A_367 : i32 to index
                  %swap3A_385 = arith.constant 48 : index
                  %swap3A_386 = tpu.vector_load %arg15[%swap3A_384, %swap3A_385] {strides = array<i32>} : memref<64x256xf32, #tpu.memory_space<vmem>>, vector<16xf32>,
                  tpu.vector_store %arg15[%swap3A_384, %swap3A_385], %broadcast_in_dim3A_9 {strides = array<i32>} : memref<64x256xf32, #tpu.memory_space<vmem>>, vector<16xf32>,
                  %swap3A_387 = arith.index_cast %scan3A_367 : i32 to index
                  %swap3A_388 = arith.constant 64 : index
                  %swap3A_389 = tpu.vector_load %arg15[%swap3A_387, %swap3A_388] {strides = array<i32>} : memref<64x256xf32, #tpu.memory_space<vmem>>, vector<16xf32>,
                  tpu.vector_store %arg15[%swap3A_387, %swap3A_388], %broadcast_in_dim3A_9 {strides = array<i32>} : memref<64x256xf32, #tpu.memory_space<vmem>>, vector<16xf32>,
                  %swap3A_390 = arith.index_cast %scan3A_367 : i32 to index
                  %swap3A_391 = arith.constant 80 : index
                  %swap3A_392 = tpu.vector_load %arg15[%swap3A_390, %swap3A_391] {strides = array<i32>} : memref<64x256xf32, #tpu.memory_space<vmem>>, vector<16xf32>,
                  tpu.vector_store %arg15[%swap3A_390, %swap3A_391], %broadcast_in_dim3A_9 {strides = array<i32>} : memref<64x256xf32, #tpu.memory_space<vmem>>, vector<16xf32>,
                  %swap3A_393 = arith.index_cast %scan3A_367 : i32 to index
                  %swap3A_394 = arith.constant 96 : index
                  %swap3A_395 = tpu.vector_load %arg15[%swap3A_393, %swap3A_394] {strides = array<i32>} : memref<64x256xf32, #tpu.memory_space<vmem>>, vector<16xf32>,
                  tpu.vector_store %arg15[%swap3A_393, %swap3A_394], %broadcast_in_dim3A_9 {strides = array<i32>} : memref<64x256xf32, #tpu.memory_space<vmem>>, vector<16xf32>,
                  %swap3A_396 = arith.index_cast %scan3A_367 : i32 to index
                  %swap3A_397 = arith.constant 112 : index
                  %swap3A_398 = tpu.vector_load %arg15[%swap3A_396, %swap3A_397] {strides = array<i32>} : memref<64x256xf32, #tpu.memory_space<vmem>>, vector<16xf32>,
                  tpu.vector_store %arg15[%swap3A_396, %swap3A_397], %broadcast_in_dim3A_9 {strides = array<i32>} : memref<64x256xf32, #tpu.memory_space<vmem>>, vector<16xf32>,
                  %swap3A_399 = arith.index_cast %scan3A_367 : i32 to index
                  %swap3A_400 = arith.constant 128 : index
                  %swap3A_401 = tpu.vector_load %arg15[%swap3A_399, %swap3A_400] {strides = array<i32>} : memref<64x256xf32, #tpu.memory_space<vmem>>, vector<16xf32>,
                  tpu.vector_store %arg15[%swap3A_399, %swap3A_400], %broadcast_in_dim3A_9 {strides = array<i32>} : memref<64x256xf32, #tpu.memory_space<vmem>>, vector<16xf32>,
                  %swap3A_402 = arith.index_cast %scan3A_367 : i32 to index
                  %swap3A_403 = arith.constant 144 : index
                  %swap3A_404 = tpu.vector_load %arg15[%swap3A_402, %swap3A_403] {strides = array<i32>} : memref<64x256xf32, #tpu.memory_space<vmem>>, vector<16xf32>,
                  tpu.vector_store %arg15[%swap3A_402, %swap3A_403], %broadcast_in_dim3A_9 {strides = array<i32>} : memref<64x256xf32, #tpu.memory_space<vmem>>, vector<16xf32>,
                  %swap3A_405 = arith.index_cast %scan3A_367 : i32 to index
                  %swap3A_406 = arith.constant 160 : index
                  %swap3A_407 = tpu.vector_load %arg15[%swap3A_405, %swap3A_406] {strides = array<i32>} : memref<64x256xf32, #tpu.memory_space<vmem>>, vector<16xf32>,
                  tpu.vector_store %arg15[%swap3A_405, %swap3A_406], %broadcast_in_dim3A_9 {strides = array<i32>} : memref<64x256xf32, #tpu.memory_space<vmem>>, vector<16xf32>,
                  %swap3A_408 = arith.index_cast %scan3A_367 : i32 to index
                  %swap3A_409 = arith.constant 176 : index
                  %swap3A_410 = tpu.vector_load %arg15[%swap3A_408, %swap3A_409] {strides = array<i32>} : memref<64x256xf32, #tpu.memory_space<vmem>>, vector<16xf32>,
                  tpu.vector_store %arg15[%swap3A_408, %swap3A_409], %broadcast_in_dim3A_9 {strides = array<i32>} : memref<64x256xf32, #tpu.memory_space<vmem>>, vector<16xf32>,
                  %swap3A_411 = arith.index_cast %scan3A_367 : i32 to index
                  %swap3A_412 = arith.constant 192 : index
                  %swap3A_413 = tpu.vector_load %arg15[%swap3A_411, %swap3A_412] {strides = array<i32>} : memref<64x256xf32, #tpu.memory_space<vmem>>, vector<16xf32>,
                  tpu.vector_store %arg15[%swap3A_411, %swap3A_412], %broadcast_in_dim3A_9 {strides = array<i32>} : memref<64x256xf32, #tpu.memory_space<vmem>>, vector<16xf32>,
                  %swap3A_414 = arith.index_cast %scan3A_367 : i32 to index
                  %swap3A_415 = arith.constant 208 : index
                  %swap3A_416 = tpu.vector_load %arg15[%swap3A_414, %swap3A_415] {strides = array<i32>} : memref<64x256xf32, #tpu.memory_space<vmem>>, vector<16xf32>,
                  tpu.vector_store %arg15[%swap3A_414, %swap3A_415], %broadcast_in_dim3A_9 {strides = array<i32>} : memref<64x256xf32, #tpu.memory_space<vmem>>, vector<16xf32>,
                  %swap3A_417 = arith.index_cast %scan3A_367 : i32 to index
                  %swap3A_418 = arith.constant 224 : index
                  %swap3A_419 = tpu.vector_load %arg15[%swap3A_417, %swap3A_418] {strides = array<i32>} : memref<64x256xf32, #tpu.memory_space<vmem>>, vector<16xf32>,
                  tpu.vector_store %arg15[%swap3A_417, %swap3A_418], %broadcast_in_dim3A_9 {strides = array<i32>} : memref<64x256xf32, #tpu.memory_space<vmem>>, vector<16xf32>,
                  %swap3A_420 = arith.index_cast %scan3A_367 : i32 to index
                  %swap3A_421 = arith.constant 240 : index
                  %swap3A_422 = tpu.vector_load %arg15[%swap3A_420, %swap3A_421] {strides = array<i32>} : memref<64x256xf32, #tpu.memory_space<vmem>>, vector<16xf32>,
                  tpu.vector_store %arg15[%swap3A_420, %swap3A_421], %broadcast_in_dim3A_9 {strides = array<i32>} : memref<64x256xf32, #tpu.memory_space<vmem>>, vector<16xf32>,
                } else {
                }
                %scan3A_375 = arith.constant 0 : i32
                scf.yield %scan3A_375 : i32
              }
              %scan3A_366 = arith.constant 64 : i32
            } else {
            }
            %mul3A_346 = arith.constant 64 : i32
            %mul3A_347 = arith.muli %add3A_305, %mul3A_346 : i32
            %add3A_348 = arith.addi %add3A_179, %mul3A_347 : i32
            %dma_start3A_349 = arith.constant 0 : i32
            %dma_start3A_350 = tpu.memref_slice %arg6[%add3A_348, %dma_start3A_349] : memref<131072x256xf32, #tpu.memory_space<hbm>> -> memref<64x256xf32, #tpu.memory_space<hbm>>
            %dma_start3A_351 = arith.constant 0 : i32
            %dma_start3A_352 = tpu.memref_slice %arg6[%add3A_348, %dma_start3A_351] : memref<131072x256xf32, #tpu.memory_space<hbm>> -> memref<64x256xf32, #tpu.memory_space<hbm>>
            tpu.enqueue_dma source(%arg15 : memref<64x256xf32, #tpu.memory_space<vmem>>) target(%dma_start3A_352 : memref<64x256xf32, #tpu.memory_space<hbm>>) target_semaphore(%arg24 : memref<!tpu.dma_semaphore, #tpu.memory_space<semaphore_mem>>)
            %add3A_353 = arith.constant 2 : i32
            %add3A_354 = arith.addi %add3A_305, %add3A_353 : i32
            %lt3A_355 = arith.cmpi slt, %add3A_354, %sub3A_174 : i32
            %convert_element_type3A_356 = arith.extui %lt3A_355 : i1 to i32
            %cond3A_357 = arith.constant 0 : i32
            %cond3A_358 = arith.cmpi ne, %convert_element_type3A_356, %cond3A_357 : i32
            scf.if %cond3A_358 {
              %ge3A = arith.constant 2 : i32
              %ge3A_359 = arith.cmpi sge, %add3A_305, %ge3A : i32
              %convert_element_type3A_360 = arith.extui %ge3A_359 : i1 to i32
              %cond3A_361 = arith.constant 0 : i32
              %cond3A_362 = arith.cmpi ne, %convert_element_type3A_360, %cond3A_361 : i32
              scf.if %cond3A_362 {
                %dma_wait3A_371 = arith.constant 0 : i32
                %dma_wait3A_372 = tpu.memref_slice %arg6[%add3A_179, %dma_wait3A_371] : memref<131072x256xf32, #tpu.memory_space<hbm>> -> memref<64x256xf32, #tpu.memory_space<hbm>>
                %dma_wait3A_373 = arith.constant 0 : i32
                %dma_wait3A_374 = tpu.memref_slice %arg6[%add3A_179, %dma_wait3A_373] : memref<131072x256xf32, #tpu.memory_space<hbm>> -> memref<64x256xf32, #tpu.memory_space<hbm>>
                tpu.wait_dma2 semaphore(%arg26 : memref<!tpu.dma_semaphore, #tpu.memory_space<semaphore_mem>>) src(%arg17 : memref<64x256xf32, #tpu.memory_space<vmem>>) dst(%dma_wait3A_374 : memref<64x256xf32, #tpu.memory_space<hbm>>)
              } else {
              }
              %add3A_363 = arith.constant 2 : i32
              %add3A_364 = arith.addi %add3A_305, %add3A_363 : i32
              %dma_start3A_365 = arith.constant 0 : i32
              %dma_start3A_366 = tpu.memref_slice %arg14[%add3A_364, %dma_start3A_365] : memref<64x64xi32, #tpu.memory_space<vmem>> -> memref<1x64xi32, #tpu.memory_space<vmem>>
              %dma_start3A_367 = tpu.memref_squeeze %dma_start3A_366 : memref<1x64xi32, #tpu.memory_space<vmem>> -> memref<64xi32, #tpu.memory_space<vmem>>
              %dma_start3A_368 = arith.constant 0 : i32
              %dma_start3A_369 = arith.constant 0 : i32
              %dma_start3A_370 = tpu.memref_slice %arg2[%dma_start3A_368, %dma_start3A_369] : memref<32768x256xf32, #tpu.memory_space<hbm>> -> memref<32768x256xf32, #tpu.memory_space<hbm>>
              tpu.enqueue_indirect_dma source(%dma_start3A_370 : memref<32768x256xf32, #tpu.memory_space<hbm>>) target(%arg17 : memref<64x256xf32, #tpu.memory_space<vmem>>) offsets(%dma_start3A_367 : memref<64xi32, #tpu.memory_space<vmem>>) semaphore(%arg22 : memref<!tpu.dma_semaphore, #tpu.memory_space<semaphore_mem>>)
            } else {
            }
          } else {
          }
          %mul3A_309 = arith.constant 4 : i32
          %mul3A_310 = arith.muli %mul3A_309, %while3A_300 : i32
          %add3A_311 = arith.constant 1 : i32
          %add3A_312 = arith.addi %mul3A_310, %add3A_311 : i32
          %lt3A_313 = arith.cmpi slt, %add3A_312, %sub3A_174 : i32
          %convert_element_type3A_314 = arith.extui %lt3A_313 : i1 to i32
          %cond3A_315 = arith.constant 0 : i32
          %cond3A_316 = arith.cmpi ne, %convert_element_type3A_314, %cond3A_315 : i32
          scf.if %cond3A_316 {
            %dma_wait3A = arith.constant 0 : i32
            %dma_wait3A_334 = tpu.memref_slice %arg14[%add3A_312, %dma_wait3A] : memref<64x64xi32, #tpu.memory_space<vmem>> -> memref<1x64xi32, #tpu.memory_space<vmem>>
            %dma_wait3A_335 = tpu.memref_squeeze %dma_wait3A_334 : memref<1x64xi32, #tpu.memory_space<vmem>> -> memref<64xi32, #tpu.memory_space<vmem>>
            %dma_wait3A_336 = arith.constant 0 : i32
            %dma_wait3A_337 = arith.constant 0 : i32
            %dma_wait3A_338 = tpu.memref_slice %arg2[%dma_wait3A_336, %dma_wait3A_337] : memref<32768x256xf32, #tpu.memory_space<hbm>> -> memref<32768x256xf32, #tpu.memory_space<hbm>>
            tpu.wait_indirect_dma semaphore(%arg21 : memref<!tpu.dma_semaphore, #tpu.memory_space<semaphore_mem>>) src(%dma_wait3A_338 : memref<32768x256xf32, #tpu.memory_space<hbm>>) dst(%arg16 : memref<64x256xf32, #tpu.memory_space<vmem>>)
            %sub3A_339 = arith.constant 1 : i32
            %sub3A_340 = arith.subi %sub3A_174, %sub3A_339 : i32
            %eq3A_341 = arith.cmpi eq, %add3A_312, %sub3A_340 : i32
            %and3A_342 = arith.andi %eq3A_176, %eq3A_341 : i1
            %convert_element_type3A_343 = arith.extui %and3A_342 : i1 to i32
            %cond3A_344 = arith.constant 0 : i32
            %cond3A_345 = arith.cmpi ne, %convert_element_type3A_343, %cond3A_344 : i32
            scf.if %cond3A_345 {
              %sub3A_359 = arith.subi %min3A_127, %mul3A_173 : i32
              %scan3A_360 = arith.constant 0 : i32
              %scan3A_361 = arith.constant 0 : i32
              %scan3A_362 = arith.constant 64 : i32
              %scan3A_363 = arith.addi %scan3A_361, %scan3A_362 : i32
              %scan3A_364 = arith.constant 1 : i32
              %scan3A_365 = scf.for %scan3A_367 = %scan3A_361 to %scan3A_363 step %scan3A_364 iter_args(%scan3A_368 = %scan3A_360) -> (i32)  : i32 {
                %mul3A_369 = arith.constant 64 : i32
                %mul3A_370 = arith.muli %add3A_312, %mul3A_369 : i32
                %add3A_371 = arith.addi %mul3A_370, %scan3A_367 : i32
                %ge3A = arith.cmpi sge, %add3A_371, %sub3A_359 : i32
                %convert_element_type3A_372 = arith.extui %ge3A : i1 to i32
                %cond3A_373 = arith.constant 0 : i32
                %cond3A_374 = arith.cmpi ne, %convert_element_type3A_372, %cond3A_373 : i32
                scf.if %cond3A_374 {
                  %swap3A = arith.index_cast %scan3A_367 : i32 to index
                  %swap3A_376 = arith.constant 0 : index
                  %swap3A_377 = tpu.vector_load %arg16[%swap3A, %swap3A_376] {strides = array<i32>} : memref<64x256xf32, #tpu.memory_space<vmem>>, vector<16xf32>,
                  tpu.vector_store %arg16[%swap3A, %swap3A_376], %broadcast_in_dim3A_9 {strides = array<i32>} : memref<64x256xf32, #tpu.memory_space<vmem>>, vector<16xf32>,
                  %swap3A_378 = arith.index_cast %scan3A_367 : i32 to index
                  %swap3A_379 = arith.constant 16 : index
                  %swap3A_380 = tpu.vector_load %arg16[%swap3A_378, %swap3A_379] {strides = array<i32>} : memref<64x256xf32, #tpu.memory_space<vmem>>, vector<16xf32>,
                  tpu.vector_store %arg16[%swap3A_378, %swap3A_379], %broadcast_in_dim3A_9 {strides = array<i32>} : memref<64x256xf32, #tpu.memory_space<vmem>>, vector<16xf32>,
                  %swap3A_381 = arith.index_cast %scan3A_367 : i32 to index
                  %swap3A_382 = arith.constant 32 : index
                  %swap3A_383 = tpu.vector_load %arg16[%swap3A_381, %swap3A_382] {strides = array<i32>} : memref<64x256xf32, #tpu.memory_space<vmem>>, vector<16xf32>,
                  tpu.vector_store %arg16[%swap3A_381, %swap3A_382], %broadcast_in_dim3A_9 {strides = array<i32>} : memref<64x256xf32, #tpu.memory_space<vmem>>, vector<16xf32>,
                  %swap3A_384 = arith.index_cast %scan3A_367 : i32 to index
                  %swap3A_385 = arith.constant 48 : index
                  %swap3A_386 = tpu.vector_load %arg16[%swap3A_384, %swap3A_385] {strides = array<i32>} : memref<64x256xf32, #tpu.memory_space<vmem>>, vector<16xf32>,
                  tpu.vector_store %arg16[%swap3A_384, %swap3A_385], %broadcast_in_dim3A_9 {strides = array<i32>} : memref<64x256xf32, #tpu.memory_space<vmem>>, vector<16xf32>,
                  %swap3A_387 = arith.index_cast %scan3A_367 : i32 to index
                  %swap3A_388 = arith.constant 64 : index
                  %swap3A_389 = tpu.vector_load %arg16[%swap3A_387, %swap3A_388] {strides = array<i32>} : memref<64x256xf32, #tpu.memory_space<vmem>>, vector<16xf32>,
                  tpu.vector_store %arg16[%swap3A_387, %swap3A_388], %broadcast_in_dim3A_9 {strides = array<i32>} : memref<64x256xf32, #tpu.memory_space<vmem>>, vector<16xf32>,
                  %swap3A_390 = arith.index_cast %scan3A_367 : i32 to index
                  %swap3A_391 = arith.constant 80 : index
                  %swap3A_392 = tpu.vector_load %arg16[%swap3A_390, %swap3A_391] {strides = array<i32>} : memref<64x256xf32, #tpu.memory_space<vmem>>, vector<16xf32>,
                  tpu.vector_store %arg16[%swap3A_390, %swap3A_391], %broadcast_in_dim3A_9 {strides = array<i32>} : memref<64x256xf32, #tpu.memory_space<vmem>>, vector<16xf32>,
                  %swap3A_393 = arith.index_cast %scan3A_367 : i32 to index
                  %swap3A_394 = arith.constant 96 : index
                  %swap3A_395 = tpu.vector_load %arg16[%swap3A_393, %swap3A_394] {strides = array<i32>} : memref<64x256xf32, #tpu.memory_space<vmem>>, vector<16xf32>,
                  tpu.vector_store %arg16[%swap3A_393, %swap3A_394], %broadcast_in_dim3A_9 {strides = array<i32>} : memref<64x256xf32, #tpu.memory_space<vmem>>, vector<16xf32>,
                  %swap3A_396 = arith.index_cast %scan3A_367 : i32 to index
                  %swap3A_397 = arith.constant 112 : index
                  %swap3A_398 = tpu.vector_load %arg16[%swap3A_396, %swap3A_397] {strides = array<i32>} : memref<64x256xf32, #tpu.memory_space<vmem>>, vector<16xf32>,
                  tpu.vector_store %arg16[%swap3A_396, %swap3A_397], %broadcast_in_dim3A_9 {strides = array<i32>} : memref<64x256xf32, #tpu.memory_space<vmem>>, vector<16xf32>,
                  %swap3A_399 = arith.index_cast %scan3A_367 : i32 to index
                  %swap3A_400 = arith.constant 128 : index
                  %swap3A_401 = tpu.vector_load %arg16[%swap3A_399, %swap3A_400] {strides = array<i32>} : memref<64x256xf32, #tpu.memory_space<vmem>>, vector<16xf32>,
                  tpu.vector_store %arg16[%swap3A_399, %swap3A_400], %broadcast_in_dim3A_9 {strides = array<i32>} : memref<64x256xf32, #tpu.memory_space<vmem>>, vector<16xf32>,
                  %swap3A_402 = arith.index_cast %scan3A_367 : i32 to index
                  %swap3A_403 = arith.constant 144 : index
                  %swap3A_404 = tpu.vector_load %arg16[%swap3A_402, %swap3A_403] {strides = array<i32>} : memref<64x256xf32, #tpu.memory_space<vmem>>, vector<16xf32>,
                  tpu.vector_store %arg16[%swap3A_402, %swap3A_403], %broadcast_in_dim3A_9 {strides = array<i32>} : memref<64x256xf32, #tpu.memory_space<vmem>>, vector<16xf32>,
                  %swap3A_405 = arith.index_cast %scan3A_367 : i32 to index
                  %swap3A_406 = arith.constant 160 : index
                  %swap3A_407 = tpu.vector_load %arg16[%swap3A_405, %swap3A_406] {strides = array<i32>} : memref<64x256xf32, #tpu.memory_space<vmem>>, vector<16xf32>,
                  tpu.vector_store %arg16[%swap3A_405, %swap3A_406], %broadcast_in_dim3A_9 {strides = array<i32>} : memref<64x256xf32, #tpu.memory_space<vmem>>, vector<16xf32>,
                  %swap3A_408 = arith.index_cast %scan3A_367 : i32 to index
                  %swap3A_409 = arith.constant 176 : index
                  %swap3A_410 = tpu.vector_load %arg16[%swap3A_408, %swap3A_409] {strides = array<i32>} : memref<64x256xf32, #tpu.memory_space<vmem>>, vector<16xf32>,
                  tpu.vector_store %arg16[%swap3A_408, %swap3A_409], %broadcast_in_dim3A_9 {strides = array<i32>} : memref<64x256xf32, #tpu.memory_space<vmem>>, vector<16xf32>,
                  %swap3A_411 = arith.index_cast %scan3A_367 : i32 to index
                  %swap3A_412 = arith.constant 192 : index
                  %swap3A_413 = tpu.vector_load %arg16[%swap3A_411, %swap3A_412] {strides = array<i32>} : memref<64x256xf32, #tpu.memory_space<vmem>>, vector<16xf32>,
                  tpu.vector_store %arg16[%swap3A_411, %swap3A_412], %broadcast_in_dim3A_9 {strides = array<i32>} : memref<64x256xf32, #tpu.memory_space<vmem>>, vector<16xf32>,
                  %swap3A_414 = arith.index_cast %scan3A_367 : i32 to index
                  %swap3A_415 = arith.constant 208 : index
                  %swap3A_416 = tpu.vector_load %arg16[%swap3A_414, %swap3A_415] {strides = array<i32>} : memref<64x256xf32, #tpu.memory_space<vmem>>, vector<16xf32>,
                  tpu.vector_store %arg16[%swap3A_414, %swap3A_415], %broadcast_in_dim3A_9 {strides = array<i32>} : memref<64x256xf32, #tpu.memory_space<vmem>>, vector<16xf32>,
                  %swap3A_417 = arith.index_cast %scan3A_367 : i32 to index
                  %swap3A_418 = arith.constant 224 : index
                  %swap3A_419 = tpu.vector_load %arg16[%swap3A_417, %swap3A_418] {strides = array<i32>} : memref<64x256xf32, #tpu.memory_space<vmem>>, vector<16xf32>,
                  tpu.vector_store %arg16[%swap3A_417, %swap3A_418], %broadcast_in_dim3A_9 {strides = array<i32>} : memref<64x256xf32, #tpu.memory_space<vmem>>, vector<16xf32>,
                  %swap3A_420 = arith.index_cast %scan3A_367 : i32 to index
                  %swap3A_421 = arith.constant 240 : index
                  %swap3A_422 = tpu.vector_load %arg16[%swap3A_420, %swap3A_421] {strides = array<i32>} : memref<64x256xf32, #tpu.memory_space<vmem>>, vector<16xf32>,
                  tpu.vector_store %arg16[%swap3A_420, %swap3A_421], %broadcast_in_dim3A_9 {strides = array<i32>} : memref<64x256xf32, #tpu.memory_space<vmem>>, vector<16xf32>,
                } else {
                }
                %scan3A_375 = arith.constant 0 : i32
                scf.yield %scan3A_375 : i32
              }
              %scan3A_366 = arith.constant 64 : i32
            } else {
            }
            %mul3A_346 = arith.constant 64 : i32
            %mul3A_347 = arith.muli %add3A_312, %mul3A_346 : i32
            %add3A_348 = arith.addi %add3A_179, %mul3A_347 : i32
            %dma_start3A_349 = arith.constant 0 : i32
            %dma_start3A_350 = tpu.memref_slice %arg6[%add3A_348, %dma_start3A_349] : memref<131072x256xf32, #tpu.memory_space<hbm>> -> memref<64x256xf32, #tpu.memory_space<hbm>>
            %dma_start3A_351 = arith.constant 0 : i32
            %dma_start3A_352 = tpu.memref_slice %arg6[%add3A_348, %dma_start3A_351] : memref<131072x256xf32, #tpu.memory_space<hbm>> -> memref<64x256xf32, #tpu.memory_space<hbm>>
            tpu.enqueue_dma source(%arg16 : memref<64x256xf32, #tpu.memory_space<vmem>>) target(%dma_start3A_352 : memref<64x256xf32, #tpu.memory_space<hbm>>) target_semaphore(%arg25 : memref<!tpu.dma_semaphore, #tpu.memory_space<semaphore_mem>>)
            %add3A_353 = arith.constant 2 : i32
            %add3A_354 = arith.addi %add3A_312, %add3A_353 : i32
            %lt3A_355 = arith.cmpi slt, %add3A_354, %sub3A_174 : i32
            %convert_element_type3A_356 = arith.extui %lt3A_355 : i1 to i32
            %cond3A_357 = arith.constant 0 : i32
            %cond3A_358 = arith.cmpi ne, %convert_element_type3A_356, %cond3A_357 : i32
            scf.if %cond3A_358 {
              %ge3A = arith.constant 2 : i32
              %ge3A_359 = arith.cmpi sge, %add3A_312, %ge3A : i32
              %convert_element_type3A_360 = arith.extui %ge3A_359 : i1 to i32
              %cond3A_361 = arith.constant 0 : i32
              %cond3A_362 = arith.cmpi ne, %convert_element_type3A_360, %cond3A_361 : i32
              scf.if %cond3A_362 {
                %dma_wait3A_371 = arith.constant 0 : i32
                %dma_wait3A_372 = tpu.memref_slice %arg6[%add3A_179, %dma_wait3A_371] : memref<131072x256xf32, #tpu.memory_space<hbm>> -> memref<64x256xf32, #tpu.memory_space<hbm>>
                %dma_wait3A_373 = arith.constant 0 : i32
                %dma_wait3A_374 = tpu.memref_slice %arg6[%add3A_179, %dma_wait3A_373] : memref<131072x256xf32, #tpu.memory_space<hbm>> -> memref<64x256xf32, #tpu.memory_space<hbm>>
                tpu.wait_dma2 semaphore(%arg27 : memref<!tpu.dma_semaphore, #tpu.memory_space<semaphore_mem>>) src(%arg18 : memref<64x256xf32, #tpu.memory_space<vmem>>) dst(%dma_wait3A_374 : memref<64x256xf32, #tpu.memory_space<hbm>>)
              } else {
              }
              %add3A_363 = arith.constant 2 : i32
              %add3A_364 = arith.addi %add3A_312, %add3A_363 : i32
              %dma_start3A_365 = arith.constant 0 : i32
              %dma_start3A_366 = tpu.memref_slice %arg14[%add3A_364, %dma_start3A_365] : memref<64x64xi32, #tpu.memory_space<vmem>> -> memref<1x64xi32, #tpu.memory_space<vmem>>
              %dma_start3A_367 = tpu.memref_squeeze %dma_start3A_366 : memref<1x64xi32, #tpu.memory_space<vmem>> -> memref<64xi32, #tpu.memory_space<vmem>>
              %dma_start3A_368 = arith.constant 0 : i32
              %dma_start3A_369 = arith.constant 0 : i32
              %dma_start3A_370 = tpu.memref_slice %arg2[%dma_start3A_368, %dma_start3A_369] : memref<32768x256xf32, #tpu.memory_space<hbm>> -> memref<32768x256xf32, #tpu.memory_space<hbm>>
              tpu.enqueue_indirect_dma source(%dma_start3A_370 : memref<32768x256xf32, #tpu.memory_space<hbm>>) target(%arg18 : memref<64x256xf32, #tpu.memory_space<vmem>>) offsets(%dma_start3A_367 : memref<64xi32, #tpu.memory_space<vmem>>) semaphore(%arg23 : memref<!tpu.dma_semaphore, #tpu.memory_space<semaphore_mem>>)
            } else {
            }
          } else {
          }
          %mul3A_317 = arith.constant 4 : i32
          %mul3A_318 = arith.muli %mul3A_317, %while3A_300 : i32
          %add3A_319 = arith.constant 2 : i32
          %add3A_320 = arith.addi %mul3A_318, %add3A_319 : i32
          %lt3A_321 = arith.cmpi slt, %add3A_320, %sub3A_174 : i32
          %convert_element_type3A_322 = arith.extui %lt3A_321 : i1 to i32
          %cond3A_323 = arith.constant 0 : i32
          %cond3A_324 = arith.cmpi ne, %convert_element_type3A_322, %cond3A_323 : i32
          scf.if %cond3A_324 {
            %dma_wait3A = arith.constant 0 : i32
            %dma_wait3A_334 = tpu.memref_slice %arg14[%add3A_320, %dma_wait3A] : memref<64x64xi32, #tpu.memory_space<vmem>> -> memref<1x64xi32, #tpu.memory_space<vmem>>
            %dma_wait3A_335 = tpu.memref_squeeze %dma_wait3A_334 : memref<1x64xi32, #tpu.memory_space<vmem>> -> memref<64xi32, #tpu.memory_space<vmem>>
            %dma_wait3A_336 = arith.constant 0 : i32
            %dma_wait3A_337 = arith.constant 0 : i32
            %dma_wait3A_338 = tpu.memref_slice %arg2[%dma_wait3A_336, %dma_wait3A_337] : memref<32768x256xf32, #tpu.memory_space<hbm>> -> memref<32768x256xf32, #tpu.memory_space<hbm>>
            tpu.wait_indirect_dma semaphore(%arg22 : memref<!tpu.dma_semaphore, #tpu.memory_space<semaphore_mem>>) src(%dma_wait3A_338 : memref<32768x256xf32, #tpu.memory_space<hbm>>) dst(%arg17 : memref<64x256xf32, #tpu.memory_space<vmem>>)
            %sub3A_339 = arith.constant 1 : i32
            %sub3A_340 = arith.subi %sub3A_174, %sub3A_339 : i32
            %eq3A_341 = arith.cmpi eq, %add3A_320, %sub3A_340 : i32
            %and3A_342 = arith.andi %eq3A_176, %eq3A_341 : i1
            %convert_element_type3A_343 = arith.extui %and3A_342 : i1 to i32
            %cond3A_344 = arith.constant 0 : i32
            %cond3A_345 = arith.cmpi ne, %convert_element_type3A_343, %cond3A_344 : i32
            scf.if %cond3A_345 {
              %sub3A_359 = arith.subi %min3A_127, %mul3A_173 : i32
              %scan3A_360 = arith.constant 0 : i32
              %scan3A_361 = arith.constant 0 : i32
              %scan3A_362 = arith.constant 64 : i32
              %scan3A_363 = arith.addi %scan3A_361, %scan3A_362 : i32
              %scan3A_364 = arith.constant 1 : i32
              %scan3A_365 = scf.for %scan3A_367 = %scan3A_361 to %scan3A_363 step %scan3A_364 iter_args(%scan3A_368 = %scan3A_360) -> (i32)  : i32 {
                %mul3A_369 = arith.constant 64 : i32
                %mul3A_370 = arith.muli %add3A_320, %mul3A_369 : i32
                %add3A_371 = arith.addi %mul3A_370, %scan3A_367 : i32
                %ge3A = arith.cmpi sge, %add3A_371, %sub3A_359 : i32
                %convert_element_type3A_372 = arith.extui %ge3A : i1 to i32
                %cond3A_373 = arith.constant 0 : i32
                %cond3A_374 = arith.cmpi ne, %convert_element_type3A_372, %cond3A_373 : i32
                scf.if %cond3A_374 {
                  %swap3A = arith.index_cast %scan3A_367 : i32 to index
                  %swap3A_376 = arith.constant 0 : index
                  %swap3A_377 = tpu.vector_load %arg17[%swap3A, %swap3A_376] {strides = array<i32>} : memref<64x256xf32, #tpu.memory_space<vmem>>, vector<16xf32>,
                  tpu.vector_store %arg17[%swap3A, %swap3A_376], %broadcast_in_dim3A_9 {strides = array<i32>} : memref<64x256xf32, #tpu.memory_space<vmem>>, vector<16xf32>,
                  %swap3A_378 = arith.index_cast %scan3A_367 : i32 to index
                  %swap3A_379 = arith.constant 16 : index
                  %swap3A_380 = tpu.vector_load %arg17[%swap3A_378, %swap3A_379] {strides = array<i32>} : memref<64x256xf32, #tpu.memory_space<vmem>>, vector<16xf32>,
                  tpu.vector_store %arg17[%swap3A_378, %swap3A_379], %broadcast_in_dim3A_9 {strides = array<i32>} : memref<64x256xf32, #tpu.memory_space<vmem>>, vector<16xf32>,
                  %swap3A_381 = arith.index_cast %scan3A_367 : i32 to index
                  %swap3A_382 = arith.constant 32 : index
                  %swap3A_383 = tpu.vector_load %arg17[%swap3A_381, %swap3A_382] {strides = array<i32>} : memref<64x256xf32, #tpu.memory_space<vmem>>, vector<16xf32>,
                  tpu.vector_store %arg17[%swap3A_381, %swap3A_382], %broadcast_in_dim3A_9 {strides = array<i32>} : memref<64x256xf32, #tpu.memory_space<vmem>>, vector<16xf32>,
                  %swap3A_384 = arith.index_cast %scan3A_367 : i32 to index
                  %swap3A_385 = arith.constant 48 : index
                  %swap3A_386 = tpu.vector_load %arg17[%swap3A_384, %swap3A_385] {strides = array<i32>} : memref<64x256xf32, #tpu.memory_space<vmem>>, vector<16xf32>,
                  tpu.vector_store %arg17[%swap3A_384, %swap3A_385], %broadcast_in_dim3A_9 {strides = array<i32>} : memref<64x256xf32, #tpu.memory_space<vmem>>, vector<16xf32>,
                  %swap3A_387 = arith.index_cast %scan3A_367 : i32 to index
                  %swap3A_388 = arith.constant 64 : index
                  %swap3A_389 = tpu.vector_load %arg17[%swap3A_387, %swap3A_388] {strides = array<i32>} : memref<64x256xf32, #tpu.memory_space<vmem>>, vector<16xf32>,
                  tpu.vector_store %arg17[%swap3A_387, %swap3A_388], %broadcast_in_dim3A_9 {strides = array<i32>} : memref<64x256xf32, #tpu.memory_space<vmem>>, vector<16xf32>,
                  %swap3A_390 = arith.index_cast %scan3A_367 : i32 to index
                  %swap3A_391 = arith.constant 80 : index
                  %swap3A_392 = tpu.vector_load %arg17[%swap3A_390, %swap3A_391] {strides = array<i32>} : memref<64x256xf32, #tpu.memory_space<vmem>>, vector<16xf32>,
                  tpu.vector_store %arg17[%swap3A_390, %swap3A_391], %broadcast_in_dim3A_9 {strides = array<i32>} : memref<64x256xf32, #tpu.memory_space<vmem>>, vector<16xf32>,
                  %swap3A_393 = arith.index_cast %scan3A_367 : i32 to index
                  %swap3A_394 = arith.constant 96 : index
                  %swap3A_395 = tpu.vector_load %arg17[%swap3A_393, %swap3A_394] {strides = array<i32>} : memref<64x256xf32, #tpu.memory_space<vmem>>, vector<16xf32>,
                  tpu.vector_store %arg17[%swap3A_393, %swap3A_394], %broadcast_in_dim3A_9 {strides = array<i32>} : memref<64x256xf32, #tpu.memory_space<vmem>>, vector<16xf32>,
                  %swap3A_396 = arith.index_cast %scan3A_367 : i32 to index
                  %swap3A_397 = arith.constant 112 : index
                  %swap3A_398 = tpu.vector_load %arg17[%swap3A_396, %swap3A_397] {strides = array<i32>} : memref<64x256xf32, #tpu.memory_space<vmem>>, vector<16xf32>,
                  tpu.vector_store %arg17[%swap3A_396, %swap3A_397], %broadcast_in_dim3A_9 {strides = array<i32>} : memref<64x256xf32, #tpu.memory_space<vmem>>, vector<16xf32>,
                  %swap3A_399 = arith.index_cast %scan3A_367 : i32 to index
                  %swap3A_400 = arith.constant 128 : index
                  %swap3A_401 = tpu.vector_load %arg17[%swap3A_399, %swap3A_400] {strides = array<i32>} : memref<64x256xf32, #tpu.memory_space<vmem>>, vector<16xf32>,
                  tpu.vector_store %arg17[%swap3A_399, %swap3A_400], %broadcast_in_dim3A_9 {strides = array<i32>} : memref<64x256xf32, #tpu.memory_space<vmem>>, vector<16xf32>,
                  %swap3A_402 = arith.index_cast %scan3A_367 : i32 to index
                  %swap3A_403 = arith.constant 144 : index
                  %swap3A_404 = tpu.vector_load %arg17[%swap3A_402, %swap3A_403] {strides = array<i32>} : memref<64x256xf32, #tpu.memory_space<vmem>>, vector<16xf32>,
                  tpu.vector_store %arg17[%swap3A_402, %swap3A_403], %broadcast_in_dim3A_9 {strides = array<i32>} : memref<64x256xf32, #tpu.memory_space<vmem>>, vector<16xf32>,
                  %swap3A_405 = arith.index_cast %scan3A_367 : i32 to index
                  %swap3A_406 = arith.constant 160 : index
                  %swap3A_407 = tpu.vector_load %arg17[%swap3A_405, %swap3A_406] {strides = array<i32>} : memref<64x256xf32, #tpu.memory_space<vmem>>, vector<16xf32>,
                  tpu.vector_store %arg17[%swap3A_405, %swap3A_406], %broadcast_in_dim3A_9 {strides = array<i32>} : memref<64x256xf32, #tpu.memory_space<vmem>>, vector<16xf32>,
                  %swap3A_408 = arith.index_cast %scan3A_367 : i32 to index
                  %swap3A_409 = arith.constant 176 : index
                  %swap3A_410 = tpu.vector_load %arg17[%swap3A_408, %swap3A_409] {strides = array<i32>} : memref<64x256xf32, #tpu.memory_space<vmem>>, vector<16xf32>,
                  tpu.vector_store %arg17[%swap3A_408, %swap3A_409], %broadcast_in_dim3A_9 {strides = array<i32>} : memref<64x256xf32, #tpu.memory_space<vmem>>, vector<16xf32>,
                  %swap3A_411 = arith.index_cast %scan3A_367 : i32 to index
                  %swap3A_412 = arith.constant 192 : index
                  %swap3A_413 = tpu.vector_load %arg17[%swap3A_411, %swap3A_412] {strides = array<i32>} : memref<64x256xf32, #tpu.memory_space<vmem>>, vector<16xf32>,
                  tpu.vector_store %arg17[%swap3A_411, %swap3A_412], %broadcast_in_dim3A_9 {strides = array<i32>} : memref<64x256xf32, #tpu.memory_space<vmem>>, vector<16xf32>,
                  %swap3A_414 = arith.index_cast %scan3A_367 : i32 to index
                  %swap3A_415 = arith.constant 208 : index
                  %swap3A_416 = tpu.vector_load %arg17[%swap3A_414, %swap3A_415] {strides = array<i32>} : memref<64x256xf32, #tpu.memory_space<vmem>>, vector<16xf32>,
                  tpu.vector_store %arg17[%swap3A_414, %swap3A_415], %broadcast_in_dim3A_9 {strides = array<i32>} : memref<64x256xf32, #tpu.memory_space<vmem>>, vector<16xf32>,
                  %swap3A_417 = arith.index_cast %scan3A_367 : i32 to index
                  %swap3A_418 = arith.constant 224 : index
                  %swap3A_419 = tpu.vector_load %arg17[%swap3A_417, %swap3A_418] {strides = array<i32>} : memref<64x256xf32, #tpu.memory_space<vmem>>, vector<16xf32>,
                  tpu.vector_store %arg17[%swap3A_417, %swap3A_418], %broadcast_in_dim3A_9 {strides = array<i32>} : memref<64x256xf32, #tpu.memory_space<vmem>>, vector<16xf32>,
                  %swap3A_420 = arith.index_cast %scan3A_367 : i32 to index
                  %swap3A_421 = arith.constant 240 : index
                  %swap3A_422 = tpu.vector_load %arg17[%swap3A_420, %swap3A_421] {strides = array<i32>} : memref<64x256xf32, #tpu.memory_space<vmem>>, vector<16xf32>,
                  tpu.vector_store %arg17[%swap3A_420, %swap3A_421], %broadcast_in_dim3A_9 {strides = array<i32>} : memref<64x256xf32, #tpu.memory_space<vmem>>, vector<16xf32>,
                } else {
                }
                %scan3A_375 = arith.constant 0 : i32
                scf.yield %scan3A_375 : i32
              }
              %scan3A_366 = arith.constant 64 : i32
            } else {
            }
            %mul3A_346 = arith.constant 64 : i32
            %mul3A_347 = arith.muli %add3A_320, %mul3A_346 : i32
            %add3A_348 = arith.addi %add3A_179, %mul3A_347 : i32
            %dma_start3A_349 = arith.constant 0 : i32
            %dma_start3A_350 = tpu.memref_slice %arg6[%add3A_348, %dma_start3A_349] : memref<131072x256xf32, #tpu.memory_space<hbm>> -> memref<64x256xf32, #tpu.memory_space<hbm>>
            %dma_start3A_351 = arith.constant 0 : i32
            %dma_start3A_352 = tpu.memref_slice %arg6[%add3A_348, %dma_start3A_351] : memref<131072x256xf32, #tpu.memory_space<hbm>> -> memref<64x256xf32, #tpu.memory_space<hbm>>
            tpu.enqueue_dma source(%arg17 : memref<64x256xf32, #tpu.memory_space<vmem>>) target(%dma_start3A_352 : memref<64x256xf32, #tpu.memory_space<hbm>>) target_semaphore(%arg26 : memref<!tpu.dma_semaphore, #tpu.memory_space<semaphore_mem>>)
            %add3A_353 = arith.constant 2 : i32
            %add3A_354 = arith.addi %add3A_320, %add3A_353 : i32
            %lt3A_355 = arith.cmpi slt, %add3A_354, %sub3A_174 : i32
            %convert_element_type3A_356 = arith.extui %lt3A_355 : i1 to i32
            %cond3A_357 = arith.constant 0 : i32
            %cond3A_358 = arith.cmpi ne, %convert_element_type3A_356, %cond3A_357 : i32
            scf.if %cond3A_358 {
              %ge3A = arith.constant 2 : i32
              %ge3A_359 = arith.cmpi sge, %add3A_320, %ge3A : i32
              %convert_element_type3A_360 = arith.extui %ge3A_359 : i1 to i32
              %cond3A_361 = arith.constant 0 : i32
              %cond3A_362 = arith.cmpi ne, %convert_element_type3A_360, %cond3A_361 : i32
              scf.if %cond3A_362 {
                %dma_wait3A_371 = arith.constant 0 : i32
                %dma_wait3A_372 = tpu.memref_slice %arg6[%add3A_179, %dma_wait3A_371] : memref<131072x256xf32, #tpu.memory_space<hbm>> -> memref<64x256xf32, #tpu.memory_space<hbm>>
                %dma_wait3A_373 = arith.constant 0 : i32
                %dma_wait3A_374 = tpu.memref_slice %arg6[%add3A_179, %dma_wait3A_373] : memref<131072x256xf32, #tpu.memory_space<hbm>> -> memref<64x256xf32, #tpu.memory_space<hbm>>
                tpu.wait_dma2 semaphore(%arg24 : memref<!tpu.dma_semaphore, #tpu.memory_space<semaphore_mem>>) src(%arg15 : memref<64x256xf32, #tpu.memory_space<vmem>>) dst(%dma_wait3A_374 : memref<64x256xf32, #tpu.memory_space<hbm>>)
              } else {
              }
              %add3A_363 = arith.constant 2 : i32
              %add3A_364 = arith.addi %add3A_320, %add3A_363 : i32
              %dma_start3A_365 = arith.constant 0 : i32
              %dma_start3A_366 = tpu.memref_slice %arg14[%add3A_364, %dma_start3A_365] : memref<64x64xi32, #tpu.memory_space<vmem>> -> memref<1x64xi32, #tpu.memory_space<vmem>>
              %dma_start3A_367 = tpu.memref_squeeze %dma_start3A_366 : memref<1x64xi32, #tpu.memory_space<vmem>> -> memref<64xi32, #tpu.memory_space<vmem>>
              %dma_start3A_368 = arith.constant 0 : i32
              %dma_start3A_369 = arith.constant 0 : i32
              %dma_start3A_370 = tpu.memref_slice %arg2[%dma_start3A_368, %dma_start3A_369] : memref<32768x256xf32, #tpu.memory_space<hbm>> -> memref<32768x256xf32, #tpu.memory_space<hbm>>
              tpu.enqueue_indirect_dma source(%dma_start3A_370 : memref<32768x256xf32, #tpu.memory_space<hbm>>) target(%arg15 : memref<64x256xf32, #tpu.memory_space<vmem>>) offsets(%dma_start3A_367 : memref<64xi32, #tpu.memory_space<vmem>>) semaphore(%arg20 : memref<!tpu.dma_semaphore, #tpu.memory_space<semaphore_mem>>)
            } else {
            }
          } else {
          }
          %mul3A_325 = arith.constant 4 : i32
          %mul3A_326 = arith.muli %mul3A_325, %while3A_300 : i32
          %add3A_327 = arith.constant 3 : i32
          %add3A_328 = arith.addi %mul3A_326, %add3A_327 : i32
          %lt3A_329 = arith.cmpi slt, %add3A_328, %sub3A_174 : i32
          %convert_element_type3A_330 = arith.extui %lt3A_329 : i1 to i32
          %cond3A_331 = arith.constant 0 : i32
          %cond3A_332 = arith.cmpi ne, %convert_element_type3A_330, %cond3A_331 : i32
          scf.if %cond3A_332 {
            %dma_wait3A = arith.constant 0 : i32
            %dma_wait3A_334 = tpu.memref_slice %arg14[%add3A_328, %dma_wait3A] : memref<64x64xi32, #tpu.memory_space<vmem>> -> memref<1x64xi32, #tpu.memory_space<vmem>>
            %dma_wait3A_335 = tpu.memref_squeeze %dma_wait3A_334 : memref<1x64xi32, #tpu.memory_space<vmem>> -> memref<64xi32, #tpu.memory_space<vmem>>
            %dma_wait3A_336 = arith.constant 0 : i32
            %dma_wait3A_337 = arith.constant 0 : i32
            %dma_wait3A_338 = tpu.memref_slice %arg2[%dma_wait3A_336, %dma_wait3A_337] : memref<32768x256xf32, #tpu.memory_space<hbm>> -> memref<32768x256xf32, #tpu.memory_space<hbm>>
            tpu.wait_indirect_dma semaphore(%arg23 : memref<!tpu.dma_semaphore, #tpu.memory_space<semaphore_mem>>) src(%dma_wait3A_338 : memref<32768x256xf32, #tpu.memory_space<hbm>>) dst(%arg18 : memref<64x256xf32, #tpu.memory_space<vmem>>)
            %sub3A_339 = arith.constant 1 : i32
            %sub3A_340 = arith.subi %sub3A_174, %sub3A_339 : i32
            %eq3A_341 = arith.cmpi eq, %add3A_328, %sub3A_340 : i32
            %and3A_342 = arith.andi %eq3A_176, %eq3A_341 : i1
            %convert_element_type3A_343 = arith.extui %and3A_342 : i1 to i32
            %cond3A_344 = arith.constant 0 : i32
            %cond3A_345 = arith.cmpi ne, %convert_element_type3A_343, %cond3A_344 : i32
            scf.if %cond3A_345 {
              %sub3A_359 = arith.subi %min3A_127, %mul3A_173 : i32
              %scan3A_360 = arith.constant 0 : i32
              %scan3A_361 = arith.constant 0 : i32
              %scan3A_362 = arith.constant 64 : i32
              %scan3A_363 = arith.addi %scan3A_361, %scan3A_362 : i32
              %scan3A_364 = arith.constant 1 : i32
              %scan3A_365 = scf.for %scan3A_367 = %scan3A_361 to %scan3A_363 step %scan3A_364 iter_args(%scan3A_368 = %scan3A_360) -> (i32)  : i32 {
                %mul3A_369 = arith.constant 64 : i32
                %mul3A_370 = arith.muli %add3A_328, %mul3A_369 : i32
                %add3A_371 = arith.addi %mul3A_370, %scan3A_367 : i32
                %ge3A = arith.cmpi sge, %add3A_371, %sub3A_359 : i32
                %convert_element_type3A_372 = arith.extui %ge3A : i1 to i32
                %cond3A_373 = arith.constant 0 : i32
                %cond3A_374 = arith.cmpi ne, %convert_element_type3A_372, %cond3A_373 : i32
                scf.if %cond3A_374 {
                  %swap3A = arith.index_cast %scan3A_367 : i32 to index
                  %swap3A_376 = arith.constant 0 : index
                  %swap3A_377 = tpu.vector_load %arg18[%swap3A, %swap3A_376] {strides = array<i32>} : memref<64x256xf32, #tpu.memory_space<vmem>>, vector<16xf32>,
                  tpu.vector_store %arg18[%swap3A, %swap3A_376], %broadcast_in_dim3A_9 {strides = array<i32>} : memref<64x256xf32, #tpu.memory_space<vmem>>, vector<16xf32>,
                  %swap3A_378 = arith.index_cast %scan3A_367 : i32 to index
                  %swap3A_379 = arith.constant 16 : index
                  %swap3A_380 = tpu.vector_load %arg18[%swap3A_378, %swap3A_379] {strides = array<i32>} : memref<64x256xf32, #tpu.memory_space<vmem>>, vector<16xf32>,
                  tpu.vector_store %arg18[%swap3A_378, %swap3A_379], %broadcast_in_dim3A_9 {strides = array<i32>} : memref<64x256xf32, #tpu.memory_space<vmem>>, vector<16xf32>,
                  %swap3A_381 = arith.index_cast %scan3A_367 : i32 to index
                  %swap3A_382 = arith.constant 32 : index
                  %swap3A_383 = tpu.vector_load %arg18[%swap3A_381, %swap3A_382] {strides = array<i32>} : memref<64x256xf32, #tpu.memory_space<vmem>>, vector<16xf32>,
                  tpu.vector_store %arg18[%swap3A_381, %swap3A_382], %broadcast_in_dim3A_9 {strides = array<i32>} : memref<64x256xf32, #tpu.memory_space<vmem>>, vector<16xf32>,
                  %swap3A_384 = arith.index_cast %scan3A_367 : i32 to index
                  %swap3A_385 = arith.constant 48 : index
                  %swap3A_386 = tpu.vector_load %arg18[%swap3A_384, %swap3A_385] {strides = array<i32>} : memref<64x256xf32, #tpu.memory_space<vmem>>, vector<16xf32>,
                  tpu.vector_store %arg18[%swap3A_384, %swap3A_385], %broadcast_in_dim3A_9 {strides = array<i32>} : memref<64x256xf32, #tpu.memory_space<vmem>>, vector<16xf32>,
                  %swap3A_387 = arith.index_cast %scan3A_367 : i32 to index
                  %swap3A_388 = arith.constant 64 : index
                  %swap3A_389 = tpu.vector_load %arg18[%swap3A_387, %swap3A_388] {strides = array<i32>} : memref<64x256xf32, #tpu.memory_space<vmem>>, vector<16xf32>,
                  tpu.vector_store %arg18[%swap3A_387, %swap3A_388], %broadcast_in_dim3A_9 {strides = array<i32>} : memref<64x256xf32, #tpu.memory_space<vmem>>, vector<16xf32>,
                  %swap3A_390 = arith.index_cast %scan3A_367 : i32 to index
                  %swap3A_391 = arith.constant 80 : index
                  %swap3A_392 = tpu.vector_load %arg18[%swap3A_390, %swap3A_391] {strides = array<i32>} : memref<64x256xf32, #tpu.memory_space<vmem>>, vector<16xf32>,
                  tpu.vector_store %arg18[%swap3A_390, %swap3A_391], %broadcast_in_dim3A_9 {strides = array<i32>} : memref<64x256xf32, #tpu.memory_space<vmem>>, vector<16xf32>,
                  %swap3A_393 = arith.index_cast %scan3A_367 : i32 to index
                  %swap3A_394 = arith.constant 96 : index
                  %swap3A_395 = tpu.vector_load %arg18[%swap3A_393, %swap3A_394] {strides = array<i32>} : memref<64x256xf32, #tpu.memory_space<vmem>>, vector<16xf32>,
                  tpu.vector_store %arg18[%swap3A_393, %swap3A_394], %broadcast_in_dim3A_9 {strides = array<i32>} : memref<64x256xf32, #tpu.memory_space<vmem>>, vector<16xf32>,
                  %swap3A_396 = arith.index_cast %scan3A_367 : i32 to index
                  %swap3A_397 = arith.constant 112 : index
                  %swap3A_398 = tpu.vector_load %arg18[%swap3A_396, %swap3A_397] {strides = array<i32>} : memref<64x256xf32, #tpu.memory_space<vmem>>, vector<16xf32>,
                  tpu.vector_store %arg18[%swap3A_396, %swap3A_397], %broadcast_in_dim3A_9 {strides = array<i32>} : memref<64x256xf32, #tpu.memory_space<vmem>>, vector<16xf32>,
                  %swap3A_399 = arith.index_cast %scan3A_367 : i32 to index
                  %swap3A_400 = arith.constant 128 : index
                  %swap3A_401 = tpu.vector_load %arg18[%swap3A_399, %swap3A_400] {strides = array<i32>} : memref<64x256xf32, #tpu.memory_space<vmem>>, vector<16xf32>,
                  tpu.vector_store %arg18[%swap3A_399, %swap3A_400], %broadcast_in_dim3A_9 {strides = array<i32>} : memref<64x256xf32, #tpu.memory_space<vmem>>, vector<16xf32>,
                  %swap3A_402 = arith.index_cast %scan3A_367 : i32 to index
                  %swap3A_403 = arith.constant 144 : index
                  %swap3A_404 = tpu.vector_load %arg18[%swap3A_402, %swap3A_403] {strides = array<i32>} : memref<64x256xf32, #tpu.memory_space<vmem>>, vector<16xf32>,
                  tpu.vector_store %arg18[%swap3A_402, %swap3A_403], %broadcast_in_dim3A_9 {strides = array<i32>} : memref<64x256xf32, #tpu.memory_space<vmem>>, vector<16xf32>,
                  %swap3A_405 = arith.index_cast %scan3A_367 : i32 to index
                  %swap3A_406 = arith.constant 160 : index
                  %swap3A_407 = tpu.vector_load %arg18[%swap3A_405, %swap3A_406] {strides = array<i32>} : memref<64x256xf32, #tpu.memory_space<vmem>>, vector<16xf32>,
                  tpu.vector_store %arg18[%swap3A_405, %swap3A_406], %broadcast_in_dim3A_9 {strides = array<i32>} : memref<64x256xf32, #tpu.memory_space<vmem>>, vector<16xf32>,
                  %swap3A_408 = arith.index_cast %scan3A_367 : i32 to index
                  %swap3A_409 = arith.constant 176 : index
                  %swap3A_410 = tpu.vector_load %arg18[%swap3A_408, %swap3A_409] {strides = array<i32>} : memref<64x256xf32, #tpu.memory_space<vmem>>, vector<16xf32>,
                  tpu.vector_store %arg18[%swap3A_408, %swap3A_409], %broadcast_in_dim3A_9 {strides = array<i32>} : memref<64x256xf32, #tpu.memory_space<vmem>>, vector<16xf32>,
                  %swap3A_411 = arith.index_cast %scan3A_367 : i32 to index
                  %swap3A_412 = arith.constant 192 : index
                  %swap3A_413 = tpu.vector_load %arg18[%swap3A_411, %swap3A_412] {strides = array<i32>} : memref<64x256xf32, #tpu.memory_space<vmem>>, vector<16xf32>,
                  tpu.vector_store %arg18[%swap3A_411, %swap3A_412], %broadcast_in_dim3A_9 {strides = array<i32>} : memref<64x256xf32, #tpu.memory_space<vmem>>, vector<16xf32>,
                  %swap3A_414 = arith.index_cast %scan3A_367 : i32 to index
                  %swap3A_415 = arith.constant 208 : index
                  %swap3A_416 = tpu.vector_load %arg18[%swap3A_414, %swap3A_415] {strides = array<i32>} : memref<64x256xf32, #tpu.memory_space<vmem>>, vector<16xf32>,
                  tpu.vector_store %arg18[%swap3A_414, %swap3A_415], %broadcast_in_dim3A_9 {strides = array<i32>} : memref<64x256xf32, #tpu.memory_space<vmem>>, vector<16xf32>,
                  %swap3A_417 = arith.index_cast %scan3A_367 : i32 to index
                  %swap3A_418 = arith.constant 224 : index
                  %swap3A_419 = tpu.vector_load %arg18[%swap3A_417, %swap3A_418] {strides = array<i32>} : memref<64x256xf32, #tpu.memory_space<vmem>>, vector<16xf32>,
                  tpu.vector_store %arg18[%swap3A_417, %swap3A_418], %broadcast_in_dim3A_9 {strides = array<i32>} : memref<64x256xf32, #tpu.memory_space<vmem>>, vector<16xf32>,
                  %swap3A_420 = arith.index_cast %scan3A_367 : i32 to index
                  %swap3A_421 = arith.constant 240 : index
                  %swap3A_422 = tpu.vector_load %arg18[%swap3A_420, %swap3A_421] {strides = array<i32>} : memref<64x256xf32, #tpu.memory_space<vmem>>, vector<16xf32>,
                  tpu.vector_store %arg18[%swap3A_420, %swap3A_421], %broadcast_in_dim3A_9 {strides = array<i32>} : memref<64x256xf32, #tpu.memory_space<vmem>>, vector<16xf32>,
                } else {
                }
                %scan3A_375 = arith.constant 0 : i32
                scf.yield %scan3A_375 : i32
              }
              %scan3A_366 = arith.constant 64 : i32
            } else {
            }
            %mul3A_346 = arith.constant 64 : i32
            %mul3A_347 = arith.muli %add3A_328, %mul3A_346 : i32
            %add3A_348 = arith.addi %add3A_179, %mul3A_347 : i32
            %dma_start3A_349 = arith.constant 0 : i32
            %dma_start3A_350 = tpu.memref_slice %arg6[%add3A_348, %dma_start3A_349] : memref<131072x256xf32, #tpu.memory_space<hbm>> -> memref<64x256xf32, #tpu.memory_space<hbm>>
            %dma_start3A_351 = arith.constant 0 : i32
            %dma_start3A_352 = tpu.memref_slice %arg6[%add3A_348, %dma_start3A_351] : memref<131072x256xf32, #tpu.memory_space<hbm>> -> memref<64x256xf32, #tpu.memory_space<hbm>>
            tpu.enqueue_dma source(%arg18 : memref<64x256xf32, #tpu.memory_space<vmem>>) target(%dma_start3A_352 : memref<64x256xf32, #tpu.memory_space<hbm>>) target_semaphore(%arg27 : memref<!tpu.dma_semaphore, #tpu.memory_space<semaphore_mem>>)
            %add3A_353 = arith.constant 2 : i32
            %add3A_354 = arith.addi %add3A_328, %add3A_353 : i32
            %lt3A_355 = arith.cmpi slt, %add3A_354, %sub3A_174 : i32
            %convert_element_type3A_356 = arith.extui %lt3A_355 : i1 to i32
            %cond3A_357 = arith.constant 0 : i32
            %cond3A_358 = arith.cmpi ne, %convert_element_type3A_356, %cond3A_357 : i32
            scf.if %cond3A_358 {
              %ge3A = arith.constant 2 : i32
              %ge3A_359 = arith.cmpi sge, %add3A_328, %ge3A : i32
              %convert_element_type3A_360 = arith.extui %ge3A_359 : i1 to i32
              %cond3A_361 = arith.constant 0 : i32
              %cond3A_362 = arith.cmpi ne, %convert_element_type3A_360, %cond3A_361 : i32
              scf.if %cond3A_362 {
                %dma_wait3A_371 = arith.constant 0 : i32
                %dma_wait3A_372 = tpu.memref_slice %arg6[%add3A_179, %dma_wait3A_371] : memref<131072x256xf32, #tpu.memory_space<hbm>> -> memref<64x256xf32, #tpu.memory_space<hbm>>
                %dma_wait3A_373 = arith.constant 0 : i32
                %dma_wait3A_374 = tpu.memref_slice %arg6[%add3A_179, %dma_wait3A_373] : memref<131072x256xf32, #tpu.memory_space<hbm>> -> memref<64x256xf32, #tpu.memory_space<hbm>>
                tpu.wait_dma2 semaphore(%arg25 : memref<!tpu.dma_semaphore, #tpu.memory_space<semaphore_mem>>) src(%arg16 : memref<64x256xf32, #tpu.memory_space<vmem>>) dst(%dma_wait3A_374 : memref<64x256xf32, #tpu.memory_space<hbm>>)
              } else {
              }
              %add3A_363 = arith.constant 2 : i32
              %add3A_364 = arith.addi %add3A_328, %add3A_363 : i32
              %dma_start3A_365 = arith.constant 0 : i32
              %dma_start3A_366 = tpu.memref_slice %arg14[%add3A_364, %dma_start3A_365] : memref<64x64xi32, #tpu.memory_space<vmem>> -> memref<1x64xi32, #tpu.memory_space<vmem>>
              %dma_start3A_367 = tpu.memref_squeeze %dma_start3A_366 : memref<1x64xi32, #tpu.memory_space<vmem>> -> memref<64xi32, #tpu.memory_space<vmem>>
              %dma_start3A_368 = arith.constant 0 : i32
              %dma_start3A_369 = arith.constant 0 : i32
              %dma_start3A_370 = tpu.memref_slice %arg2[%dma_start3A_368, %dma_start3A_369] : memref<32768x256xf32, #tpu.memory_space<hbm>> -> memref<32768x256xf32, #tpu.memory_space<hbm>>
              tpu.enqueue_indirect_dma source(%dma_start3A_370 : memref<32768x256xf32, #tpu.memory_space<hbm>>) target(%arg16 : memref<64x256xf32, #tpu.memory_space<vmem>>) offsets(%dma_start3A_367 : memref<64xi32, #tpu.memory_space<vmem>>) semaphore(%arg21 : memref<!tpu.dma_semaphore, #tpu.memory_space<semaphore_mem>>)
            } else {
            }
          } else {
          }
          %while3A_333 = arith.constant 0 : i32
          scf.yield %while3A_333 : i32
        }
        %while3A_278 = arith.constant 1 : i32
        %while3A_279 = scf.for %while3A_300 = %while3A_275 to %while3A_271 step %while3A_278 iter_args(%while3A_301 = %while3A_277) -> (i32)  : i32 {
          %mul3A_302 = arith.constant 4 : i32
          %mul3A_303 = arith.muli %mul3A_302, %while3A_300 : i32
          %add3A_304 = arith.constant 0 : i32
          %add3A_305 = arith.addi %mul3A_303, %add3A_304 : i32
          %lt3A = arith.cmpi slt, %add3A_305, %sub3A_174 : i32
          %convert_element_type3A_306 = arith.extui %lt3A : i1 to i32
          %cond3A_307 = arith.constant 0 : i32
          %cond3A_308 = arith.cmpi ne, %convert_element_type3A_306, %cond3A_307 : i32
          scf.if %cond3A_308 {
            %dma_wait3A = arith.constant 0 : i32
            %dma_wait3A_334 = tpu.memref_slice %arg14[%add3A_305, %dma_wait3A] : memref<64x64xi32, #tpu.memory_space<vmem>> -> memref<1x64xi32, #tpu.memory_space<vmem>>
            %dma_wait3A_335 = tpu.memref_squeeze %dma_wait3A_334 : memref<1x64xi32, #tpu.memory_space<vmem>> -> memref<64xi32, #tpu.memory_space<vmem>>
            %dma_wait3A_336 = arith.constant 0 : i32
            %dma_wait3A_337 = arith.constant 0 : i32
            %dma_wait3A_338 = tpu.memref_slice %arg2[%dma_wait3A_336, %dma_wait3A_337] : memref<32768x256xf32, #tpu.memory_space<hbm>> -> memref<32768x256xf32, #tpu.memory_space<hbm>>
            tpu.wait_indirect_dma semaphore(%arg20 : memref<!tpu.dma_semaphore, #tpu.memory_space<semaphore_mem>>) src(%dma_wait3A_338 : memref<32768x256xf32, #tpu.memory_space<hbm>>) dst(%arg15 : memref<64x256xf32, #tpu.memory_space<vmem>>)
            %sub3A_339 = arith.constant 1 : i32
            %sub3A_340 = arith.subi %sub3A_174, %sub3A_339 : i32
            %eq3A_341 = arith.cmpi eq, %add3A_305, %sub3A_340 : i32
            %and3A_342 = arith.andi %eq3A_176, %eq3A_341 : i1
            %convert_element_type3A_343 = arith.extui %and3A_342 : i1 to i32
            %cond3A_344 = arith.constant 0 : i32
            %cond3A_345 = arith.cmpi ne, %convert_element_type3A_343, %cond3A_344 : i32
            scf.if %cond3A_345 {
              %sub3A_359 = arith.subi %min3A_127, %mul3A_173 : i32
              %scan3A_360 = arith.constant 0 : i32
              %scan3A_361 = arith.constant 0 : i32
              %scan3A_362 = arith.constant 64 : i32
              %scan3A_363 = arith.addi %scan3A_361, %scan3A_362 : i32
              %scan3A_364 = arith.constant 1 : i32
              %scan3A_365 = scf.for %scan3A_367 = %scan3A_361 to %scan3A_363 step %scan3A_364 iter_args(%scan3A_368 = %scan3A_360) -> (i32)  : i32 {
                %mul3A_369 = arith.constant 64 : i32
                %mul3A_370 = arith.muli %add3A_305, %mul3A_369 : i32
                %add3A_371 = arith.addi %mul3A_370, %scan3A_367 : i32
                %ge3A = arith.cmpi sge, %add3A_371, %sub3A_359 : i32
                %convert_element_type3A_372 = arith.extui %ge3A : i1 to i32
                %cond3A_373 = arith.constant 0 : i32
                %cond3A_374 = arith.cmpi ne, %convert_element_type3A_372, %cond3A_373 : i32
                scf.if %cond3A_374 {
                  %swap3A = arith.index_cast %scan3A_367 : i32 to index
                  %swap3A_376 = arith.constant 0 : index
                  %swap3A_377 = tpu.vector_load %arg15[%swap3A, %swap3A_376] {strides = array<i32>} : memref<64x256xf32, #tpu.memory_space<vmem>>, vector<16xf32>,
                  tpu.vector_store %arg15[%swap3A, %swap3A_376], %broadcast_in_dim3A_9 {strides = array<i32>} : memref<64x256xf32, #tpu.memory_space<vmem>>, vector<16xf32>,
                  %swap3A_378 = arith.index_cast %scan3A_367 : i32 to index
                  %swap3A_379 = arith.constant 16 : index
                  %swap3A_380 = tpu.vector_load %arg15[%swap3A_378, %swap3A_379] {strides = array<i32>} : memref<64x256xf32, #tpu.memory_space<vmem>>, vector<16xf32>,
                  tpu.vector_store %arg15[%swap3A_378, %swap3A_379], %broadcast_in_dim3A_9 {strides = array<i32>} : memref<64x256xf32, #tpu.memory_space<vmem>>, vector<16xf32>,
                  %swap3A_381 = arith.index_cast %scan3A_367 : i32 to index
                  %swap3A_382 = arith.constant 32 : index
                  %swap3A_383 = tpu.vector_load %arg15[%swap3A_381, %swap3A_382] {strides = array<i32>} : memref<64x256xf32, #tpu.memory_space<vmem>>, vector<16xf32>,
                  tpu.vector_store %arg15[%swap3A_381, %swap3A_382], %broadcast_in_dim3A_9 {strides = array<i32>} : memref<64x256xf32, #tpu.memory_space<vmem>>, vector<16xf32>,
                  %swap3A_384 = arith.index_cast %scan3A_367 : i32 to index
                  %swap3A_385 = arith.constant 48 : index
                  %swap3A_386 = tpu.vector_load %arg15[%swap3A_384, %swap3A_385] {strides = array<i32>} : memref<64x256xf32, #tpu.memory_space<vmem>>, vector<16xf32>,
                  tpu.vector_store %arg15[%swap3A_384, %swap3A_385], %broadcast_in_dim3A_9 {strides = array<i32>} : memref<64x256xf32, #tpu.memory_space<vmem>>, vector<16xf32>,
                  %swap3A_387 = arith.index_cast %scan3A_367 : i32 to index
                  %swap3A_388 = arith.constant 64 : index
                  %swap3A_389 = tpu.vector_load %arg15[%swap3A_387, %swap3A_388] {strides = array<i32>} : memref<64x256xf32, #tpu.memory_space<vmem>>, vector<16xf32>,
                  tpu.vector_store %arg15[%swap3A_387, %swap3A_388], %broadcast_in_dim3A_9 {strides = array<i32>} : memref<64x256xf32, #tpu.memory_space<vmem>>, vector<16xf32>,
                  %swap3A_390 = arith.index_cast %scan3A_367 : i32 to index
                  %swap3A_391 = arith.constant 80 : index
                  %swap3A_392 = tpu.vector_load %arg15[%swap3A_390, %swap3A_391] {strides = array<i32>} : memref<64x256xf32, #tpu.memory_space<vmem>>, vector<16xf32>,
                  tpu.vector_store %arg15[%swap3A_390, %swap3A_391], %broadcast_in_dim3A_9 {strides = array<i32>} : memref<64x256xf32, #tpu.memory_space<vmem>>, vector<16xf32>,
                  %swap3A_393 = arith.index_cast %scan3A_367 : i32 to index
                  %swap3A_394 = arith.constant 96 : index
                  %swap3A_395 = tpu.vector_load %arg15[%swap3A_393, %swap3A_394] {strides = array<i32>} : memref<64x256xf32, #tpu.memory_space<vmem>>, vector<16xf32>,
                  tpu.vector_store %arg15[%swap3A_393, %swap3A_394], %broadcast_in_dim3A_9 {strides = array<i32>} : memref<64x256xf32, #tpu.memory_space<vmem>>, vector<16xf32>,
                  %swap3A_396 = arith.index_cast %scan3A_367 : i32 to index
                  %swap3A_397 = arith.constant 112 : index
                  %swap3A_398 = tpu.vector_load %arg15[%swap3A_396, %swap3A_397] {strides = array<i32>} : memref<64x256xf32, #tpu.memory_space<vmem>>, vector<16xf32>,
                  tpu.vector_store %arg15[%swap3A_396, %swap3A_397], %broadcast_in_dim3A_9 {strides = array<i32>} : memref<64x256xf32, #tpu.memory_space<vmem>>, vector<16xf32>,
                  %swap3A_399 = arith.index_cast %scan3A_367 : i32 to index
                  %swap3A_400 = arith.constant 128 : index
                  %swap3A_401 = tpu.vector_load %arg15[%swap3A_399, %swap3A_400] {strides = array<i32>} : memref<64x256xf32, #tpu.memory_space<vmem>>, vector<16xf32>,
                  tpu.vector_store %arg15[%swap3A_399, %swap3A_400], %broadcast_in_dim3A_9 {strides = array<i32>} : memref<64x256xf32, #tpu.memory_space<vmem>>, vector<16xf32>,
                  %swap3A_402 = arith.index_cast %scan3A_367 : i32 to index
                  %swap3A_403 = arith.constant 144 : index
                  %swap3A_404 = tpu.vector_load %arg15[%swap3A_402, %swap3A_403] {strides = array<i32>} : memref<64x256xf32, #tpu.memory_space<vmem>>, vector<16xf32>,
                  tpu.vector_store %arg15[%swap3A_402, %swap3A_403], %broadcast_in_dim3A_9 {strides = array<i32>} : memref<64x256xf32, #tpu.memory_space<vmem>>, vector<16xf32>,
                  %swap3A_405 = arith.index_cast %scan3A_367 : i32 to index
                  %swap3A_406 = arith.constant 160 : index
                  %swap3A_407 = tpu.vector_load %arg15[%swap3A_405, %swap3A_406] {strides = array<i32>} : memref<64x256xf32, #tpu.memory_space<vmem>>, vector<16xf32>,
                  tpu.vector_store %arg15[%swap3A_405, %swap3A_406], %broadcast_in_dim3A_9 {strides = array<i32>} : memref<64x256xf32, #tpu.memory_space<vmem>>, vector<16xf32>,
                  %swap3A_408 = arith.index_cast %scan3A_367 : i32 to index
                  %swap3A_409 = arith.constant 176 : index
                  %swap3A_410 = tpu.vector_load %arg15[%swap3A_408, %swap3A_409] {strides = array<i32>} : memref<64x256xf32, #tpu.memory_space<vmem>>, vector<16xf32>,
                  tpu.vector_store %arg15[%swap3A_408, %swap3A_409], %broadcast_in_dim3A_9 {strides = array<i32>} : memref<64x256xf32, #tpu.memory_space<vmem>>, vector<16xf32>,
                  %swap3A_411 = arith.index_cast %scan3A_367 : i32 to index
                  %swap3A_412 = arith.constant 192 : index
                  %swap3A_413 = tpu.vector_load %arg15[%swap3A_411, %swap3A_412] {strides = array<i32>} : memref<64x256xf32, #tpu.memory_space<vmem>>, vector<16xf32>,
                  tpu.vector_store %arg15[%swap3A_411, %swap3A_412], %broadcast_in_dim3A_9 {strides = array<i32>} : memref<64x256xf32, #tpu.memory_space<vmem>>, vector<16xf32>,
                  %swap3A_414 = arith.index_cast %scan3A_367 : i32 to index
                  %swap3A_415 = arith.constant 208 : index
                  %swap3A_416 = tpu.vector_load %arg15[%swap3A_414, %swap3A_415] {strides = array<i32>} : memref<64x256xf32, #tpu.memory_space<vmem>>, vector<16xf32>,
                  tpu.vector_store %arg15[%swap3A_414, %swap3A_415], %broadcast_in_dim3A_9 {strides = array<i32>} : memref<64x256xf32, #tpu.memory_space<vmem>>, vector<16xf32>,
                  %swap3A_417 = arith.index_cast %scan3A_367 : i32 to index
                  %swap3A_418 = arith.constant 224 : index
                  %swap3A_419 = tpu.vector_load %arg15[%swap3A_417, %swap3A_418] {strides = array<i32>} : memref<64x256xf32, #tpu.memory_space<vmem>>, vector<16xf32>,
                  tpu.vector_store %arg15[%swap3A_417, %swap3A_418], %broadcast_in_dim3A_9 {strides = array<i32>} : memref<64x256xf32, #tpu.memory_space<vmem>>, vector<16xf32>,
                  %swap3A_420 = arith.index_cast %scan3A_367 : i32 to index
                  %swap3A_421 = arith.constant 240 : index
                  %swap3A_422 = tpu.vector_load %arg15[%swap3A_420, %swap3A_421] {strides = array<i32>} : memref<64x256xf32, #tpu.memory_space<vmem>>, vector<16xf32>,
                  tpu.vector_store %arg15[%swap3A_420, %swap3A_421], %broadcast_in_dim3A_9 {strides = array<i32>} : memref<64x256xf32, #tpu.memory_space<vmem>>, vector<16xf32>,
                } else {
                }
                %scan3A_375 = arith.constant 0 : i32
                scf.yield %scan3A_375 : i32
              }
              %scan3A_366 = arith.constant 64 : i32
            } else {
            }
            %mul3A_346 = arith.constant 64 : i32
            %mul3A_347 = arith.muli %add3A_305, %mul3A_346 : i32
            %add3A_348 = arith.addi %add3A_179, %mul3A_347 : i32
            %dma_start3A_349 = arith.constant 0 : i32
            %dma_start3A_350 = tpu.memref_slice %arg6[%add3A_348, %dma_start3A_349] : memref<131072x256xf32, #tpu.memory_space<hbm>> -> memref<64x256xf32, #tpu.memory_space<hbm>>
            %dma_start3A_351 = arith.constant 0 : i32
            %dma_start3A_352 = tpu.memref_slice %arg6[%add3A_348, %dma_start3A_351] : memref<131072x256xf32, #tpu.memory_space<hbm>> -> memref<64x256xf32, #tpu.memory_space<hbm>>
            tpu.enqueue_dma source(%arg15 : memref<64x256xf32, #tpu.memory_space<vmem>>) target(%dma_start3A_352 : memref<64x256xf32, #tpu.memory_space<hbm>>) target_semaphore(%arg24 : memref<!tpu.dma_semaphore, #tpu.memory_space<semaphore_mem>>)
            %add3A_353 = arith.constant 2 : i32
            %add3A_354 = arith.addi %add3A_305, %add3A_353 : i32
            %lt3A_355 = arith.cmpi slt, %add3A_354, %sub3A_174 : i32
            %convert_element_type3A_356 = arith.extui %lt3A_355 : i1 to i32
            %cond3A_357 = arith.constant 0 : i32
            %cond3A_358 = arith.cmpi ne, %convert_element_type3A_356, %cond3A_357 : i32
            scf.if %cond3A_358 {
              %ge3A = arith.constant 2 : i32
              %ge3A_359 = arith.cmpi sge, %add3A_305, %ge3A : i32
              %convert_element_type3A_360 = arith.extui %ge3A_359 : i1 to i32
              %cond3A_361 = arith.constant 0 : i32
              %cond3A_362 = arith.cmpi ne, %convert_element_type3A_360, %cond3A_361 : i32
              scf.if %cond3A_362 {
                %dma_wait3A_371 = arith.constant 0 : i32
                %dma_wait3A_372 = tpu.memref_slice %arg6[%add3A_179, %dma_wait3A_371] : memref<131072x256xf32, #tpu.memory_space<hbm>> -> memref<64x256xf32, #tpu.memory_space<hbm>>
                %dma_wait3A_373 = arith.constant 0 : i32
                %dma_wait3A_374 = tpu.memref_slice %arg6[%add3A_179, %dma_wait3A_373] : memref<131072x256xf32, #tpu.memory_space<hbm>> -> memref<64x256xf32, #tpu.memory_space<hbm>>
                tpu.wait_dma2 semaphore(%arg26 : memref<!tpu.dma_semaphore, #tpu.memory_space<semaphore_mem>>) src(%arg17 : memref<64x256xf32, #tpu.memory_space<vmem>>) dst(%dma_wait3A_374 : memref<64x256xf32, #tpu.memory_space<hbm>>)
              } else {
              }
              %add3A_363 = arith.constant 2 : i32
              %add3A_364 = arith.addi %add3A_305, %add3A_363 : i32
              %dma_start3A_365 = arith.constant 0 : i32
              %dma_start3A_366 = tpu.memref_slice %arg14[%add3A_364, %dma_start3A_365] : memref<64x64xi32, #tpu.memory_space<vmem>> -> memref<1x64xi32, #tpu.memory_space<vmem>>
              %dma_start3A_367 = tpu.memref_squeeze %dma_start3A_366 : memref<1x64xi32, #tpu.memory_space<vmem>> -> memref<64xi32, #tpu.memory_space<vmem>>
              %dma_start3A_368 = arith.constant 0 : i32
              %dma_start3A_369 = arith.constant 0 : i32
              %dma_start3A_370 = tpu.memref_slice %arg2[%dma_start3A_368, %dma_start3A_369] : memref<32768x256xf32, #tpu.memory_space<hbm>> -> memref<32768x256xf32, #tpu.memory_space<hbm>>
              tpu.enqueue_indirect_dma source(%dma_start3A_370 : memref<32768x256xf32, #tpu.memory_space<hbm>>) target(%arg17 : memref<64x256xf32, #tpu.memory_space<vmem>>) offsets(%dma_start3A_367 : memref<64xi32, #tpu.memory_space<vmem>>) semaphore(%arg22 : memref<!tpu.dma_semaphore, #tpu.memory_space<semaphore_mem>>)
            } else {
            }
          } else {
          }
          %mul3A_309 = arith.constant 4 : i32
          %mul3A_310 = arith.muli %mul3A_309, %while3A_300 : i32
          %add3A_311 = arith.constant 1 : i32
          %add3A_312 = arith.addi %mul3A_310, %add3A_311 : i32
          %lt3A_313 = arith.cmpi slt, %add3A_312, %sub3A_174 : i32
          %convert_element_type3A_314 = arith.extui %lt3A_313 : i1 to i32
          %cond3A_315 = arith.constant 0 : i32
          %cond3A_316 = arith.cmpi ne, %convert_element_type3A_314, %cond3A_315 : i32
          scf.if %cond3A_316 {
            %dma_wait3A = arith.constant 0 : i32
            %dma_wait3A_334 = tpu.memref_slice %arg14[%add3A_312, %dma_wait3A] : memref<64x64xi32, #tpu.memory_space<vmem>> -> memref<1x64xi32, #tpu.memory_space<vmem>>
            %dma_wait3A_335 = tpu.memref_squeeze %dma_wait3A_334 : memref<1x64xi32, #tpu.memory_space<vmem>> -> memref<64xi32, #tpu.memory_space<vmem>>
            %dma_wait3A_336 = arith.constant 0 : i32
            %dma_wait3A_337 = arith.constant 0 : i32
            %dma_wait3A_338 = tpu.memref_slice %arg2[%dma_wait3A_336, %dma_wait3A_337] : memref<32768x256xf32, #tpu.memory_space<hbm>> -> memref<32768x256xf32, #tpu.memory_space<hbm>>
            tpu.wait_indirect_dma semaphore(%arg21 : memref<!tpu.dma_semaphore, #tpu.memory_space<semaphore_mem>>) src(%dma_wait3A_338 : memref<32768x256xf32, #tpu.memory_space<hbm>>) dst(%arg16 : memref<64x256xf32, #tpu.memory_space<vmem>>)
            %sub3A_339 = arith.constant 1 : i32
            %sub3A_340 = arith.subi %sub3A_174, %sub3A_339 : i32
            %eq3A_341 = arith.cmpi eq, %add3A_312, %sub3A_340 : i32
            %and3A_342 = arith.andi %eq3A_176, %eq3A_341 : i1
            %convert_element_type3A_343 = arith.extui %and3A_342 : i1 to i32
            %cond3A_344 = arith.constant 0 : i32
            %cond3A_345 = arith.cmpi ne, %convert_element_type3A_343, %cond3A_344 : i32
            scf.if %cond3A_345 {
              %sub3A_359 = arith.subi %min3A_127, %mul3A_173 : i32
              %scan3A_360 = arith.constant 0 : i32
              %scan3A_361 = arith.constant 0 : i32
              %scan3A_362 = arith.constant 64 : i32
              %scan3A_363 = arith.addi %scan3A_361, %scan3A_362 : i32
              %scan3A_364 = arith.constant 1 : i32
              %scan3A_365 = scf.for %scan3A_367 = %scan3A_361 to %scan3A_363 step %scan3A_364 iter_args(%scan3A_368 = %scan3A_360) -> (i32)  : i32 {
                %mul3A_369 = arith.constant 64 : i32
                %mul3A_370 = arith.muli %add3A_312, %mul3A_369 : i32
                %add3A_371 = arith.addi %mul3A_370, %scan3A_367 : i32
                %ge3A = arith.cmpi sge, %add3A_371, %sub3A_359 : i32
                %convert_element_type3A_372 = arith.extui %ge3A : i1 to i32
                %cond3A_373 = arith.constant 0 : i32
                %cond3A_374 = arith.cmpi ne, %convert_element_type3A_372, %cond3A_373 : i32
                scf.if %cond3A_374 {
                  %swap3A = arith.index_cast %scan3A_367 : i32 to index
                  %swap3A_376 = arith.constant 0 : index
                  %swap3A_377 = tpu.vector_load %arg16[%swap3A, %swap3A_376] {strides = array<i32>} : memref<64x256xf32, #tpu.memory_space<vmem>>, vector<16xf32>,
                  tpu.vector_store %arg16[%swap3A, %swap3A_376], %broadcast_in_dim3A_9 {strides = array<i32>} : memref<64x256xf32, #tpu.memory_space<vmem>>, vector<16xf32>,
                  %swap3A_378 = arith.index_cast %scan3A_367 : i32 to index
                  %swap3A_379 = arith.constant 16 : index
                  %swap3A_380 = tpu.vector_load %arg16[%swap3A_378, %swap3A_379] {strides = array<i32>} : memref<64x256xf32, #tpu.memory_space<vmem>>, vector<16xf32>,
                  tpu.vector_store %arg16[%swap3A_378, %swap3A_379], %broadcast_in_dim3A_9 {strides = array<i32>} : memref<64x256xf32, #tpu.memory_space<vmem>>, vector<16xf32>,
                  %swap3A_381 = arith.index_cast %scan3A_367 : i32 to index
                  %swap3A_382 = arith.constant 32 : index
                  %swap3A_383 = tpu.vector_load %arg16[%swap3A_381, %swap3A_382] {strides = array<i32>} : memref<64x256xf32, #tpu.memory_space<vmem>>, vector<16xf32>,
                  tpu.vector_store %arg16[%swap3A_381, %swap3A_382], %broadcast_in_dim3A_9 {strides = array<i32>} : memref<64x256xf32, #tpu.memory_space<vmem>>, vector<16xf32>,
                  %swap3A_384 = arith.index_cast %scan3A_367 : i32 to index
                  %swap3A_385 = arith.constant 48 : index
                  %swap3A_386 = tpu.vector_load %arg16[%swap3A_384, %swap3A_385] {strides = array<i32>} : memref<64x256xf32, #tpu.memory_space<vmem>>, vector<16xf32>,
                  tpu.vector_store %arg16[%swap3A_384, %swap3A_385], %broadcast_in_dim3A_9 {strides = array<i32>} : memref<64x256xf32, #tpu.memory_space<vmem>>, vector<16xf32>,
                  %swap3A_387 = arith.index_cast %scan3A_367 : i32 to index
                  %swap3A_388 = arith.constant 64 : index
                  %swap3A_389 = tpu.vector_load %arg16[%swap3A_387, %swap3A_388] {strides = array<i32>} : memref<64x256xf32, #tpu.memory_space<vmem>>, vector<16xf32>,
                  tpu.vector_store %arg16[%swap3A_387, %swap3A_388], %broadcast_in_dim3A_9 {strides = array<i32>} : memref<64x256xf32, #tpu.memory_space<vmem>>, vector<16xf32>,
                  %swap3A_390 = arith.index_cast %scan3A_367 : i32 to index
                  %swap3A_391 = arith.constant 80 : index
                  %swap3A_392 = tpu.vector_load %arg16[%swap3A_390, %swap3A_391] {strides = array<i32>} : memref<64x256xf32, #tpu.memory_space<vmem>>, vector<16xf32>,
                  tpu.vector_store %arg16[%swap3A_390, %swap3A_391], %broadcast_in_dim3A_9 {strides = array<i32>} : memref<64x256xf32, #tpu.memory_space<vmem>>, vector<16xf32>,
                  %swap3A_393 = arith.index_cast %scan3A_367 : i32 to index
                  %swap3A_394 = arith.constant 96 : index
                  %swap3A_395 = tpu.vector_load %arg16[%swap3A_393, %swap3A_394] {strides = array<i32>} : memref<64x256xf32, #tpu.memory_space<vmem>>, vector<16xf32>,
                  tpu.vector_store %arg16[%swap3A_393, %swap3A_394], %broadcast_in_dim3A_9 {strides = array<i32>} : memref<64x256xf32, #tpu.memory_space<vmem>>, vector<16xf32>,
                  %swap3A_396 = arith.index_cast %scan3A_367 : i32 to index
                  %swap3A_397 = arith.constant 112 : index
                  %swap3A_398 = tpu.vector_load %arg16[%swap3A_396, %swap3A_397] {strides = array<i32>} : memref<64x256xf32, #tpu.memory_space<vmem>>, vector<16xf32>,
                  tpu.vector_store %arg16[%swap3A_396, %swap3A_397], %broadcast_in_dim3A_9 {strides = array<i32>} : memref<64x256xf32, #tpu.memory_space<vmem>>, vector<16xf32>,
                  %swap3A_399 = arith.index_cast %scan3A_367 : i32 to index
                  %swap3A_400 = arith.constant 128 : index
                  %swap3A_401 = tpu.vector_load %arg16[%swap3A_399, %swap3A_400] {strides = array<i32>} : memref<64x256xf32, #tpu.memory_space<vmem>>, vector<16xf32>,
                  tpu.vector_store %arg16[%swap3A_399, %swap3A_400], %broadcast_in_dim3A_9 {strides = array<i32>} : memref<64x256xf32, #tpu.memory_space<vmem>>, vector<16xf32>,
                  %swap3A_402 = arith.index_cast %scan3A_367 : i32 to index
                  %swap3A_403 = arith.constant 144 : index
                  %swap3A_404 = tpu.vector_load %arg16[%swap3A_402, %swap3A_403] {strides = array<i32>} : memref<64x256xf32, #tpu.memory_space<vmem>>, vector<16xf32>,
                  tpu.vector_store %arg16[%swap3A_402, %swap3A_403], %broadcast_in_dim3A_9 {strides = array<i32>} : memref<64x256xf32, #tpu.memory_space<vmem>>, vector<16xf32>,
                  %swap3A_405 = arith.index_cast %scan3A_367 : i32 to index
                  %swap3A_406 = arith.constant 160 : index
                  %swap3A_407 = tpu.vector_load %arg16[%swap3A_405, %swap3A_406] {strides = array<i32>} : memref<64x256xf32, #tpu.memory_space<vmem>>, vector<16xf32>,
                  tpu.vector_store %arg16[%swap3A_405, %swap3A_406], %broadcast_in_dim3A_9 {strides = array<i32>} : memref<64x256xf32, #tpu.memory_space<vmem>>, vector<16xf32>,
                  %swap3A_408 = arith.index_cast %scan3A_367 : i32 to index
                  %swap3A_409 = arith.constant 176 : index
                  %swap3A_410 = tpu.vector_load %arg16[%swap3A_408, %swap3A_409] {strides = array<i32>} : memref<64x256xf32, #tpu.memory_space<vmem>>, vector<16xf32>,
                  tpu.vector_store %arg16[%swap3A_408, %swap3A_409], %broadcast_in_dim3A_9 {strides = array<i32>} : memref<64x256xf32, #tpu.memory_space<vmem>>, vector<16xf32>,
                  %swap3A_411 = arith.index_cast %scan3A_367 : i32 to index
                  %swap3A_412 = arith.constant 192 : index
                  %swap3A_413 = tpu.vector_load %arg16[%swap3A_411, %swap3A_412] {strides = array<i32>} : memref<64x256xf32, #tpu.memory_space<vmem>>, vector<16xf32>,
                  tpu.vector_store %arg16[%swap3A_411, %swap3A_412], %broadcast_in_dim3A_9 {strides = array<i32>} : memref<64x256xf32, #tpu.memory_space<vmem>>, vector<16xf32>,
                  %swap3A_414 = arith.index_cast %scan3A_367 : i32 to index
                  %swap3A_415 = arith.constant 208 : index
                  %swap3A_416 = tpu.vector_load %arg16[%swap3A_414, %swap3A_415] {strides = array<i32>} : memref<64x256xf32, #tpu.memory_space<vmem>>, vector<16xf32>,
                  tpu.vector_store %arg16[%swap3A_414, %swap3A_415], %broadcast_in_dim3A_9 {strides = array<i32>} : memref<64x256xf32, #tpu.memory_space<vmem>>, vector<16xf32>,
                  %swap3A_417 = arith.index_cast %scan3A_367 : i32 to index
                  %swap3A_418 = arith.constant 224 : index
                  %swap3A_419 = tpu.vector_load %arg16[%swap3A_417, %swap3A_418] {strides = array<i32>} : memref<64x256xf32, #tpu.memory_space<vmem>>, vector<16xf32>,
                  tpu.vector_store %arg16[%swap3A_417, %swap3A_418], %broadcast_in_dim3A_9 {strides = array<i32>} : memref<64x256xf32, #tpu.memory_space<vmem>>, vector<16xf32>,
                  %swap3A_420 = arith.index_cast %scan3A_367 : i32 to index
                  %swap3A_421 = arith.constant 240 : index
                  %swap3A_422 = tpu.vector_load %arg16[%swap3A_420, %swap3A_421] {strides = array<i32>} : memref<64x256xf32, #tpu.memory_space<vmem>>, vector<16xf32>,
                  tpu.vector_store %arg16[%swap3A_420, %swap3A_421], %broadcast_in_dim3A_9 {strides = array<i32>} : memref<64x256xf32, #tpu.memory_space<vmem>>, vector<16xf32>,
                } else {
                }
                %scan3A_375 = arith.constant 0 : i32
                scf.yield %scan3A_375 : i32
              }
              %scan3A_366 = arith.constant 64 : i32
            } else {
            }
            %mul3A_346 = arith.constant 64 : i32
            %mul3A_347 = arith.muli %add3A_312, %mul3A_346 : i32
            %add3A_348 = arith.addi %add3A_179, %mul3A_347 : i32
            %dma_start3A_349 = arith.constant 0 : i32
            %dma_start3A_350 = tpu.memref_slice %arg6[%add3A_348, %dma_start3A_349] : memref<131072x256xf32, #tpu.memory_space<hbm>> -> memref<64x256xf32, #tpu.memory_space<hbm>>
            %dma_start3A_351 = arith.constant 0 : i32
            %dma_start3A_352 = tpu.memref_slice %arg6[%add3A_348, %dma_start3A_351] : memref<131072x256xf32, #tpu.memory_space<hbm>> -> memref<64x256xf32, #tpu.memory_space<hbm>>
            tpu.enqueue_dma source(%arg16 : memref<64x256xf32, #tpu.memory_space<vmem>>) target(%dma_start3A_352 : memref<64x256xf32, #tpu.memory_space<hbm>>) target_semaphore(%arg25 : memref<!tpu.dma_semaphore, #tpu.memory_space<semaphore_mem>>)
            %add3A_353 = arith.constant 2 : i32
            %add3A_354 = arith.addi %add3A_312, %add3A_353 : i32
            %lt3A_355 = arith.cmpi slt, %add3A_354, %sub3A_174 : i32
            %convert_element_type3A_356 = arith.extui %lt3A_355 : i1 to i32
            %cond3A_357 = arith.constant 0 : i32
            %cond3A_358 = arith.cmpi ne, %convert_element_type3A_356, %cond3A_357 : i32
            scf.if %cond3A_358 {
              %ge3A = arith.constant 2 : i32
              %ge3A_359 = arith.cmpi sge, %add3A_312, %ge3A : i32
              %convert_element_type3A_360 = arith.extui %ge3A_359 : i1 to i32
              %cond3A_361 = arith.constant 0 : i32
              %cond3A_362 = arith.cmpi ne, %convert_element_type3A_360, %cond3A_361 : i32
              scf.if %cond3A_362 {
                %dma_wait3A_371 = arith.constant 0 : i32
                %dma_wait3A_372 = tpu.memref_slice %arg6[%add3A_179, %dma_wait3A_371] : memref<131072x256xf32, #tpu.memory_space<hbm>> -> memref<64x256xf32, #tpu.memory_space<hbm>>
                %dma_wait3A_373 = arith.constant 0 : i32
                %dma_wait3A_374 = tpu.memref_slice %arg6[%add3A_179, %dma_wait3A_373] : memref<131072x256xf32, #tpu.memory_space<hbm>> -> memref<64x256xf32, #tpu.memory_space<hbm>>
                tpu.wait_dma2 semaphore(%arg27 : memref<!tpu.dma_semaphore, #tpu.memory_space<semaphore_mem>>) src(%arg18 : memref<64x256xf32, #tpu.memory_space<vmem>>) dst(%dma_wait3A_374 : memref<64x256xf32, #tpu.memory_space<hbm>>)
              } else {
              }
              %add3A_363 = arith.constant 2 : i32
              %add3A_364 = arith.addi %add3A_312, %add3A_363 : i32
              %dma_start3A_365 = arith.constant 0 : i32
              %dma_start3A_366 = tpu.memref_slice %arg14[%add3A_364, %dma_start3A_365] : memref<64x64xi32, #tpu.memory_space<vmem>> -> memref<1x64xi32, #tpu.memory_space<vmem>>
              %dma_start3A_367 = tpu.memref_squeeze %dma_start3A_366 : memref<1x64xi32, #tpu.memory_space<vmem>> -> memref<64xi32, #tpu.memory_space<vmem>>
              %dma_start3A_368 = arith.constant 0 : i32
              %dma_start3A_369 = arith.constant 0 : i32
              %dma_start3A_370 = tpu.memref_slice %arg2[%dma_start3A_368, %dma_start3A_369] : memref<32768x256xf32, #tpu.memory_space<hbm>> -> memref<32768x256xf32, #tpu.memory_space<hbm>>
              tpu.enqueue_indirect_dma source(%dma_start3A_370 : memref<32768x256xf32, #tpu.memory_space<hbm>>) target(%arg18 : memref<64x256xf32, #tpu.memory_space<vmem>>) offsets(%dma_start3A_367 : memref<64xi32, #tpu.memory_space<vmem>>) semaphore(%arg23 : memref<!tpu.dma_semaphore, #tpu.memory_space<semaphore_mem>>)
            } else {
            }
          } else {
          }
          %mul3A_317 = arith.constant 4 : i32
          %mul3A_318 = arith.muli %mul3A_317, %while3A_300 : i32
          %add3A_319 = arith.constant 2 : i32
          %add3A_320 = arith.addi %mul3A_318, %add3A_319 : i32
          %lt3A_321 = arith.cmpi slt, %add3A_320, %sub3A_174 : i32
          %convert_element_type3A_322 = arith.extui %lt3A_321 : i1 to i32
          %cond3A_323 = arith.constant 0 : i32
          %cond3A_324 = arith.cmpi ne, %convert_element_type3A_322, %cond3A_323 : i32
          scf.if %cond3A_324 {
            %dma_wait3A = arith.constant 0 : i32
            %dma_wait3A_334 = tpu.memref_slice %arg14[%add3A_320, %dma_wait3A] : memref<64x64xi32, #tpu.memory_space<vmem>> -> memref<1x64xi32, #tpu.memory_space<vmem>>
            %dma_wait3A_335 = tpu.memref_squeeze %dma_wait3A_334 : memref<1x64xi32, #tpu.memory_space<vmem>> -> memref<64xi32, #tpu.memory_space<vmem>>
            %dma_wait3A_336 = arith.constant 0 : i32
            %dma_wait3A_337 = arith.constant 0 : i32
            %dma_wait3A_338 = tpu.memref_slice %arg2[%dma_wait3A_336, %dma_wait3A_337] : memref<32768x256xf32, #tpu.memory_space<hbm>> -> memref<32768x256xf32, #tpu.memory_space<hbm>>
            tpu.wait_indirect_dma semaphore(%arg22 : memref<!tpu.dma_semaphore, #tpu.memory_space<semaphore_mem>>) src(%dma_wait3A_338 : memref<32768x256xf32, #tpu.memory_space<hbm>>) dst(%arg17 : memref<64x256xf32, #tpu.memory_space<vmem>>)
            %sub3A_339 = arith.constant 1 : i32
            %sub3A_340 = arith.subi %sub3A_174, %sub3A_339 : i32
            %eq3A_341 = arith.cmpi eq, %add3A_320, %sub3A_340 : i32
            %and3A_342 = arith.andi %eq3A_176, %eq3A_341 : i1
            %convert_element_type3A_343 = arith.extui %and3A_342 : i1 to i32
            %cond3A_344 = arith.constant 0 : i32
            %cond3A_345 = arith.cmpi ne, %convert_element_type3A_343, %cond3A_344 : i32
            scf.if %cond3A_345 {
              %sub3A_359 = arith.subi %min3A_127, %mul3A_173 : i32
              %scan3A_360 = arith.constant 0 : i32
              %scan3A_361 = arith.constant 0 : i32
              %scan3A_362 = arith.constant 64 : i32
              %scan3A_363 = arith.addi %scan3A_361, %scan3A_362 : i32
              %scan3A_364 = arith.constant 1 : i32
              %scan3A_365 = scf.for %scan3A_367 = %scan3A_361 to %scan3A_363 step %scan3A_364 iter_args(%scan3A_368 = %scan3A_360) -> (i32)  : i32 {
                %mul3A_369 = arith.constant 64 : i32
                %mul3A_370 = arith.muli %add3A_320, %mul3A_369 : i32
                %add3A_371 = arith.addi %mul3A_370, %scan3A_367 : i32
                %ge3A = arith.cmpi sge, %add3A_371, %sub3A_359 : i32
                %convert_element_type3A_372 = arith.extui %ge3A : i1 to i32
                %cond3A_373 = arith.constant 0 : i32
                %cond3A_374 = arith.cmpi ne, %convert_element_type3A_372, %cond3A_373 : i32
                scf.if %cond3A_374 {
                  %swap3A = arith.index_cast %scan3A_367 : i32 to index
                  %swap3A_376 = arith.constant 0 : index
                  %swap3A_377 = tpu.vector_load %arg17[%swap3A, %swap3A_376] {strides = array<i32>} : memref<64x256xf32, #tpu.memory_space<vmem>>, vector<16xf32>,
                  tpu.vector_store %arg17[%swap3A, %swap3A_376], %broadcast_in_dim3A_9 {strides = array<i32>} : memref<64x256xf32, #tpu.memory_space<vmem>>, vector<16xf32>,
                  %swap3A_378 = arith.index_cast %scan3A_367 : i32 to index
                  %swap3A_379 = arith.constant 16 : index
                  %swap3A_380 = tpu.vector_load %arg17[%swap3A_378, %swap3A_379] {strides = array<i32>} : memref<64x256xf32, #tpu.memory_space<vmem>>, vector<16xf32>,
                  tpu.vector_store %arg17[%swap3A_378, %swap3A_379], %broadcast_in_dim3A_9 {strides = array<i32>} : memref<64x256xf32, #tpu.memory_space<vmem>>, vector<16xf32>,
                  %swap3A_381 = arith.index_cast %scan3A_367 : i32 to index
                  %swap3A_382 = arith.constant 32 : index
                  %swap3A_383 = tpu.vector_load %arg17[%swap3A_381, %swap3A_382] {strides = array<i32>} : memref<64x256xf32, #tpu.memory_space<vmem>>, vector<16xf32>,
                  tpu.vector_store %arg17[%swap3A_381, %swap3A_382], %broadcast_in_dim3A_9 {strides = array<i32>} : memref<64x256xf32, #tpu.memory_space<vmem>>, vector<16xf32>,
                  %swap3A_384 = arith.index_cast %scan3A_367 : i32 to index
                  %swap3A_385 = arith.constant 48 : index
                  %swap3A_386 = tpu.vector_load %arg17[%swap3A_384, %swap3A_385] {strides = array<i32>} : memref<64x256xf32, #tpu.memory_space<vmem>>, vector<16xf32>,
                  tpu.vector_store %arg17[%swap3A_384, %swap3A_385], %broadcast_in_dim3A_9 {strides = array<i32>} : memref<64x256xf32, #tpu.memory_space<vmem>>, vector<16xf32>,
                  %swap3A_387 = arith.index_cast %scan3A_367 : i32 to index
                  %swap3A_388 = arith.constant 64 : index
                  %swap3A_389 = tpu.vector_load %arg17[%swap3A_387, %swap3A_388] {strides = array<i32>} : memref<64x256xf32, #tpu.memory_space<vmem>>, vector<16xf32>,
                  tpu.vector_store %arg17[%swap3A_387, %swap3A_388], %broadcast_in_dim3A_9 {strides = array<i32>} : memref<64x256xf32, #tpu.memory_space<vmem>>, vector<16xf32>,
                  %swap3A_390 = arith.index_cast %scan3A_367 : i32 to index
                  %swap3A_391 = arith.constant 80 : index
                  %swap3A_392 = tpu.vector_load %arg17[%swap3A_390, %swap3A_391] {strides = array<i32>} : memref<64x256xf32, #tpu.memory_space<vmem>>, vector<16xf32>,
                  tpu.vector_store %arg17[%swap3A_390, %swap3A_391], %broadcast_in_dim3A_9 {strides = array<i32>} : memref<64x256xf32, #tpu.memory_space<vmem>>, vector<16xf32>,
                  %swap3A_393 = arith.index_cast %scan3A_367 : i32 to index
                  %swap3A_394 = arith.constant 96 : index
                  %swap3A_395 = tpu.vector_load %arg17[%swap3A_393, %swap3A_394] {strides = array<i32>} : memref<64x256xf32, #tpu.memory_space<vmem>>, vector<16xf32>,
                  tpu.vector_store %arg17[%swap3A_393, %swap3A_394], %broadcast_in_dim3A_9 {strides = array<i32>} : memref<64x256xf32, #tpu.memory_space<vmem>>, vector<16xf32>,
                  %swap3A_396 = arith.index_cast %scan3A_367 : i32 to index
                  %swap3A_397 = arith.constant 112 : index
                  %swap3A_398 = tpu.vector_load %arg17[%swap3A_396, %swap3A_397] {strides = array<i32>} : memref<64x256xf32, #tpu.memory_space<vmem>>, vector<16xf32>,
                  tpu.vector_store %arg17[%swap3A_396, %swap3A_397], %broadcast_in_dim3A_9 {strides = array<i32>} : memref<64x256xf32, #tpu.memory_space<vmem>>, vector<16xf32>,
                  %swap3A_399 = arith.index_cast %scan3A_367 : i32 to index
                  %swap3A_400 = arith.constant 128 : index
                  %swap3A_401 = tpu.vector_load %arg17[%swap3A_399, %swap3A_400] {strides = array<i32>} : memref<64x256xf32, #tpu.memory_space<vmem>>, vector<16xf32>,
                  tpu.vector_store %arg17[%swap3A_399, %swap3A_400], %broadcast_in_dim3A_9 {strides = array<i32>} : memref<64x256xf32, #tpu.memory_space<vmem>>, vector<16xf32>,
                  %swap3A_402 = arith.index_cast %scan3A_367 : i32 to index
                  %swap3A_403 = arith.constant 144 : index
                  %swap3A_404 = tpu.vector_load %arg17[%swap3A_402, %swap3A_403] {strides = array<i32>} : memref<64x256xf32, #tpu.memory_space<vmem>>, vector<16xf32>,
                  tpu.vector_store %arg17[%swap3A_402, %swap3A_403], %broadcast_in_dim3A_9 {strides = array<i32>} : memref<64x256xf32, #tpu.memory_space<vmem>>, vector<16xf32>,
                  %swap3A_405 = arith.index_cast %scan3A_367 : i32 to index
                  %swap3A_406 = arith.constant 160 : index
                  %swap3A_407 = tpu.vector_load %arg17[%swap3A_405, %swap3A_406] {strides = array<i32>} : memref<64x256xf32, #tpu.memory_space<vmem>>, vector<16xf32>,
                  tpu.vector_store %arg17[%swap3A_405, %swap3A_406], %broadcast_in_dim3A_9 {strides = array<i32>} : memref<64x256xf32, #tpu.memory_space<vmem>>, vector<16xf32>,
                  %swap3A_408 = arith.index_cast %scan3A_367 : i32 to index
                  %swap3A_409 = arith.constant 176 : index
                  %swap3A_410 = tpu.vector_load %arg17[%swap3A_408, %swap3A_409] {strides = array<i32>} : memref<64x256xf32, #tpu.memory_space<vmem>>, vector<16xf32>,
                  tpu.vector_store %arg17[%swap3A_408, %swap3A_409], %broadcast_in_dim3A_9 {strides = array<i32>} : memref<64x256xf32, #tpu.memory_space<vmem>>, vector<16xf32>,
                  %swap3A_411 = arith.index_cast %scan3A_367 : i32 to index
                  %swap3A_412 = arith.constant 192 : index
                  %swap3A_413 = tpu.vector_load %arg17[%swap3A_411, %swap3A_412] {strides = array<i32>} : memref<64x256xf32, #tpu.memory_space<vmem>>, vector<16xf32>,
                  tpu.vector_store %arg17[%swap3A_411, %swap3A_412], %broadcast_in_dim3A_9 {strides = array<i32>} : memref<64x256xf32, #tpu.memory_space<vmem>>, vector<16xf32>,
                  %swap3A_414 = arith.index_cast %scan3A_367 : i32 to index
                  %swap3A_415 = arith.constant 208 : index
                  %swap3A_416 = tpu.vector_load %arg17[%swap3A_414, %swap3A_415] {strides = array<i32>} : memref<64x256xf32, #tpu.memory_space<vmem>>, vector<16xf32>,
                  tpu.vector_store %arg17[%swap3A_414, %swap3A_415], %broadcast_in_dim3A_9 {strides = array<i32>} : memref<64x256xf32, #tpu.memory_space<vmem>>, vector<16xf32>,
                  %swap3A_417 = arith.index_cast %scan3A_367 : i32 to index
                  %swap3A_418 = arith.constant 224 : index
                  %swap3A_419 = tpu.vector_load %arg17[%swap3A_417, %swap3A_418] {strides = array<i32>} : memref<64x256xf32, #tpu.memory_space<vmem>>, vector<16xf32>,
                  tpu.vector_store %arg17[%swap3A_417, %swap3A_418], %broadcast_in_dim3A_9 {strides = array<i32>} : memref<64x256xf32, #tpu.memory_space<vmem>>, vector<16xf32>,
                  %swap3A_420 = arith.index_cast %scan3A_367 : i32 to index
                  %swap3A_421 = arith.constant 240 : index
                  %swap3A_422 = tpu.vector_load %arg17[%swap3A_420, %swap3A_421] {strides = array<i32>} : memref<64x256xf32, #tpu.memory_space<vmem>>, vector<16xf32>,
                  tpu.vector_store %arg17[%swap3A_420, %swap3A_421], %broadcast_in_dim3A_9 {strides = array<i32>} : memref<64x256xf32, #tpu.memory_space<vmem>>, vector<16xf32>,
                } else {
                }
                %scan3A_375 = arith.constant 0 : i32
                scf.yield %scan3A_375 : i32
              }
              %scan3A_366 = arith.constant 64 : i32
            } else {
            }
            %mul3A_346 = arith.constant 64 : i32
            %mul3A_347 = arith.muli %add3A_320, %mul3A_346 : i32
            %add3A_348 = arith.addi %add3A_179, %mul3A_347 : i32
            %dma_start3A_349 = arith.constant 0 : i32
            %dma_start3A_350 = tpu.memref_slice %arg6[%add3A_348, %dma_start3A_349] : memref<131072x256xf32, #tpu.memory_space<hbm>> -> memref<64x256xf32, #tpu.memory_space<hbm>>
            %dma_start3A_351 = arith.constant 0 : i32
            %dma_start3A_352 = tpu.memref_slice %arg6[%add3A_348, %dma_start3A_351] : memref<131072x256xf32, #tpu.memory_space<hbm>> -> memref<64x256xf32, #tpu.memory_space<hbm>>
            tpu.enqueue_dma source(%arg17 : memref<64x256xf32, #tpu.memory_space<vmem>>) target(%dma_start3A_352 : memref<64x256xf32, #tpu.memory_space<hbm>>) target_semaphore(%arg26 : memref<!tpu.dma_semaphore, #tpu.memory_space<semaphore_mem>>)
            %add3A_353 = arith.constant 2 : i32
            %add3A_354 = arith.addi %add3A_320, %add3A_353 : i32
            %lt3A_355 = arith.cmpi slt, %add3A_354, %sub3A_174 : i32
            %convert_element_type3A_356 = arith.extui %lt3A_355 : i1 to i32
            %cond3A_357 = arith.constant 0 : i32
            %cond3A_358 = arith.cmpi ne, %convert_element_type3A_356, %cond3A_357 : i32
            scf.if %cond3A_358 {
              %ge3A = arith.constant 2 : i32
              %ge3A_359 = arith.cmpi sge, %add3A_320, %ge3A : i32
              %convert_element_type3A_360 = arith.extui %ge3A_359 : i1 to i32
              %cond3A_361 = arith.constant 0 : i32
              %cond3A_362 = arith.cmpi ne, %convert_element_type3A_360, %cond3A_361 : i32
              scf.if %cond3A_362 {
                %dma_wait3A_371 = arith.constant 0 : i32
                %dma_wait3A_372 = tpu.memref_slice %arg6[%add3A_179, %dma_wait3A_371] : memref<131072x256xf32, #tpu.memory_space<hbm>> -> memref<64x256xf32, #tpu.memory_space<hbm>>
                %dma_wait3A_373 = arith.constant 0 : i32
                %dma_wait3A_374 = tpu.memref_slice %arg6[%add3A_179, %dma_wait3A_373] : memref<131072x256xf32, #tpu.memory_space<hbm>> -> memref<64x256xf32, #tpu.memory_space<hbm>>
                tpu.wait_dma2 semaphore(%arg24 : memref<!tpu.dma_semaphore, #tpu.memory_space<semaphore_mem>>) src(%arg15 : memref<64x256xf32, #tpu.memory_space<vmem>>) dst(%dma_wait3A_374 : memref<64x256xf32, #tpu.memory_space<hbm>>)
              } else {
              }
              %add3A_363 = arith.constant 2 : i32
              %add3A_364 = arith.addi %add3A_320, %add3A_363 : i32
              %dma_start3A_365 = arith.constant 0 : i32
              %dma_start3A_366 = tpu.memref_slice %arg14[%add3A_364, %dma_start3A_365] : memref<64x64xi32, #tpu.memory_space<vmem>> -> memref<1x64xi32, #tpu.memory_space<vmem>>
              %dma_start3A_367 = tpu.memref_squeeze %dma_start3A_366 : memref<1x64xi32, #tpu.memory_space<vmem>> -> memref<64xi32, #tpu.memory_space<vmem>>
              %dma_start3A_368 = arith.constant 0 : i32
              %dma_start3A_369 = arith.constant 0 : i32
              %dma_start3A_370 = tpu.memref_slice %arg2[%dma_start3A_368, %dma_start3A_369] : memref<32768x256xf32, #tpu.memory_space<hbm>> -> memref<32768x256xf32, #tpu.memory_space<hbm>>
              tpu.enqueue_indirect_dma source(%dma_start3A_370 : memref<32768x256xf32, #tpu.memory_space<hbm>>) target(%arg15 : memref<64x256xf32, #tpu.memory_space<vmem>>) offsets(%dma_start3A_367 : memref<64xi32, #tpu.memory_space<vmem>>) semaphore(%arg20 : memref<!tpu.dma_semaphore, #tpu.memory_space<semaphore_mem>>)
            } else {
            }
          } else {
          }
          %mul3A_325 = arith.constant 4 : i32
          %mul3A_326 = arith.muli %mul3A_325, %while3A_300 : i32
          %add3A_327 = arith.constant 3 : i32
          %add3A_328 = arith.addi %mul3A_326, %add3A_327 : i32
          %lt3A_329 = arith.cmpi slt, %add3A_328, %sub3A_174 : i32
          %convert_element_type3A_330 = arith.extui %lt3A_329 : i1 to i32
          %cond3A_331 = arith.constant 0 : i32
          %cond3A_332 = arith.cmpi ne, %convert_element_type3A_330, %cond3A_331 : i32
          scf.if %cond3A_332 {
            %dma_wait3A = arith.constant 0 : i32
            %dma_wait3A_334 = tpu.memref_slice %arg14[%add3A_328, %dma_wait3A] : memref<64x64xi32, #tpu.memory_space<vmem>> -> memref<1x64xi32, #tpu.memory_space<vmem>>
            %dma_wait3A_335 = tpu.memref_squeeze %dma_wait3A_334 : memref<1x64xi32, #tpu.memory_space<vmem>> -> memref<64xi32, #tpu.memory_space<vmem>>
            %dma_wait3A_336 = arith.constant 0 : i32
            %dma_wait3A_337 = arith.constant 0 : i32
            %dma_wait3A_338 = tpu.memref_slice %arg2[%dma_wait3A_336, %dma_wait3A_337] : memref<32768x256xf32, #tpu.memory_space<hbm>> -> memref<32768x256xf32, #tpu.memory_space<hbm>>
            tpu.wait_indirect_dma semaphore(%arg23 : memref<!tpu.dma_semaphore, #tpu.memory_space<semaphore_mem>>) src(%dma_wait3A_338 : memref<32768x256xf32, #tpu.memory_space<hbm>>) dst(%arg18 : memref<64x256xf32, #tpu.memory_space<vmem>>)
            %sub3A_339 = arith.constant 1 : i32
            %sub3A_340 = arith.subi %sub3A_174, %sub3A_339 : i32
            %eq3A_341 = arith.cmpi eq, %add3A_328, %sub3A_340 : i32
            %and3A_342 = arith.andi %eq3A_176, %eq3A_341 : i1
            %convert_element_type3A_343 = arith.extui %and3A_342 : i1 to i32
            %cond3A_344 = arith.constant 0 : i32
            %cond3A_345 = arith.cmpi ne, %convert_element_type3A_343, %cond3A_344 : i32
            scf.if %cond3A_345 {
              %sub3A_359 = arith.subi %min3A_127, %mul3A_173 : i32
              %scan3A_360 = arith.constant 0 : i32
              %scan3A_361 = arith.constant 0 : i32
              %scan3A_362 = arith.constant 64 : i32
              %scan3A_363 = arith.addi %scan3A_361, %scan3A_362 : i32
              %scan3A_364 = arith.constant 1 : i32
              %scan3A_365 = scf.for %scan3A_367 = %scan3A_361 to %scan3A_363 step %scan3A_364 iter_args(%scan3A_368 = %scan3A_360) -> (i32)  : i32 {
                %mul3A_369 = arith.constant 64 : i32
                %mul3A_370 = arith.muli %add3A_328, %mul3A_369 : i32
                %add3A_371 = arith.addi %mul3A_370, %scan3A_367 : i32
                %ge3A = arith.cmpi sge, %add3A_371, %sub3A_359 : i32
                %convert_element_type3A_372 = arith.extui %ge3A : i1 to i32
                %cond3A_373 = arith.constant 0 : i32
                %cond3A_374 = arith.cmpi ne, %convert_element_type3A_372, %cond3A_373 : i32
                scf.if %cond3A_374 {
                  %swap3A = arith.index_cast %scan3A_367 : i32 to index
                  %swap3A_376 = arith.constant 0 : index
                  %swap3A_377 = tpu.vector_load %arg18[%swap3A, %swap3A_376] {strides = array<i32>} : memref<64x256xf32, #tpu.memory_space<vmem>>, vector<16xf32>,
                  tpu.vector_store %arg18[%swap3A, %swap3A_376], %broadcast_in_dim3A_9 {strides = array<i32>} : memref<64x256xf32, #tpu.memory_space<vmem>>, vector<16xf32>,
                  %swap3A_378 = arith.index_cast %scan3A_367 : i32 to index
                  %swap3A_379 = arith.constant 16 : index
                  %swap3A_380 = tpu.vector_load %arg18[%swap3A_378, %swap3A_379] {strides = array<i32>} : memref<64x256xf32, #tpu.memory_space<vmem>>, vector<16xf32>,
                  tpu.vector_store %arg18[%swap3A_378, %swap3A_379], %broadcast_in_dim3A_9 {strides = array<i32>} : memref<64x256xf32, #tpu.memory_space<vmem>>, vector<16xf32>,
                  %swap3A_381 = arith.index_cast %scan3A_367 : i32 to index
                  %swap3A_382 = arith.constant 32 : index
                  %swap3A_383 = tpu.vector_load %arg18[%swap3A_381, %swap3A_382] {strides = array<i32>} : memref<64x256xf32, #tpu.memory_space<vmem>>, vector<16xf32>,
                  tpu.vector_store %arg18[%swap3A_381, %swap3A_382], %broadcast_in_dim3A_9 {strides = array<i32>} : memref<64x256xf32, #tpu.memory_space<vmem>>, vector<16xf32>,
                  %swap3A_384 = arith.index_cast %scan3A_367 : i32 to index
                  %swap3A_385 = arith.constant 48 : index
                  %swap3A_386 = tpu.vector_load %arg18[%swap3A_384, %swap3A_385] {strides = array<i32>} : memref<64x256xf32, #tpu.memory_space<vmem>>, vector<16xf32>,
                  tpu.vector_store %arg18[%swap3A_384, %swap3A_385], %broadcast_in_dim3A_9 {strides = array<i32>} : memref<64x256xf32, #tpu.memory_space<vmem>>, vector<16xf32>,
                  %swap3A_387 = arith.index_cast %scan3A_367 : i32 to index
                  %swap3A_388 = arith.constant 64 : index
                  %swap3A_389 = tpu.vector_load %arg18[%swap3A_387, %swap3A_388] {strides = array<i32>} : memref<64x256xf32, #tpu.memory_space<vmem>>, vector<16xf32>,
                  tpu.vector_store %arg18[%swap3A_387, %swap3A_388], %broadcast_in_dim3A_9 {strides = array<i32>} : memref<64x256xf32, #tpu.memory_space<vmem>>, vector<16xf32>,
                  %swap3A_390 = arith.index_cast %scan3A_367 : i32 to index
                  %swap3A_391 = arith.constant 80 : index
                  %swap3A_392 = tpu.vector_load %arg18[%swap3A_390, %swap3A_391] {strides = array<i32>} : memref<64x256xf32, #tpu.memory_space<vmem>>, vector<16xf32>,
                  tpu.vector_store %arg18[%swap3A_390, %swap3A_391], %broadcast_in_dim3A_9 {strides = array<i32>} : memref<64x256xf32, #tpu.memory_space<vmem>>, vector<16xf32>,
                  %swap3A_393 = arith.index_cast %scan3A_367 : i32 to index
                  %swap3A_394 = arith.constant 96 : index
                  %swap3A_395 = tpu.vector_load %arg18[%swap3A_393, %swap3A_394] {strides = array<i32>} : memref<64x256xf32, #tpu.memory_space<vmem>>, vector<16xf32>,
                  tpu.vector_store %arg18[%swap3A_393, %swap3A_394], %broadcast_in_dim3A_9 {strides = array<i32>} : memref<64x256xf32, #tpu.memory_space<vmem>>, vector<16xf32>,
                  %swap3A_396 = arith.index_cast %scan3A_367 : i32 to index
                  %swap3A_397 = arith.constant 112 : index
                  %swap3A_398 = tpu.vector_load %arg18[%swap3A_396, %swap3A_397] {strides = array<i32>} : memref<64x256xf32, #tpu.memory_space<vmem>>, vector<16xf32>,
                  tpu.vector_store %arg18[%swap3A_396, %swap3A_397], %broadcast_in_dim3A_9 {strides = array<i32>} : memref<64x256xf32, #tpu.memory_space<vmem>>, vector<16xf32>,
                  %swap3A_399 = arith.index_cast %scan3A_367 : i32 to index
                  %swap3A_400 = arith.constant 128 : index
                  %swap3A_401 = tpu.vector_load %arg18[%swap3A_399, %swap3A_400] {strides = array<i32>} : memref<64x256xf32, #tpu.memory_space<vmem>>, vector<16xf32>,
                  tpu.vector_store %arg18[%swap3A_399, %swap3A_400], %broadcast_in_dim3A_9 {strides = array<i32>} : memref<64x256xf32, #tpu.memory_space<vmem>>, vector<16xf32>,
                  %swap3A_402 = arith.index_cast %scan3A_367 : i32 to index
                  %swap3A_403 = arith.constant 144 : index
                  %swap3A_404 = tpu.vector_load %arg18[%swap3A_402, %swap3A_403] {strides = array<i32>} : memref<64x256xf32, #tpu.memory_space<vmem>>, vector<16xf32>,
                  tpu.vector_store %arg18[%swap3A_402, %swap3A_403], %broadcast_in_dim3A_9 {strides = array<i32>} : memref<64x256xf32, #tpu.memory_space<vmem>>, vector<16xf32>,
                  %swap3A_405 = arith.index_cast %scan3A_367 : i32 to index
                  %swap3A_406 = arith.constant 160 : index
                  %swap3A_407 = tpu.vector_load %arg18[%swap3A_405, %swap3A_406] {strides = array<i32>} : memref<64x256xf32, #tpu.memory_space<vmem>>, vector<16xf32>,
                  tpu.vector_store %arg18[%swap3A_405, %swap3A_406], %broadcast_in_dim3A_9 {strides = array<i32>} : memref<64x256xf32, #tpu.memory_space<vmem>>, vector<16xf32>,
                  %swap3A_408 = arith.index_cast %scan3A_367 : i32 to index
                  %swap3A_409 = arith.constant 176 : index
                  %swap3A_410 = tpu.vector_load %arg18[%swap3A_408, %swap3A_409] {strides = array<i32>} : memref<64x256xf32, #tpu.memory_space<vmem>>, vector<16xf32>,
                  tpu.vector_store %arg18[%swap3A_408, %swap3A_409], %broadcast_in_dim3A_9 {strides = array<i32>} : memref<64x256xf32, #tpu.memory_space<vmem>>, vector<16xf32>,
                  %swap3A_411 = arith.index_cast %scan3A_367 : i32 to index
                  %swap3A_412 = arith.constant 192 : index
                  %swap3A_413 = tpu.vector_load %arg18[%swap3A_411, %swap3A_412] {strides = array<i32>} : memref<64x256xf32, #tpu.memory_space<vmem>>, vector<16xf32>,
                  tpu.vector_store %arg18[%swap3A_411, %swap3A_412], %broadcast_in_dim3A_9 {strides = array<i32>} : memref<64x256xf32, #tpu.memory_space<vmem>>, vector<16xf32>,
                  %swap3A_414 = arith.index_cast %scan3A_367 : i32 to index
                  %swap3A_415 = arith.constant 208 : index
                  %swap3A_416 = tpu.vector_load %arg18[%swap3A_414, %swap3A_415] {strides = array<i32>} : memref<64x256xf32, #tpu.memory_space<vmem>>, vector<16xf32>,
                  tpu.vector_store %arg18[%swap3A_414, %swap3A_415], %broadcast_in_dim3A_9 {strides = array<i32>} : memref<64x256xf32, #tpu.memory_space<vmem>>, vector<16xf32>,
                  %swap3A_417 = arith.index_cast %scan3A_367 : i32 to index
                  %swap3A_418 = arith.constant 224 : index
                  %swap3A_419 = tpu.vector_load %arg18[%swap3A_417, %swap3A_418] {strides = array<i32>} : memref<64x256xf32, #tpu.memory_space<vmem>>, vector<16xf32>,
                  tpu.vector_store %arg18[%swap3A_417, %swap3A_418], %broadcast_in_dim3A_9 {strides = array<i32>} : memref<64x256xf32, #tpu.memory_space<vmem>>, vector<16xf32>,
                  %swap3A_420 = arith.index_cast %scan3A_367 : i32 to index
                  %swap3A_421 = arith.constant 240 : index
                  %swap3A_422 = tpu.vector_load %arg18[%swap3A_420, %swap3A_421] {strides = array<i32>} : memref<64x256xf32, #tpu.memory_space<vmem>>, vector<16xf32>,
                  tpu.vector_store %arg18[%swap3A_420, %swap3A_421], %broadcast_in_dim3A_9 {strides = array<i32>} : memref<64x256xf32, #tpu.memory_space<vmem>>, vector<16xf32>,
                } else {
                }
                %scan3A_375 = arith.constant 0 : i32
                scf.yield %scan3A_375 : i32
              }
              %scan3A_366 = arith.constant 64 : i32
            } else {
            }
            %mul3A_346 = arith.constant 64 : i32
            %mul3A_347 = arith.muli %add3A_328, %mul3A_346 : i32
            %add3A_348 = arith.addi %add3A_179, %mul3A_347 : i32
            %dma_start3A_349 = arith.constant 0 : i32
            %dma_start3A_350 = tpu.memref_slice %arg6[%add3A_348, %dma_start3A_349] : memref<131072x256xf32, #tpu.memory_space<hbm>> -> memref<64x256xf32, #tpu.memory_space<hbm>>
            %dma_start3A_351 = arith.constant 0 : i32
            %dma_start3A_352 = tpu.memref_slice %arg6[%add3A_348, %dma_start3A_351] : memref<131072x256xf32, #tpu.memory_space<hbm>> -> memref<64x256xf32, #tpu.memory_space<hbm>>
            tpu.enqueue_dma source(%arg18 : memref<64x256xf32, #tpu.memory_space<vmem>>) target(%dma_start3A_352 : memref<64x256xf32, #tpu.memory_space<hbm>>) target_semaphore(%arg27 : memref<!tpu.dma_semaphore, #tpu.memory_space<semaphore_mem>>)
            %add3A_353 = arith.constant 2 : i32
            %add3A_354 = arith.addi %add3A_328, %add3A_353 : i32
            %lt3A_355 = arith.cmpi slt, %add3A_354, %sub3A_174 : i32
            %convert_element_type3A_356 = arith.extui %lt3A_355 : i1 to i32
            %cond3A_357 = arith.constant 0 : i32
            %cond3A_358 = arith.cmpi ne, %convert_element_type3A_356, %cond3A_357 : i32
            scf.if %cond3A_358 {
              %ge3A = arith.constant 2 : i32
              %ge3A_359 = arith.cmpi sge, %add3A_328, %ge3A : i32
              %convert_element_type3A_360 = arith.extui %ge3A_359 : i1 to i32
              %cond3A_361 = arith.constant 0 : i32
              %cond3A_362 = arith.cmpi ne, %convert_element_type3A_360, %cond3A_361 : i32
              scf.if %cond3A_362 {
                %dma_wait3A_371 = arith.constant 0 : i32
                %dma_wait3A_372 = tpu.memref_slice %arg6[%add3A_179, %dma_wait3A_371] : memref<131072x256xf32, #tpu.memory_space<hbm>> -> memref<64x256xf32, #tpu.memory_space<hbm>>
                %dma_wait3A_373 = arith.constant 0 : i32
                %dma_wait3A_374 = tpu.memref_slice %arg6[%add3A_179, %dma_wait3A_373] : memref<131072x256xf32, #tpu.memory_space<hbm>> -> memref<64x256xf32, #tpu.memory_space<hbm>>
                tpu.wait_dma2 semaphore(%arg25 : memref<!tpu.dma_semaphore, #tpu.memory_space<semaphore_mem>>) src(%arg16 : memref<64x256xf32, #tpu.memory_space<vmem>>) dst(%dma_wait3A_374 : memref<64x256xf32, #tpu.memory_space<hbm>>)
              } else {
              }
              %add3A_363 = arith.constant 2 : i32
              %add3A_364 = arith.addi %add3A_328, %add3A_363 : i32
              %dma_start3A_365 = arith.constant 0 : i32
              %dma_start3A_366 = tpu.memref_slice %arg14[%add3A_364, %dma_start3A_365] : memref<64x64xi32, #tpu.memory_space<vmem>> -> memref<1x64xi32, #tpu.memory_space<vmem>>
              %dma_start3A_367 = tpu.memref_squeeze %dma_start3A_366 : memref<1x64xi32, #tpu.memory_space<vmem>> -> memref<64xi32, #tpu.memory_space<vmem>>
              %dma_start3A_368 = arith.constant 0 : i32
              %dma_start3A_369 = arith.constant 0 : i32
              %dma_start3A_370 = tpu.memref_slice %arg2[%dma_start3A_368, %dma_start3A_369] : memref<32768x256xf32, #tpu.memory_space<hbm>> -> memref<32768x256xf32, #tpu.memory_space<hbm>>
              tpu.enqueue_indirect_dma source(%dma_start3A_370 : memref<32768x256xf32, #tpu.memory_space<hbm>>) target(%arg16 : memref<64x256xf32, #tpu.memory_space<vmem>>) offsets(%dma_start3A_367 : memref<64xi32, #tpu.memory_space<vmem>>) semaphore(%arg21 : memref<!tpu.dma_semaphore, #tpu.memory_space<semaphore_mem>>)
            } else {
            }
          } else {
          }
          %while3A_333 = arith.constant 0 : i32
          scf.yield %while3A_333 : i32
        }
        %gt3A_280 = arith.constant 0 : i32
        %gt3A_281 = arith.cmpi sgt, %sub3A_174, %gt3A_280 : i32
        %convert_element_type3A_282 = arith.extui %gt3A_281 : i1 to i32
        %cond3A_283 = arith.constant 0 : i32
        %cond3A_284 = arith.cmpi ne, %convert_element_type3A_282, %cond3A_283 : i32
        scf.if %cond3A_284 {
          %dma_wait3A = arith.constant 0 : i32
          %dma_wait3A_300 = tpu.memref_slice %arg6[%add3A_179, %dma_wait3A] : memref<131072x256xf32, #tpu.memory_space<hbm>> -> memref<64x256xf32, #tpu.memory_space<hbm>>
          %dma_wait3A_301 = arith.constant 0 : i32
          %dma_wait3A_302 = tpu.memref_slice %arg6[%add3A_179, %dma_wait3A_301] : memref<131072x256xf32, #tpu.memory_space<hbm>> -> memref<64x256xf32, #tpu.memory_space<hbm>>
          tpu.wait_dma2 semaphore(%arg24 : memref<!tpu.dma_semaphore, #tpu.memory_space<semaphore_mem>>) src(%arg15 : memref<64x256xf32, #tpu.memory_space<vmem>>) dst(%dma_wait3A_302 : memref<64x256xf32, #tpu.memory_space<hbm>>)
        } else {
        }
        %gt3A_285 = arith.constant 1 : i32
        %gt3A_286 = arith.cmpi sgt, %sub3A_174, %gt3A_285 : i32
        %convert_element_type3A_287 = arith.extui %gt3A_286 : i1 to i32
        %cond3A_288 = arith.constant 0 : i32
        %cond3A_289 = arith.cmpi ne, %convert_element_type3A_287, %cond3A_288 : i32
        scf.if %cond3A_289 {
          %dma_wait3A = arith.constant 0 : i32
          %dma_wait3A_300 = tpu.memref_slice %arg6[%add3A_179, %dma_wait3A] : memref<131072x256xf32, #tpu.memory_space<hbm>> -> memref<64x256xf32, #tpu.memory_space<hbm>>
          %dma_wait3A_301 = arith.constant 0 : i32
          %dma_wait3A_302 = tpu.memref_slice %arg6[%add3A_179, %dma_wait3A_301] : memref<131072x256xf32, #tpu.memory_space<hbm>> -> memref<64x256xf32, #tpu.memory_space<hbm>>
          tpu.wait_dma2 semaphore(%arg25 : memref<!tpu.dma_semaphore, #tpu.memory_space<semaphore_mem>>) src(%arg16 : memref<64x256xf32, #tpu.memory_space<vmem>>) dst(%dma_wait3A_302 : memref<64x256xf32, #tpu.memory_space<hbm>>)
        } else {
        }
        %gt3A_290 = arith.constant 2 : i32
        %gt3A_291 = arith.cmpi sgt, %sub3A_174, %gt3A_290 : i32
        %convert_element_type3A_292 = arith.extui %gt3A_291 : i1 to i32
        %cond3A_293 = arith.constant 0 : i32
        %cond3A_294 = arith.cmpi ne, %convert_element_type3A_292, %cond3A_293 : i32
        scf.if %cond3A_294 {
          %dma_wait3A = arith.constant 0 : i32
          %dma_wait3A_300 = tpu.memref_slice %arg6[%add3A_179, %dma_wait3A] : memref<131072x256xf32, #tpu.memory_space<hbm>> -> memref<64x256xf32, #tpu.memory_space<hbm>>
          %dma_wait3A_301 = arith.constant 0 : i32
          %dma_wait3A_302 = tpu.memref_slice %arg6[%add3A_179, %dma_wait3A_301] : memref<131072x256xf32, #tpu.memory_space<hbm>> -> memref<64x256xf32, #tpu.memory_space<hbm>>
          tpu.wait_dma2 semaphore(%arg26 : memref<!tpu.dma_semaphore, #tpu.memory_space<semaphore_mem>>) src(%arg17 : memref<64x256xf32, #tpu.memory_space<vmem>>) dst(%dma_wait3A_302 : memref<64x256xf32, #tpu.memory_space<hbm>>)
        } else {
        }
        %gt3A_295 = arith.constant 3 : i32
        %gt3A_296 = arith.cmpi sgt, %sub3A_174, %gt3A_295 : i32
        %convert_element_type3A_297 = arith.extui %gt3A_296 : i1 to i32
        %cond3A_298 = arith.constant 0 : i32
        %cond3A_299 = arith.cmpi ne, %convert_element_type3A_297, %cond3A_298 : i32
        scf.if %cond3A_299 {
          %dma_wait3A = arith.constant 0 : i32
          %dma_wait3A_300 = tpu.memref_slice %arg6[%add3A_179, %dma_wait3A] : memref<131072x256xf32, #tpu.memory_space<hbm>> -> memref<64x256xf32, #tpu.memory_space<hbm>>
          %dma_wait3A_301 = arith.constant 0 : i32
          %dma_wait3A_302 = tpu.memref_slice %arg6[%add3A_179, %dma_wait3A_301] : memref<131072x256xf32, #tpu.memory_space<hbm>> -> memref<64x256xf32, #tpu.memory_space<hbm>>
          tpu.wait_dma2 semaphore(%arg27 : memref<!tpu.dma_semaphore, #tpu.memory_space<semaphore_mem>>) src(%arg18 : memref<64x256xf32, #tpu.memory_space<vmem>>) dst(%dma_wait3A_302 : memref<64x256xf32, #tpu.memory_space<hbm>>)
        } else {
        }
      } else {
      }
      %sub3A_160 = arith.constant 128 : i32
      %sub3A_161 = arith.subi %sub3A_160, %select_n3A_155 : i32
      %max3A_162 = arith.maxsi %min3A_85, %scan3A_110 : i32
      %add3A_163 = arith.addi %scan3A_110, %sub3A_161 : i32
      %min3A_164 = arith.minsi %min3A_87, %add3A_163 : i32
      %gt3A_165 = arith.cmpi sgt, %min3A_164, %max3A_162 : i32
      %convert_element_type3A_166 = arith.extui %gt3A_165 : i1 to i32
      %cond3A_167 = arith.constant 0 : i32
      %cond3A_168 = arith.cmpi ne, %convert_element_type3A_166, %cond3A_167 : i32
      scf.if %cond3A_168 {
        %sub3A_171 = arith.subi %max3A_162, %scan3A_110 : i32
        %add3A_172 = arith.addi %select_n3A_155, %sub3A_171 : i32
        %sub3A_173 = arith.subi %min3A_164, %scan3A_110 : i32
        %add3A_174 = arith.addi %select_n3A_155, %sub3A_173 : i32
        %while3A_175 = arith.constant 0 : i32
        %while3A_176 = arith.subi %add3A_174, %add3A_172 : i32
        %while3A_177 = arith.addi %add3A_172, %while3A_176 : i32
        %while3A_178 = arith.constant 1 : i32
        %while3A_179 = arith.divsi %while3A_176, %while3A_178 : i32
        %while3A_180 = arith.muli %while3A_179, %while3A_178 : i32
        %while3A_181 = arith.addi %add3A_172, %while3A_180 : i32
        %while3A_182 = arith.constant 1 : i32
        %while3A_183 = scf.for %while3A_186 = %add3A_172 to %while3A_181 step %while3A_182 iter_args(%while3A_187 = %while3A_175) -> (i32)  : i32 {
          %mul3A_188 = arith.constant 8192 : i32
          %mul3A_189 = arith.muli %scan3A_108, %mul3A_188 : i32
          %mul3A_190 = arith.constant 64 : i32
          %mul3A_191 = arith.muli %while3A_186, %mul3A_190 : i32
          %add3A_192 = arith.addi %mul3A_189, %mul3A_191 : i32
          %dma_start3A = arith.constant 0 : i32
          %dma_start3A_193 = tpu.memref_slice %arg6[%add3A_192, %dma_start3A] : memref<131072x256xf32, #tpu.memory_space<hbm>> -> memref<64x256xf32, #tpu.memory_space<hbm>>
          %dma_start3A_194 = arith.constant 0 : i32
          %dma_start3A_195 = tpu.memref_slice %arg6[%add3A_192, %dma_start3A_194] : memref<131072x256xf32, #tpu.memory_space<hbm>> -> memref<64x256xf32, #tpu.memory_space<hbm>>
          tpu.enqueue_dma source(%arg19 : memref<64x256xf32, #tpu.memory_space<vmem>>) target(%dma_start3A_195 : memref<64x256xf32, #tpu.memory_space<hbm>>) target_semaphore(%arg28 : memref<!tpu.dma_semaphore, #tpu.memory_space<semaphore_mem>>)
          %while3A_196 = arith.constant 0 : i32
          scf.yield %while3A_196 : i32
        }
        %while3A_184 = arith.constant 1 : i32
        %while3A_185 = scf.for %while3A_186 = %while3A_181 to %while3A_177 step %while3A_184 iter_args(%while3A_187 = %while3A_183) -> (i32)  : i32 {
          %mul3A_188 = arith.constant 8192 : i32
          %mul3A_189 = arith.muli %scan3A_108, %mul3A_188 : i32
          %mul3A_190 = arith.constant 64 : i32
          %mul3A_191 = arith.muli %while3A_186, %mul3A_190 : i32
          %add3A_192 = arith.addi %mul3A_189, %mul3A_191 : i32
          %dma_start3A = arith.constant 0 : i32
          %dma_start3A_193 = tpu.memref_slice %arg6[%add3A_192, %dma_start3A] : memref<131072x256xf32, #tpu.memory_space<hbm>> -> memref<64x256xf32, #tpu.memory_space<hbm>>
          %dma_start3A_194 = arith.constant 0 : i32
          %dma_start3A_195 = tpu.memref_slice %arg6[%add3A_192, %dma_start3A_194] : memref<131072x256xf32, #tpu.memory_space<hbm>> -> memref<64x256xf32, #tpu.memory_space<hbm>>
          tpu.enqueue_dma source(%arg19 : memref<64x256xf32, #tpu.memory_space<vmem>>) target(%dma_start3A_195 : memref<64x256xf32, #tpu.memory_space<hbm>>) target_semaphore(%arg28 : memref<!tpu.dma_semaphore, #tpu.memory_space<semaphore_mem>>)
          %while3A_196 = arith.constant 0 : i32
          scf.yield %while3A_196 : i32
        }
      } else {
      }
      %add3A_169 = arith.addi %scan3A_109, %select_n3A_155 : i32
      %add3A_170 = arith.addi %scan3A_110, %sub3A_161 : i32
      scf.yield %add3A_169, %add3A_170 : i32, i32
    }
    %scan3A_95 = arith.constant 16 : i32
    "tpu.trace_stop"() : () -> ()
    "tpu.trace_start"() <{level = 10 : i32, message = "p4_drain"}> : () -> ()
    %sub3A_96 = arith.subi %min3A_87, %min3A_85 : i32
    %while3A = arith.constant 0 : i32
    %while3A_97 = arith.constant 0 : i32
    %while3A_98 = arith.subi %sub3A_96, %while3A : i32
    %while3A_99 = arith.addi %while3A, %while3A_98 : i32
    %while3A_100 = arith.constant 1 : i32
    %while3A_101 = arith.divsi %while3A_98, %while3A_100 : i32
    %while3A_102 = arith.muli %while3A_101, %while3A_100 : i32
    %while3A_103 = arith.addi %while3A, %while3A_102 : i32
    %while3A_104 = arith.constant 1 : i32
    %while3A_105 = scf.for %while3A_108 = %while3A to %while3A_103 step %while3A_104 iter_args(%while3A_109 = %while3A_97) -> (i32)  : i32 {
      %dma_wait3A = arith.constant 0 : i32
      %dma_wait3A_110 = arith.constant 0 : i32
      %dma_wait3A_111 = tpu.memref_slice %arg6[%dma_wait3A, %dma_wait3A_110] : memref<131072x256xf32, #tpu.memory_space<hbm>> -> memref<64x256xf32, #tpu.memory_space<hbm>>
      %dma_wait3A_112 = arith.constant 0 : i32
      %dma_wait3A_113 = arith.constant 0 : i32
      %dma_wait3A_114 = tpu.memref_slice %arg6[%dma_wait3A_112, %dma_wait3A_113] : memref<131072x256xf32, #tpu.memory_space<hbm>> -> memref<64x256xf32, #tpu.memory_space<hbm>>
      tpu.wait_dma2 semaphore(%arg28 : memref<!tpu.dma_semaphore, #tpu.memory_space<semaphore_mem>>) src(%arg19 : memref<64x256xf32, #tpu.memory_space<vmem>>) dst(%dma_wait3A_114 : memref<64x256xf32, #tpu.memory_space<hbm>>)
      %while3A_115 = arith.constant 0 : i32
      scf.yield %while3A_115 : i32
    }
    %while3A_106 = arith.constant 1 : i32
    %while3A_107 = scf.for %while3A_108 = %while3A_103 to %while3A_99 step %while3A_106 iter_args(%while3A_109 = %while3A_105) -> (i32)  : i32 {
      %dma_wait3A = arith.constant 0 : i32
      %dma_wait3A_110 = arith.constant 0 : i32
      %dma_wait3A_111 = tpu.memref_slice %arg6[%dma_wait3A, %dma_wait3A_110] : memref<131072x256xf32, #tpu.memory_space<hbm>> -> memref<64x256xf32, #tpu.memory_space<hbm>>
      %dma_wait3A_112 = arith.constant 0 : i32
      %dma_wait3A_113 = arith.constant 0 : i32
      %dma_wait3A_114 = tpu.memref_slice %arg6[%dma_wait3A_112, %dma_wait3A_113] : memref<131072x256xf32, #tpu.memory_space<hbm>> -> memref<64x256xf32, #tpu.memory_space<hbm>>
      tpu.wait_dma2 semaphore(%arg28 : memref<!tpu.dma_semaphore, #tpu.memory_space<semaphore_mem>>) src(%arg19 : memref<64x256xf32, #tpu.memory_space<vmem>>) dst(%dma_wait3A_114 : memref<64x256xf32, #tpu.memory_space<hbm>>)
      %while3A_115 = arith.constant 0 : i32
      scf.yield %while3A_115 : i32
    }
    "tpu.trace_stop"() : () -> ()
    return
  }
}

</mosaic_0001>

<sc_bundles>
// kernel: _run.3.cloned.1.call-start
scs
__scs_entry_jumppad:
0x0: {  	(pc) =	sbr.rel $0x88, $3  }
0x1: {  	(tag) =	ssettag $0x0;
	lr =	simm.s32 $0x1  }
0x2: {  	[smem:$0x3F9D] =	sst lr;
	_ =	strace $0xD0000000  }
0x3: {  	_ = 	snop  }
0x4: {  	_ = 	snop  }
0x5: {  	_ = 	snop  }
0x6: {  	_ = 	snop  }
0x7: {  	_ = 	snop  }
__scs_overlays_trampoline_lowered:
0x8: {  	[smem:$0x3FAC] =	sst s0  }
0x9: {  	[smem:$0x3FAD] =	sst s1  }
0xa: {  	[smem:$0x3FAE] =	sst s2  }
0xb: {  	[smem:$0x3FAF] =	sst s3  }
0xc: {  	[smem:$0x3FB0] =	sst s4  }
0xd: {  	[smem:$0x3FB1] =	sst s5  }
0xe: {  	[smem:$0x3FB2] =	sst s6  }
0xf: {  	[smem:$0x3FB3] =	sst s7  }
0x10: {  	[smem:$0x3FB4] =	sst s8  }
0x11: {  	[smem:$0x3FB5] =	sst s9;
	s0 =	simm.s32 @!p0 $0x0  }
0x12: {  	s1 =	sld [smem:$0x3F9B];
	s0 =	simm.s32 @p0 $0x1  }
0x13: {  	[smem:$0x3FB6] =	sst s0;
	s0 =	simm.s32 @!p1 $0x0  }
0x14: {  	s2 =	sld [smem:$0x3F9A];
	s0 =	simm.s32 @p1 $0x1  }
0x15: {  	[smem:$0x3FB7] =	sst s0;
	s0 =	simm.s32 @!p2 $0x0  }
0x16: {  	s3 =	sld [smem:$0x3FDB];
	s0 =	simm.s32 @p2 $0x1  }
0x17: {  	s4 =	simm.s32 $0x1BF5;
	[smem:$0x3FB9] =	sst s0  }
0x18: {  	s0 =	sld [smem:$0x3F9C];
	_ =	swait.ge [sflag:s4], $0x0  }
0x19: {  	s7 =	sld [smem:$0x3F9D]  }
0x1a: {  	s8 =	sadd.s32 $0xFFFFE003, lr  }
0x1b: {  	s9 =	sadd.s32 $0xFFFFFEF7, lr;
	s5 =	simm.s32 $0xFFFFFFFF;
	p2 =	slt.u32 s8, $0xFFFFF086  }
0x1c: {  	p1 =	slt.u32 s9, $0xF7A;
	s5 =	simm.s32 @!p2 $0x0  }
0x1d: {  	s5 =	simm.s32 @p1 $0x1;
	p0 =	seq.s32 s7, s2  }
0x1e: {  	s7 =	smul.u32 @!p0 $0xF7A, s2;
	p2 =	seq.s32 @!p0 s5, $0x0  }
0x1f: {  	s9 =	smul.u32 $0xF7A, s1;
	s8 =	simm.s32 @!p0 $0x1BF5;
	p2 =	por !p2, p0  }
0x20: {  	[sflag:s8] =	ssyncset.s32 @!p0 $0xFFFFF086;
	s6 =	sadd.s32 @!p0 s3, s7;
	s7 =	simm.s32 @!p0 $0x108  }
0x21: {  	s3 =	sadd.s32 s3, s9;
	s6 =	sadd.s32 @!p0 $0x88, s6;
	s7 =	simm.s32 @p2 $0x1082  }
0x22: {  	[simem:s7], [sflag:s8] =	dma.local @!p0 [hbm:s6], $0xF7A  }
0x23: {  	s9 =	sor.u32 $0xD0000000, s2;
	s6 =	simm.s32 $0x108;
	_ =	swait.ge @!p0 [sflag:s8], $0x0  }
0x24: {  	s3 =	sadd.s32 $0x88, s3;
	s6 =	simm.s32 @!p1 $0x1082;
	[sflag:s4] =	ssyncset.s32 $0xFFFFF086  }
0x25: {  	[simem:s6], [sflag:s4] =	dma.local [hbm:s3], $0xF7A  }
0x26: {  	[smem:$0x3F9D] =	sst s1;
	(tag) =	ssettag s2;
	_ =	strace s9  }
0x27: {  	s1 =	sld [smem:$0x3FAD]  }
0x28: {  	s2 =	sld [smem:$0x3FAE]  }
0x29: {  	s4 =	sld [smem:$0x3FB0]  }
0x2a: {  	p0 =	seq.s32 s5, $0x0;
	s5 =	sld [smem:$0x3FB1]  }
0x2b: {  	s6 =	sld [smem:$0x3FB2]  }
0x2c: {  	s7 =	sld [smem:$0x3FB3]  }
0x2d: {  	s3 =	simm.s32 $0x108;
	s8 =	sld [smem:$0x3FB4]  }
0x2e: {  	s3 =	simm.s32 @!p0 $0x1082;
	s9 =	sld [smem:$0x3FB5]  }
0x2f: {  	lr =	sadd.s32 s0, s3;
	s0 =	sld [smem:$0x3FAC]  }
0x30: {  	s3 =	sld [smem:$0x3FAF]  }
0x31: {  	[smem:$0x3FB8] =	sst s10  }
0x32: {  	s10 =	sld [smem:$0x3FB6];
	_ =	sdelay $0x3  }
0x33: {  	p0 =	seq.s32 s10, $0x1;
	s10 =	sld [smem:$0x3FB8];
	_ =	sdelay $0x3  }
0x34: {  	[smem:$0x3FB8] =	sst s10  }
0x35: {  	s10 =	sld [smem:$0x3FB7];
	_ =	sdelay $0x3  }
0x36: {  	p1 =	seq.s32 s10, $0x1;
	s10 =	sld [smem:$0x3FB8];
	_ =	sdelay $0x3  }
0x37: {  	[smem:$0x3FB8] =	sst s10  }
0x38: {  	s10 =	sld [smem:$0x3FB9]  }
0x39: {  	_ = 	snop;
	(pc) =	sbr.ind lr, $3  }
0x3a: {  	_ = 	snop  }
0x3b: {  	_ = 	snop  }
0x3c: {  	p2 =	seq.s32 s10, $0x1;
	s10 =	sld [smem:$0x3FB8]  }
0x3d: {  	_ =	shalt  }
0x3e: {  	_ =	shalt  }
0x3f: {  	_ =	shalt  }
0x40: {  	_ =	shalt  }
0x41: {  	_ =	shalt  }
0x42: {  	_ =	shalt  }
0x43: {  	_ =	shalt  }
0x44: {  	_ =	shalt  }
0x45: {  	_ =	shalt  }
0x46: {  	_ =	shalt  }
0x47: {  	_ =	shalt  }
0x48: {  	_ =	shalt  }
0x49: {  	_ =	shalt  }
0x4a: {  	_ =	shalt  }
0x4b: {  	_ =	shalt  }
0x4c: {  	_ =	shalt  }
0x4d: {  	_ =	shalt  }
0x4e: {  	_ =	shalt  }
0x4f: {  	_ =	shalt  }
0x50: {  	_ =	shalt  }
0x51: {  	_ =	shalt  }
0x52: {  	_ =	shalt  }
0x53: {  	_ =	shalt  }
0x54: {  	_ =	shalt  }
0x55: {  	_ =	shalt  }
0x56: {  	_ =	shalt  }
0x57: {  	_ =	shalt  }
0x58: {  	_ =	shalt  }
0x59: {  	_ =	shalt  }
0x5a: {  	_ =	shalt  }
0x5b: {  	_ =	shalt  }
0x5c: {  	_ =	shalt  }
0x5d: {  	_ =	shalt  }
0x5e: {  	_ =	shalt  }
0x5f: {  	_ =	shalt  }
0x60: {  	_ =	shalt  }
0x61: {  	_ =	shalt  }
0x62: {  	_ =	shalt  }
0x63: {  	_ =	shalt  }
0x64: {  	_ =	shalt  }
0x65: {  	_ =	shalt  }
0x66: {  	_ =	shalt  }
0x67: {  	_ =	shalt  }
0x68: {  	_ =	shalt  }
0x69: {  	_ =	shalt  }
0x6a: {  	_ =	shalt  }
0x6b: {  	_ =	shalt  }
0x6c: {  	_ =	shalt  }
0x6d: {  	_ =	shalt  }
0x6e: {  	_ =	shalt  }
0x6f: {  	_ =	shalt  }
0x70: {  	_ =	shalt  }
0x71: {  	_ =	shalt  }
0x72: {  	_ =	shalt  }
0x73: {  	_ =	shalt  }
0x74: {  	_ =	shalt  }
0x75: {  	_ =	shalt  }
0x76: {  	_ =	shalt  }
0x77: {  	_ =	shalt  }
0x78: {  	_ =	shalt  }
0x79: {  	_ =	shalt  }
0x7a: {  	_ =	shalt  }
0x7b: {  	_ =	shalt  }
0x7c: {  	_ =	shalt  }
0x7d: {  	_ =	shalt  }
0x7e: {  	_ =	shalt  }
0x7f: {  	_ =	shalt  }
0x80: {  	_ =	shalt  }
0x81: {  	_ =	shalt  }
0x82: {  	_ =	shalt  }
0x83: {  	_ =	shalt  }
0x84: {  	_ =	shalt  }
0x85: {  	_ =	shalt  }
0x86: {  	_ =	shalt  }
0x87: {  	_ =	shalt  }
.Lfunc_end0:
.L_simem_size_0:
called_computation_lowered:
.L_overlay_start_0:
0x88: {  	s2 =	sld [smem:$0x3FD9]  }
0x89: {  	s3 =	sld [smem:$0x3FFE];
	_ =	sdelay $0x1  }
0x8a: {  	s1 =	srdreg.scid  }
0x8b: {  	s0 =	sand.u32 $0x1, s1  }
0x8c: {  	s15 =	sshll.u32 s0, $0xA;
	s2 =	sadd.s32 s3, s2  }
0x8d: {  	s2 =	sadd.s32 s2, s15  }
0x8e: {  	[smem:$0x3FC4] =	sst s2  }
0x8f: {  	_ = 	snop  }
0x90: {  	s2 =	sld [smem:$0x3FC9]  }
0x91: {  	s16 =	sld [smem:$0x3FD0]  }
0x92: {  	s4 =	sld [smem:$0x3FC8]  }
0x93: {  	s5 =	sld [smem:$0x3FC7]  }
0x94: {  	s7 =	simm.s32 $0xA;
	s8 =	simm.s32 $0x10;
	s6 =	sld [smem:$0x3FC6]  }
0x95: {  	[smem:s8], [sflag:s7] =	dma.local [hbm:s16], $0x1  }
0x96: {  	_ =	swait.eq [sflag:s7], $0x1  }
0x97: {  	[sflag:s7] =	ssyncset.done $0x0  }
0x98: {  	s17 =	sld [smem:$0x10];
	[sflag:s7] =	ssyncadd.s32 $0xFFFFFFFF  }
0x99: {  	s18 =	sld [smem:$0x11];
	(tm) =	ssettm $0x1  }
0x9a: {  	s19 =	sld [smem:$0x3FFB];
	_ =	sdelay $0x3  }
0x9b: {  	_ =	strace s19  }
0x9c: {  	s8 =	sld [smem:$0x3FFC];
	_ =	sdelay $0x3  }
0x9d: {  	_ =	strace s8  }
0x9e: {  	s8 =	sld [smem:$0x3FFD];
	_ =	sdelay $0x3  }
0x9f: {  	_ =	strace s8  }
0xa0: {  	_ =	strace $0x8FFFFFFF  }
0xa1: {  	s20 =	sld [smem:$0x3FDB];
	_ =	sdelay $0x1  }
0xa2: {  	s9 =	simm.s32 $_scs_section_size  }
0xa3: {  	s10 =	simm.s32 $_size__tile_overlayer_lowered;
	s11 =	simm.s32 $_tile_overlayer_lowered  }
0xa4: {  	s23 =	simm.s32 $0x1BFF;
	s22 =	sshll.u32 s11, $0x1;
	s8 =	sadd.s32 s9, s20  }
0xa5: {  	s12 =	simm.s32 $0x0;
	s21 =	sshll.u32 s10, $0x1;
	s10 =	sadd.s32 s22, s8  }
0xa6: {  	[timem:s12], [sflag:s23] =	dma.local [hbm:s10], s21  }
0xa7: {  	_ =	swait.ge [sflag:s23], s21  }
0xa8: {  	s9 =	ssub.s32 $0x0, s21;
	[sflag:s23] =	ssyncset.done $0x0  }
0xa9: {  	[sflag:s23] =	ssyncadd.s32 s9;
	_ =	sdelay $0x1  }
0xaa: {  	s24 =	simm.s32 $0x1B8B  }
0xab: {  	_ =	swait.ge [sflag:s24], $0x1  }
0xac: {  	[sflag:s24] =	ssyncset.done $0x0  }
0xad: {  	s25 =	simm.s32 $0x1B8E;
	[sflag:s24] =	ssyncadd.s32 $0xFFFFFFFF  }
0xae: {  	s26 =	simm.s32 $execute0_lowered;
	[smem:$0x3FD2] =	sst s25  }
0xaf: {  	s9 =	sshll.u32 s26, $0x1;
	_ =	strace $0x80000046;
	[dreg:$0x1] =	wrdreg $0xFFFFFFFF  }
0xb0: {  	s28 =	simm.s32 $_size_execute0_lowered;
	s8 =	sadd.s32 s8, s9;
	[dreg:$0x0] =	wrdreg $0x0  }
0xb1: {  	s9 =	sshll.u32 s28, $0x1;
	[dreg:$0x2] =	wrdreg s8  }
0xb2: {  	[dreg:$0x3] =	wrdreg s9  }
0xb3: {  	[dreg:$0x4] =	wrdreg $0xC0  }
0xb4: {  	_ =	task [dreg:s12], $0x5FFFF  }
0xb5: {  	[dreg:$0x1] =	wrdreg $0xFFFFFFFF  }
0xb6: {  	[dreg:$0x0] =	wrdreg $0x60  }
0xb7: {  	[dreg:$0x2] =	wrdreg s2  }
0xb8: {  	[dreg:$0x3] =	wrdreg s4  }
0xb9: {  	[dreg:$0x4] =	wrdreg s5  }
0xba: {  	[dreg:$0x5] =	wrdreg s6  }
0xbb: {  	[dreg:$0x6] =	wrdreg s17  }
0xbc: {  	[dreg:$0x7] =	wrdreg s18  }
0xbd: {  	[dreg:$0x8] =	wrdreg $0x9  }
0xbe: {  	_ =	task.clear_ibuf [dreg:s12], $0x9FFFF;
	_ =	strace $0x90000046  }
0xbf: {  	s29 =	simm.s32 $0x9;
	_ =	strace $0x8000004C  }
0xc0: {  	_ =	swait.ge [sflag:s29], $0x1  }
0xc1: {  	[sflag:s29] =	ssyncadd.s32 $0xFFFFFFFF  }
0xc2: {  	_ =	strace $0x9000004C  }
0xc3: {  	_ =	sfence  }
0xc4: {  	s30 =	sld [smem:$0x0];
	_ =	sdelay $0x2  }
0xc5: {  	s31 =	sshll.u32 s1, $0xD;
	s1 =	sshrl.u32 s1, $0x2  }
0xc6: {  	s3 =	sand.u32 $0x4000, s31;
	s1 =	sadd.s32 s1, s30  }
0xc7: {  	s0 =	sor.u32 s3, s0;
	s1 =	sshll.u32 s1, $0x11  }
0xc8: {  	s0 =	sor.u32 s1, s0  }
0xc9: {  	s0 =	sadd.s32 $0x8F2B, s0  }
0xca: {  	[sflag:s0] =	ssyncadd.remote.s32 $0x1  }
0xcb: {  	_ =	sfence.sel $0xFFFF  }
0xcc: {  	[dreg:$0x0] =	wrdreg $0xFFFFFFFF;
	(pc) =	sbr.abs _section_cstart, $3  }
0xcd: {  	[dreg:$0x1] =	wrdreg $0xFFFFFFFF  }
0xce: {  	_ =	task.clear_ibuf [dreg:s12], $0x2FFFF;
	_ =	strace $0x9FFFFFFF  }
0xcf: {  	(tm) =	ssettm $0x7FFFFFFF  }
tec
execute0_lowered:
.L_overlay_start_1:
0x0: {  	(tag) =	ssettag $0x1  }
0x1: {  	s0 =	rddreg [dreg:$0x0]  }
0x2: {  	s15 =	rddreg [dreg:$0x1]  }
0x3: {  	s16 =	rddreg [dreg:$0x2]  }
0x4: {  	s5 =	rddreg [dreg:$0x4]  }
0x5: {  	s1 =	rddreg [dreg:$0x5]  }
0x6: {  	s2 =	srdreg.scid;
	s7 =	simm.s32 $0x0;
	s8 =	stileid.u32  }
0x7: {  	s17 =	simm.s32 $0x80;
	s19 =	simm.s32 $0x400;
	s13 =	simm.s32 $0xB  }
0x8: {  	s18 =	simm.s32 $0x1180;
	s10 =	simm.s32 $0x4;
	s9 =	simm.s32 $0x14180  }
0x9: {  	s2 =	sand.u32 $0x1, s2;
	[smem:$0x7FF] =	sst s7;
	s6 =	sshll.u32 s8, $0x1  }
.Ltmp0:
0xa: {  	s30 =	sshll.u32 s8, $0x4;
	s3 =	ssub.s32 $0x2, s2;
	(pc) =	sbr.rel .LBB2_1-.Ltmp0, $4  }
0xb: {  	_ =	strace $0x80000047;
	s28 =	sor.u32 s2, s6;
	s4 =	sshrl.u32 s3, $0x1  }
0xc: {  	v0 =	vimm.f32 $0.0e+00;
	v1 =	vlaneseq.u32;
	v2 =	vimm.s32 $0x0;
	[dreg:$0x7] =	wrdreg s28;
	s3 =	ssub.s32 s3, s4;
	s4 =	sadd.s32 s1, s30  }
0xd: {  	vm0 =	vmmov $0xffff;
	s29 =	simm.s32 $0x9;
	v3 =	vmul.u32 $0xFFFFFFFF, v1;
	v5 =	vshrl.u32 v1, $0x3;
	s31 =	smax.u32 s3, $0x1;
	[dreg:$0x8] =	wrdreg s4  }
0xe: {  	v4 =	vand.u32 $0x7, v1;
	v6 =	vor.u32 $0x8, v1;
	p0 =	sne.s32 s2, $0x0;
	v5 =	vmul.u32 $0x8, v5;
	s3 =	simm.s32 $0x0;
	[dreg:$0x9] =	wrdreg s31  }
.LBB2_65:
0xf: {  	[sflag:s29] =	ssyncadd.s32 $0xFFFFC000;
	s3 =	rddreg [dreg:$0xa]  }
.LBB2_66:
0x10: {  	s3 =	sadd.s32 $0x1, s3;
	s1 =	rddreg [dreg:$0x9]  }
0x11: {  	p1 =	sne.s32 s3, s1  }
.Ltmp1:
0x12: {  	_ = 	snop;
	(pc) =	sbr.rel @!p1 .LBB2_67-.Ltmp1, $2  }
0x13: {  	_ =	sdelay $0x2  }
0x14: {  	_ =	strace $0x9000004B  }
.LBB2_1:
0x15: {  	[dreg:$0xa] =	wrdreg s3  }
0x16: {  	s1 =	rddreg [dreg:$0x3]  }
0x17: {  	s2 =	simm.s32 $0x1000;
	s6 =	simm.s32 $0xA;
	s26 =	simm.s32 $0x0  }
0x18: {  	[tilespmem:s2], [sflag:$0xA] =	stream.linear.gather [hbm4b:s1+s7], $0x80, $0x38;
	[tilespmem:$0x18180] =	vst v63  }
0x19: {  	s28 =	sand.u32 $0x400, s7;
	s30 =	simm.s32 $0x0;
	s1 =	sand.u32 $0x3800, s26  }
0x1a: {  	s3 =	sand.u32 $0x380, s30;
	_ =	swait.ge [sflag:s6], $0x80;
	s1 =	sor.u32 s28, s1  }
0x1b: {  	s31 =	sand.u32 $0x70, s7;
	[sflag:s6] =	ssyncset.done $0x0;
	s1 =	sor.u32 s1, s3  }
0x1c: {  	s3 =	simm.s32 $0x0;
	[sflag:s6] =	ssyncadd.s32 $0xFFFFFF80;
	s2 =	sor.u32 s31, s1  }
0x1d: {  	s1 =	simm.s32 $0x1;
	_ =	strace $0x80000048;
	[tilespmem:s2+$0x14180] =	vst v0;
	s2 =	simm.s32 $0x80  }
.LBB2_2:
0x1e: {  	s6 =	sshll.u32 s1, $0x4;
	p1 =	sne.s32 s1, $0x3FF  }
0x1f: {  	s11 =	smov.u32 s1;
	s1 =	sadd.s32 $0x1, s1;
	s12 =	sand.u32 $0x400, s2  }
.Ltmp2:
0x20: {  	s6 =	sand.u32 $0x3800, s6;
	s11 =	sshll.u32 s11, $0x3;
	(pc) =	sbr.rel @p1 .LBB2_2-.Ltmp2, $4  }
0x21: {  	s3 =	sadd.s32 $0x10, s3;
	s11 =	sand.u32 $0x380, s11;
	s6 =	sor.u32 s12, s6  }
0x22: {  	s12 =	sand.u32 $0x70, s3;
	s6 =	sor.u32 s6, s11  }
0x23: {  	s6 =	sor.u32 s12, s6  }
0x24: {  	s2 =	sadd.s32 $0x80, s2;
	[tilespmem:s6+$0x14180] =	vst v0  }
0x25: {  	_ =	strace $0x90000048  }
0x26: {  	s1 =	simm.s32 $0x0;
	s2 =	simm.s32 $0x0;
	_ =	strace $0x80000049  }
.LBB2_4:
0x27: {  	s3 =	sshll.u32 s2, $0x8;
	s6 =	sshll.u32 s2, $0x4  }
0x28: {  	s3 =	sand.u32 $0x800, s3;
	s6 =	sand.u32 $0x70, s6  }
0x29: {  	s3 =	sor.u32 s6, s3  }
0x2a: {  	s6 =	sadd.s32 s15, s3  }
0x2b: {  	[tilespmem:s1], [sflag:$0xB] =	stream.strided.gather [hbm4b:s6+s17], $0x800, s19, s17, $0x200038;
	[tilespmem:$0x18180] =	vst v63  }
0x2c: {  	_ =	swait.ge [sflag:s13], $0x800  }
0x2d: {  	[sflag:s13] =	ssyncset.done $0x0  }
0x2e: {  	s31 =	sadd.s32 s16, s3;
	s3 =	simm.s32 $0x800;
	[sflag:s13] =	ssyncadd.s32 $0xFFFFF800  }
0x2f: {  	[tilespmem:s3], [sflag:$0xB] =	stream.strided.gather [hbm4b:s31+s17], $0x800, s19, s17, $0x200038;
	[tilespmem:$0x18180] =	vst v63  }
0x30: {  	_ =	swait.ge [sflag:s13], $0x800  }
0x31: {  	[sflag:s13] =	ssyncset.done $0x0  }
0x32: {  	[sflag:s13] =	ssyncadd.s32 $0xFFFFF800  }
0x33: {  	v7 =	vld [tilespmem:$0x1000];
	_ =	sdelay $0x2  }
0x34: {  	v8 =	vmov s2  }
0x35: {  	vm1 =	veq.s32 v8, v1  }
0x36: {  	v7 =	vnsel vm1, $0x0, v7  }
0x37: {  	(xrf0) =	vadd.scan.msk.s32 $0xffff, v7;
	_ =	sdelay $0x2  }
0x38: {  	v7 =	vld [tilespmem:s1+$0x0];
	_ =	sdelay $0x2  }
0x39: {  	v10 =	vld [tilespmem:s3+$0x0];
	v9, _, _ =	vpop (xrf0)  }
0x3a: {  	v9 =	vbroadcast v9, $0xF  }
0x3b: {  	v11 =	vor.u32 s1, v1;
	s11 =	simm.s32 $0x10;
	v8 =	vimm.s32 $0x0;
	s6 =	simm.s32 $0x10;
	vm2 =	vgt.s32 v7, $0x1  }
.LBB2_5:
0x3c: {  	p1 =	sne.s32 s6, $0x7F0;
	vm3 =	vlt.s32 v11, v9;
	v11 =	vnsel vm2, $0x1, v7;
	v7 =	vld [tilespmem:s11+$0x0];
	s12 =	smov.u32 s6;
	s6 =	sadd.s32 $0x10, s6  }
.Ltmp3:
0x3d: {  	v11 =	vnsel vm3, $0x1, v11;
	(pc) =	sbr.rel @p1 .LBB2_5-.Ltmp3, $3  }
0x3e: {  	s3 =	sadd.s32 $0x10, s3;
	v12 =	vnsel vm3, $0x0, v10;
	v8 =	vadd.s32 v8, v11  }
0x3f: {  	v10 =	vld [tilespmem:s3+$0x0];
	v8 =	vadd.s32 v12, v8;
	_ =	sdelay $0x1  }
0x40: {  	s11 =	sadd.s32 $0x10, s11;
	v11 =	vor.u32 s12, v1;
	vm2 =	vgt.s32 v7, $0x1  }
0x41: {  	vm3 =	vlt.s32 v11, v9;
	v7 =	vnsel vm2, $0x1, v7  }
0x42: {  	v7 =	vnsel vm3, $0x1, v7  }
0x43: {  	v9 =	vnsel vm3, $0x0, v10;
	v7 =	vadd.s32 v8, v7  }
0x44: {  	v7 =	vadd.s32 v9, v7  }
0x45: {  	(xrf0) =	vadd.scan.msk.s32 $0xffff, v7;
	_ =	sdelay $0x3  }
0x46: {  	v7 =	vld [tilespmem:$0x1100];
	_ =	sdelay $0x1  }
0x47: {  	v8, _, _ =	vpop (xrf0)  }
0x48: {  	p1 =	sne.s32 @!p0 s2, s8;
	v8 =	vbroadcast v8, $0xF  }
0x49: {  	p1 =	por p1, p0  }
0x4a: {  	s2 =	sadd.s32 $0x1, s2;
	v7 =	vsel vm1, v8, v7;
	[tilespmem:$0x1080] =	vst @!p1 v8  }
0x4b: {  	p2 =	seq.s32 s2, $0x10;
	s3 =	simm.s32 @!p1 $0x0;
	s6 =	simm.s32 @!p1 $0x1080;
	[tilespmem:$0x1100] =	vst v7  }
0x4c: {  	[hbm4b:s4+s3] =	stream.linear.scatter @!p1 [tilespmem:s6], [sflag:$0xA], $0x80, $0x200038;
	[tilespmem:$0x18180] =	vst v63  }
.Ltmp4:
0x4d: {  	_ = 	snop;
	(pc) =	sbr.rel @!p2 .LBB2_4-.Ltmp4, $4  }
0x4e: {  	s3 =	simm.s32 @!p1 $0xA  }
0x4f: {  	_ =	swait.ge @!p1 [sflag:s3], $0x80  }
0x50: {  	[sflag:s3] =	ssyncset.done @!p1 $0x0  }
0x51: {  	[sflag:s3] =	ssyncadd.s32 @!p1 $0xFFFFFF80  }
0x52: {  	v7 =	vld [tilespmem:$0x1100];
	_ =	sdelay $0x2  }
0x53: {  	s1 =	simm.s32 $0x0  }
0x54: {  	v8 =	vmov s1  }
0x55: {  	vm1 =	veq.s32 v8, v1;
	v7 =	vxor.u32 $0x80000000, v7  }
0x56: {  	v8 =	vnsel vm1, $0x80000000, v7  }
0x57: {  	(xrf0) =	vmax.scan.msk.u32 $0xffff, v8;
	_ =	sdelay $0x5  }
0x58: {  	v8, _, _ =	vpop (xrf0)  }
0x59: {  	(v2sf) =	vpush v8, $0xF  }
0x5a: {  	s2 =	simm.s32 $0x1  }
0x5b: {  	v8 =	vmov s2  }
0x5c: {  	vm1 =	veq.s32 v8, v1  }
0x5d: {  	s28 =	simm.s32 $0x2;
	v9 =	vnsel vm1, $0x80000000, v7  }
0x5e: {  	s30 =	simm.s32 $0x3;
	v8 =	vmov s28;
	(xrf0) =	vmax.scan.msk.u32 $0xffff, v9  }
0x5f: {  	vm1 =	veq.s32 v8, v1;
	v8 =	vmov s30  }
0x60: {  	v61 =	vnsel vm1, $0x80000000, v7;
	vm1 =	veq.s32 v8, v1  }
0x61: {  	(xrf0) =	vmax.scan.msk.u32 $0xffff, v61;
	v8 =	vnsel vm1, $0x80000000, v7  }
0x62: {  	(xrf0) =	vmax.scan.msk.u32 $0xffff, v8;
	_ =	sdelay $0x1  }
0x63: {  	v8, _, _ =	vpop (xrf0)  }
0x64: {  	(v2sf) =	vpush v8, $0xF;
	_ =	sdelay $0x1  }
0x65: {  	v8, _, _ =	vpop (xrf0)  }
0x66: {  	v63, _, _ =	vpop (xrf0);
	s3 =	spop (v2sf);
	(v2sf) =	vpush v8, $0xF  }
0x67: {  	(v2sf) =	vpush v63, $0xF;
	_ =	sdelay $0x2  }
0x68: {  	s31 =	simm.s32 $0x4  }
0x69: {  	v62 =	vmov s31  }
0x6a: {  	vm1 =	veq.s32 v62, v1  }
0x6b: {  	v8 =	vnsel vm1, $0x80000000, v7;
	s2 =	sxor.u32 $0x80000000, s3  }
0x6c: {  	(xrf0) =	vmax.scan.msk.u32 $0xffff, v8;
	p1 =	sgt.s32 s2, $0x0  }
0x6d: {  	s2 =	simm.s32 @!p1 $0x0  }
0x6e: {  	s3 =	simm.s32 $0x5;
	s6 =	smin.u32 s2, $0x2000;
	s2 =	simm.s32 $0x0  }
.LBB2_8:
0x6f: {  	v8 =	vmov s3;
	p1 =	sne.s32 s3, $0xF;
	s3 =	sadd.s32 $0x1, s3;
	s6 =	sadd.s32 $0x3F, s6  }
.Ltmp5:
0x70: {  	vm1 =	veq.s32 v8, v1;
	s11 =	spop (v2sf);
	s6 =	sshrl.u32 s6, $0x6;
	(pc) =	sbr.rel @p1 .LBB2_8-.Ltmp5, $4  }
0x71: {  	v9 =	vnsel vm1, $0x80000000, v7;
	s11 =	sxor.u32 $0x80000000, s11;
	s1 =	sadd.s32 s1, s6;
	s2 =	ssub.s32 s2, s6  }
0x72: {  	(xrf0) =	vmax.scan.msk.u32 $0xffff, v9;
	v8, _, _ =	vpop (xrf0);
	p2 =	sgt.s32 s11, $0x0;
	s2 =	sadd.s32 $0x80, s2  }
0x73: {  	(v2sf) =	vpush v8, $0xF;
	s11 =	simm.s32 @!p2 $0x0  }
0x74: {  	s6 =	smin.u32 s11, $0x2000  }
0x75: {  	_ =	sdelay $0x2  }
0x76: {  	v7, _, _ =	vpop (xrf0)  }
0x77: {  	(v2sf) =	vpush v7, $0xF;
	_ =	sdelay $0x6  }
0x78: {  	s3 =	spop (v2sf);
	s6 =	sadd.s32 $0x3F, s6  }
0x79: {  	s3 =	sxor.u32 $0x80000000, s3;
	s6 =	sshrl.u32 s6, $0x6  }
0x7a: {  	s13 =	spop (v2sf);
	p1 =	sgt.s32 s3, $0x0;
	s1 =	sadd.s32 s1, s6  }
0x7b: {  	s2 =	ssub.s32 s2, s6;
	s6 =	sxor.u32 $0x80000000, s13;
	s3 =	simm.s32 @!p1 $0x0  }
0x7c: {  	p1 =	sgt.s32 s6, $0x0;
	s3 =	smin.u32 s3, $0x2000  }
0x7d: {  	s4 =	rddreg [dreg:$0x7];
	s6 =	simm.s32 @!p1 $0x0;
	s3 =	sadd.s32 $0x3F, s3  }
0x7e: {  	s2 =	sadd.s32 $0x80, s2;
	s6 =	smin.u32 s6, $0x2000;
	s3 =	sshrl.u32 s3, $0x6  }
0x7f: {  	s6 =	sadd.s32 $0x3F, s6;
	s1 =	sadd.s32 s1, s3;
	s14 =	spop (v2sf)  }
0x80: {  	s2 =	ssub.s32 s2, s3;
	s3 =	sxor.u32 $0x80000000, s14;
	s11 =	spop (v2sf)  }
0x81: {  	s6 =	sshrl.u32 s6, $0x6;
	p1 =	sgt.s32 s3, $0x0;
	s11 =	sxor.u32 $0x80000000, s11  }
0x82: {  	s2 =	sadd.s32 $0x80, s2;
	s3 =	simm.s32 @!p1 $0x0;
	p1 =	sgt.s32 s11, $0x0  }
0x83: {  	s1 =	sadd.s32 s1, s6;
	s3 =	smin.u32 s3, $0x2000;
	s11 =	simm.s32 @!p1 $0x0  }
0x84: {  	s2 =	ssub.s32 s2, s6;
	s3 =	sadd.s32 $0x3F, s3;
	s11 =	smin.u32 s11, $0x2000  }
0x85: {  	s2 =	sadd.s32 $0x80, s2;
	s3 =	sshrl.u32 s3, $0x6;
	s20 =	sadd.s32 $0x3F, s11  }
0x86: {  	s1 =	sadd.s32 s1, s3;
	s2 =	ssub.s32 s2, s3;
	s6 =	sshrl.u32 s20, $0x6  }
0x87: {  	s3 =	simm.s32 $0x1;
	s21 =	sadd.s32 $0x80, s2;
	s8 =	sadd.s32 s1, s6  }
0x88: {  	s1 =	ssub.s32 s21, s6;
	s6 =	simm.s32 $0x1;
	s22 =	sadd.s32 $0x1F, s8  }
0x89: {  	s12 =	sadd.s32 $0x80, s1;
	s23 =	sand.u32 $0x1F, s22;
	s24 =	sshra.s32 s22, $0x1F  }
0x8a: {  	p4 =	slt.s32 s22, $0x1;
	s26 =	sadd.s32 $0x1F, s12;
	p2 =	sne.s32 s23, $0x0  }
0x8b: {  	s25 =	sshrl.u32 s24, $0x1B;
	s28 =	sand.u32 $0x1F, s26;
	s30 =	sshra.s32 s26, $0x1F  }
0x8c: {  	p5 =	slt.s32 s26, $0x1;
	p1 =	por !p4, !p2;
	s1 =	sadd.s32 s25, s22  }
0x8d: {  	p6 =	sne.s32 s28, $0x0;
	s31 =	sshrl.u32 s30, $0x1B;
	p1 =	por !p1, !p1  }
0x8e: {  	s1 =	sshra.s32 s1, $0x5;
	s3 =	simm.s32 @!p1 $0x0;
	p1 =	por !p5, !p6  }
0x8f: {  	s2 =	sadd.s32 s31, s26;
	p1 =	por !p1, !p1;
	s1 =	ssub.s32 s1, s3  }
0x90: {  	s2 =	sshra.s32 s2, $0x5;
	s6 =	simm.s32 @!p1 $0x0;
	s3 =	smul.u32 s4, s1  }
0x91: {  	s2 =	ssub.s32 s2, s6  }
0x92: {  	s20 =	smov.u32 s8;
	s6 =	smul.u32 s4, s2;
	p1 =	slt.s32 s3, s8  }
0x93: {  	s20 =	smov.u32 @p1 s3  }
0x94: {  	s22 =	smov.u32 s12;
	p2 =	slt.s32 s6, s12;
	s1 =	sadd.s32 s1, s20  }
0x95: {  	s22 =	smov.u32 @p2 s6;
	p1 =	slt.s32 s1, s8  }
0x96: {  	s2 =	sadd.s32 s2, s22;
	s8 =	smov.u32 @p1 s1  }
.Ltmp6:
0x97: {  	p2 =	slt.s32 s2, s12;
	[dreg:$0xb] =	wrdreg s8;
	(pc) =	sbr.rel .LBB2_10-.Ltmp6, $4  }
0x98: {  	s12 =	smov.u32 @p2 s2;
	_ =	strace $0x90000049  }
0x99: {  	s13 =	simm.s32 $0x0;
	_ =	strace $0x8000004A;
	[dreg:$0xc] =	wrdreg s12  }
0x9a: {  	s14 =	simm.s32 $0x0;
	s21 =	simm.s32 $0x0;
	[dreg:$0xd] =	wrdreg s20  }
0x9b: {  	s6 =	simm.s32 $0x0;
	s1 =	simm.s32 $0x0;
	[dreg:$0xe] =	wrdreg s22  }
.LBB2_60:
0x9c: {  	[hbm4b:s11+s7] =	stream.linear.scatter [tilespmem:s9], [sflag:$0x9], $0x4000, $0x200038;
	[tilespmem:$0x18180] =	vst v63  }
.LBB2_61:
0x9d: {  	s14 =	sadd.s32 $0x1, s14  }
0x9e: {  	p1 =	sne.s32 s14, $0x10  }
.Ltmp7:
0x9f: {  	_ = 	snop;
	(pc) =	sbr.rel @!p1 .LBB2_62-.Ltmp7, $3  }
0xa0: {  	_ =	sdelay $0x1  }
0xa1: {  	s6 =	ssub.s32 $0xFFFFFF80, s2  }
0xa2: {  	s13 =	sadd.s32 $0x200000, s13;
	s21 =	smov.u32 s1;
	s1 =	smov.u32 s23  }
.LBB2_10:
0xa3: {  	v7 =	vld [tilespmem:$0x1100];
	_ =	sdelay $0x3  }
0xa4: {  	v8 =	vmov s14  }
0xa5: {  	vm1 =	veq.s32 v8, v1;
	v7 =	vxor.u32 $0x80000000, v7  }
0xa6: {  	v7 =	vnsel vm1, $0x80000000, v7  }
0xa7: {  	(xrf0) =	vmax.scan.msk.u32 $0xffff, v7;
	_ =	sdelay $0x5  }
0xa8: {  	v7, _, _ =	vpop (xrf0)  }
0xa9: {  	(v2sf) =	vpush v7, $0xF;
	_ =	sdelay $0xe  }
0xaa: {  	s2 =	spop (v2sf)  }
0xab: {  	s2 =	sxor.u32 $0x80000000, s2  }
0xac: {  	p1 =	sgt.s32 s2, $0x0  }
0xad: {  	s2 =	simm.s32 @!p1 $0x0  }
0xae: {  	s25 =	smin.u32 s2, $0x2000  }
0xaf: {  	s2 =	sadd.s32 $0x3F, s25  }
0xb0: {  	s11 =	sshrl.u32 s2, $0x6  }
0xb1: {  	s3 =	smov.u32 s1;
	s4 =	rddreg [dreg:$0xb];
	s23 =	sadd.s32 s1, s11  }
0xb2: {  	p1 =	sgt.s32 s20, s1;
	p2 =	slt.s32 s4, s23;
	s2 =	smov.u32 s23  }
0xb3: {  	s3 =	smov.u32 @p1 s20;
	s2 =	smov.u32 @p2 s4  }
0xb4: {  	p1 =	sle.s32 s2, s3  }
.Ltmp8:
0xb5: {  	_ = 	snop;
	(pc) =	sbr.rel @p1 .LBB2_57-.Ltmp8, $1  }
0xb6: {  	_ =	sdelay $0x3  }
0xb7: {  	[dreg:$0x11] =	wrdreg s11;
	s30 =	sshll.u32 s14, $0x8;
	s31 =	sshll.u32 s14, $0x4  }
0xb8: {  	[dreg:$0x10] =	wrdreg s6;
	s6 =	sand.u32 $0x800, s30;
	s11 =	sand.u32 $0x70, s31  }
0xb9: {  	s6 =	sor.u32 s11, s6  }
0xba: {  	[dreg:$0xf] =	wrdreg s23;
	s4 =	simm.s32 $0xA;
	s11 =	sadd.s32 s15, s6  }
0xbb: {  	[tilespmem:s7], [sflag:$0xA] =	stream.strided.gather [hbm4b:s11+s17], $0x800, s19, s17, $0x200038;
	[tilespmem:$0x18180] =	vst v63  }
0xbc: {  	_ =	swait.ge [sflag:s4], $0x800  }
0xbd: {  	[sflag:s4] =	ssyncset.done $0x0  }
0xbe: {  	s8 =	simm.s32 $0x800;
	s6 =	sadd.s32 s16, s6;
	[sflag:s4] =	ssyncadd.s32 $0xFFFFF800  }
0xbf: {  	[tilespmem:s8], [sflag:$0xA] =	stream.strided.gather [hbm4b:s6+s17], $0x800, s19, s17, $0x200038;
	[tilespmem:$0x18180] =	vst v63  }
0xc0: {  	_ =	swait.ge [sflag:s4], $0x800  }
0xc1: {  	[sflag:s4] =	ssyncset.done $0x0  }
0xc2: {  	[sflag:s4] =	ssyncadd.s32 $0xFFFFF800  }
0xc3: {  	v7 =	vld [tilespmem:$0x1000];
	_ =	sdelay $0x4  }
0xc4: {  	s24 =	ssub.s32 s2, s3;
	v7 =	vnsel vm1, $0x0, v7  }
0xc5: {  	s2 =	sshll.u32 s24, $0x2;
	(xrf0) =	vadd.scan.msk.s32 $0xffff, v7  }
0xc6: {  	p1 =	sgt.s32 s2, $0x0  }
.Ltmp9:
0xc7: {  	_ = 	snop;
	(pc) =	sbr.rel @!p1 .LBB2_12-.Ltmp9, $2  }
0xc8: {  	_ =	sdelay $0x2  }
0xc9: {  	s6 =	simm.s32 $0x1180;
	v7, _, _ =	vpop (xrf0)  }
0xca: {  	p1 =	seq.s32 s2, $0x1  }
.Ltmp10:
0xcb: {  	_ = 	snop;
	(pc) =	sbr.rel @p1 .LBB2_12-.Ltmp10, $2  }
0xcc: {  	_ =	sdelay $0x2  }
0xcd: {  	s11 =	sadd.s32 $0xFFFFFFFF, s2;
	[tilespmem:s6+$0x0] =	vst v2  }
.LBB2_18:
0xce: {  	p1 =	seq.s32 s11, $0x1  }
.Ltmp11:
0xcf: {  	_ = 	snop;
	(pc) =	sbr.rel @!p1 .LBB2_18-.Ltmp11, $3  }
0xd0: {  	_ =	sdelay $0x1  }
0xd1: {  	s11 =	sadd.s32 $0xFFFFFFFF, s11;
	s6 =	sadd.s32 $0x10, s6  }
0xd2: {  	[tilespmem:s6+$0x0] =	vst v2  }
.LBB2_12:
0xd3: {  	s6 =	sshll.u32 s24, $0x6  }
0xd4: {  	v9 =	vbroadcast v7, $0xF;
	v7 =	vmov s6;
	s6 =	simm.s32 $0x0  }
0xd5: {  	s11 =	simm.s32 $0x800;
	v10 =	vld [tilespmem:s6+$0x0]  }
0xd6: {  	v11 =	vld [tilespmem:s11+$0x0];
	_ =	sdelay $0x2  }
0xd7: {  	v12 =	vor.u32 s6, v1  }
0xd8: {  	vm1 =	vlt.s32 v12, v9;
	vm2 =	vgt.s32 v10, $0x1  }
0xd9: {  	v11 =	vnsel vm1, $0x0, v11;
	v10 =	vnsel vm2, $0x1, v10  }
0xda: {  	(xrf0) =	vadd.scan.msk.s32 $0xffff, v11;
	v10 =	vnsel vm1, $0x1, v10  }
0xdb: {  	(xrf0) =	vadd.scan.msk.s32 $0xffff, v10;
	_ =	sdelay $0x3  }
0xdc: {  	s3 =	ssub.s32 s3, s1  }
0xdd: {  	s1 =	sshll.u32 s3, $0x6;
	v13, _, _ =	vpop (xrf0)  }
0xde: {  	v8 =	vmov s1;
	(v2sf) =	vpush v13, $0xF;
	v14, _, _ =	vpop (xrf0)  }
0xdf: {  	v12 =	vshll.u32 v12, $0x1;
	v15 =	vsub.s32 s6, v11;
	v16 =	vadd.s32 s6, v14  }
0xe0: {  	vm1 =	vgt.s32 v11, $0x0;
	v13 =	vadd.s32 v13, v15;
	v10 =	vsub.s32 v16, v10  }
0xe1: {  	(v2sf) =	vpush v14, $0xF;
	v14 =	vadd.s32 v13, v16;
	v10 =	vadd.s32 v13, v10  }
0xe2: {  	v13 =	vsub.s32 v14, v8;
	vm14 =	vlt.s32 v14, v8;
	v14 =	vor.u32 $0x80000001, v12  }
0xe3: {  	v11 =	vsub.s32 v10, v8;
	vm2 =	vgt.s32 v13, $0xFFFFFFFF;
	vm15 =	vlt.s32 v10, v8  }
0xe4: {  	vm3 =	vgt.s32 v11, $0xFFFFFFFF;
	vm2 =	vmand vm2, vm1;
	vm1 =	vmand vm1, vm14  }
0xe5: {  	vm4 =	vlt.s32 v11, v7;
	vm12 =	vgt.s32 v11, $0x0;
	v10 =	vnsel vm1, $0x80000000, v14  }
0xe6: {  	vm3 =	vmand vm3, vm4;
	v11 =	vnsel vm12, $0x0, v11;
	(xrf0) =	vmax.scan.msk.u32 $0xffff, v10  }
0xe7: {  	v11 =	vmin.u32 v11, $0xFFF  }
0xe8: {  	v15 =	vor.u32 $0x80000000, v12;
	vm5 =	vlt.s32 v13, v7;
	vm13 =	vgt.s32 v13, $0x0  }
0xe9: {  	v13 =	vnsel vm13, $0x0, v13;
	vm2 =	vmand vm2, vm5;
	v10 =	vnsel vm15, $0x80000000, v15  }
0xea: {  	v13 =	vmin.u32 v13, $0xFFF;
	(xrf0) =	vmax.scan.msk.u32 $0xffff, v10;
	_ =	sdelay $0x1  }
0xeb: {  	v14 =	vor.u32 $0x1, v12;
	[tilespmem:v11+s18+$0x0] =	vst.idx.msk vm3, v12;
	v12, _, _ =	vpop (xrf0)  }
0xec: {  	s15 =	spop (v2sf);
	(v2sf) =	vpush v12, $0xF;
	_ =	sdelay $0x1  }
0xed: {  	s11 =	simm.s32 $0x10;
	[tilespmem:v13+s18+$0x0] =	vst.idx.msk vm2, v14  }
0xee: {  	s12 =	simm.s32 $0x810;
	v11 =	vld [tilespmem:s11+$0x0];
	v12, _, _ =	vpop (xrf0)  }
0xef: {  	v13 =	vld [tilespmem:s12+$0x0];
	s16 =	spop (v2sf);
	(v2sf) =	vpush v12, $0xF;
	_ =	sdelay $0x2  }
0xf0: {  	v10 =	vor.u32 s11, v1  }
0xf1: {  	vm1 =	vlt.s32 v10, v9;
	vm2 =	vgt.s32 v11, $0x1  }
0xf2: {  	s26 =	simm.s32 $0x20;
	s17 =	sadd.s32 $0x0, s15;
	s15 =	sadd.s32 $0x0, s16;
	v12 =	vnsel vm2, $0x1, v11;
	v11 =	vnsel vm1, $0x0, v13  }
.LBB2_13:
0xf3: {  	p1 =	seq.s32 s26, $0x7F0;
	v12 =	vnsel vm1, $0x1, v12;
	(xrf0) =	vadd.scan.msk.s32 $0xffff, v11;
	s19 =	smov.u32 s26;
	s26 =	sadd.s32 $0x10, s26  }
0xf4: {  	(xrf0) =	vadd.scan.msk.s32 $0xffff, v12;
	_ =	sdelay $0x1  }
0xf5: {  	v13 =	vshll.u32 v10, $0x1  }
0xf6: {  	v10 =	vor.u32 $0x80000000, v13  }
0xf7: {  	v14 =	vor.u32 $0x80000001, v13;
	s16 =	spop (v2sf)  }
0xf8: {  	v15, _, _ =	vpop (xrf0)  }
0xf9: {  	v16 =	vsub.s32 s17, v11;
	v17, _, _ =	vpop (xrf0);
	(v2sf) =	vpush v15, $0xF  }
0xfa: {  	v15 =	vadd.s32 v15, v16;
	v18 =	vadd.s32 s15, v17;
	(v2sf) =	vpush v17, $0xF  }
0xfb: {  	v12 =	vsub.s32 v18, v12;
	v16 =	vadd.s32 v15, v18;
	s20 =	spop (v2sf)  }
0xfc: {  	vm1 =	vgt.s32 v11, $0x0;
	s16 =	sxor.u32 $0x80000000, s16;
	v12 =	vadd.s32 v15, v12;
	vm2 =	vlt.s32 v16, v8;
	s20 =	sxor.u32 $0x80000000, s20  }
0xfd: {  	v15 =	vsub.s32 v16, v8;
	v11 =	vsub.s32 v12, v8;
	vm2 =	vmand vm1, vm2;
	p2 =	sgt.s32 s6, s20  }
0xfe: {  	s11 =	sadd.s32 $0x10, s11;
	vm3 =	vgt.s32 v15, $0xFFFFFFFF;
	vm4 =	vlt.s32 v12, v8;
	v12 =	vnsel vm2, $0x80000000, v14;
	s20 =	smov.u32 @p2 s6  }
0xff: {  	vm2 =	vgt.s32 v11, $0xFFFFFFFF;
	vm5 =	vlt.s32 v11, v7;
	vm1 =	vmand vm3, vm1;
	s6 =	smov.u32 s16;
	(xrf0) =	vmax.scan.msk.u32 $0xffff, v12;
	p2 =	sgt.s32 s20, s16  }
0x100: {  	s12 =	sadd.s32 $0x10, s12;
	vm3 =	vlt.s32 v15, v7;
	vm2 =	vmand vm2, vm5;
	vm5 =	vgt.s32 v11, $0x0;
	s6 =	smov.u32 @p2 s20  }
0x101: {  	vm3 =	vmand vm1, vm3;
	vm1 =	vgt.s32 v15, $0x0;
	v11 =	vnsel vm5, $0x0, v11  }
0x102: {  	v10 =	vnsel vm4, $0x80000000, v10;
	v12 =	vnsel vm1, $0x0, v15;
	v11 =	vmin.u32 v11, $0xFFF  }
0x103: {  	v12 =	vmin.u32 v12, $0xFFF;
	(xrf0) =	vmax.scan.msk.u32 $0xffff, v10;
	_ =	sdelay $0x1  }
0x104: {  	v10, _, _ =	vpop (xrf0)  }
0x105: {  	(v2sf) =	vpush v10, $0xF  }
0x106: {  	v14 =	vor.u32 $0x1, v13;
	v10 =	vor.u32 s19, v1;
	[tilespmem:v11+s18+$0x0] =	vst.idx.msk vm2, v13  }
0x107: {  	vm1 =	vlt.s32 v10, v9;
	[tilespmem:v12+s18+$0x0] =	vst.idx.msk vm3, v14;
	s16 =	spop (v2sf)  }
0x108: {  	v11 =	vld [tilespmem:s11+$0x0];
	s17 =	sadd.s32 s17, s16;
	v12, _, _ =	vpop (xrf0);
	s16 =	spop (v2sf)  }
0x109: {  	v13 =	vld [tilespmem:s12+$0x0];
	s15 =	sadd.s32 s15, s16;
	(v2sf) =	vpush v12, $0xF  }
.Ltmp12:
0x10a: {  	(pc) =	sbr.rel @!p1 .LBB2_13-.Ltmp12, $3  }
0x10b: {  	_ =	sdelay $0x1  }
0x10c: {  	vm2 =	vgt.s32 v11, $0x1  }
0x10d: {  	v12 =	vnsel vm2, $0x1, v11;
	v11 =	vnsel vm1, $0x0, v13  }
0x10e: {  	v9 =	vnsel vm1, $0x1, v12;
	(xrf0) =	vadd.scan.msk.s32 $0xffff, v11  }
0x10f: {  	(xrf0) =	vadd.scan.msk.s32 $0xffff, v9;
	_ =	sdelay $0x4  }
0x110: {  	v57, _, _ =	vpop (xrf0)  }
0x111: {  	v13 =	vsub.s32 s17, v11;
	v14, _, _ =	vpop (xrf0)  }
0x112: {  	v13 =	vadd.s32 v57, v13;
	v15 =	vadd.s32 s15, v14  }
0x113: {  	v10 =	vshll.u32 v10, $0x1;
	v16 =	vadd.s32 v13, v15  }
0x114: {  	vm1 =	vgt.s32 v11, $0x0;
	v9 =	vsub.s32 v15, v9;
	vm2 =	vlt.s32 v16, v8  }
0x115: {  	v58 =	vor.u32 $0x80000001, v10;
	v9 =	vadd.s32 v13, v9;
	vm2 =	vmand vm1, vm2  }
0x116: {  	v59 =	vor.u32 $0x80000000, v10;
	v11 =	vnsel vm2, $0x80000000, v58;
	vm2 =	vlt.s32 v9, v8  }
0x117: {  	(xrf0) =	vmax.scan.msk.u32 $0xffff, v11;
	v60 =	vnsel vm2, $0x80000000, v59  }
0x118: {  	(xrf0) =	vmax.scan.msk.u32 $0xffff, v60;
	_ =	sdelay $0x3  }
0x119: {  	(v2sf) =	vpush v57, $0xF  }
0x11a: {  	(v2sf) =	vpush v14, $0xF;
	v61, _, _ =	vpop (xrf0)  }
0x11b: {  	(v2sf) =	vpush v61, $0xF;
	v62, _, _ =	vpop (xrf0)  }
0x11c: {  	(v2sf) =	vpush v62, $0xF;
	_ =	sdelay $0x9  }
0x11d: {  	s11 =	spop (v2sf)  }
0x11e: {  	s12 =	spop (v2sf)  }
0x11f: {  	s12 =	sxor.u32 $0x80000000, s12;
	s28 =	spop (v2sf)  }
0x120: {  	p1 =	sgt.s32 s6, s12;
	s30 =	spop (v2sf)  }
0x121: {  	s11 =	sxor.u32 $0x80000000, s11;
	s12 =	smov.u32 @p1 s6;
	s31 =	spop (v2sf)  }
0x122: {  	v9 =	vsub.s32 v9, v8;
	v8 =	vsub.s32 v16, v8;
	p1 =	sgt.s32 s12, s11;
	s15 =	spop (v2sf)  }
0x123: {  	vm2 =	vgt.s32 v8, $0xFFFFFFFF;
	vm3 =	vgt.s32 v9, $0xFFFFFFFF;
	vm4 =	vlt.s32 v9, v7;
	s11 =	smov.u32 @p1 s12;
	s12 =	sxor.u32 $0x80000000, s15  }
0x124: {  	vm1 =	vmand vm2, vm1;
	vm2 =	vmand vm3, vm4;
	vm3 =	vgt.s32 v9, $0x0;
	p1 =	sgt.s32 s11, s12  }
0x125: {  	vm15 =	vlt.s32 v8, v7;
	v7 =	vnsel vm3, $0x0, v9;
	vm3 =	vgt.s32 v8, $0x0;
	s6 =	sxor.u32 $0x80000000, s31;
	s12 =	smov.u32 @p1 s11  }
0x126: {  	vm1 =	vmand vm1, vm15;
	v7 =	vmin.u32 v7, $0xFFF;
	v8 =	vnsel vm3, $0x0, v8;
	p1 =	sgt.s32 s12, s6  }
0x127: {  	v8 =	vmin.u32 v8, $0xFFF;
	s6 =	smov.u32 @p1 s12;
	p1 =	slt.s32 s2, $0x1  }
.Ltmp13:
0x128: {  	_ = 	snop;
	(pc) =	sbr.rel @p1 .LBB2_25-.Ltmp13, $3  }
0x129: {  	_ =	sdelay $0x1  }
0x12a: {  	v63 =	vor.u32 $0x1, v10;
	[tilespmem:v7+s18+$0x0] =	vst.idx.msk vm2, v10  }
0x12b: {  	[tilespmem:v8+s18+$0x0] =	vst.idx.msk vm1, v63  }
0x12c: {  	p3 =	sne.s32 s2, $0x1  }
.Ltmp14:
0x12d: {  	_ = 	snop;
	(pc) =	sbr.rel @!p3 .LBB2_16-.Ltmp14, $3  }
0x12e: {  	_ =	sdelay $0x1  }
0x12f: {  	s11 =	sshll.u32 s14, $0xB;
	s12 =	simm.s32 $0x1180;
	s2 =	sadd.s32 $0xFFFFFFFF, s2  }
0x130: {  	v8 =	vadd.s32 s25, v3;
	p1 =	por $0x0, $0x0;
	p2 =	por $0x0, $0x0;
	v7 =	vmov s11;
	s11 =	simm.s32 $0x0  }
0x131: {  	v9 =	vld [tilespmem:s12+$0x0]  }
0x132: {  	p3 =	sne.s32 s2, $0x1  }
.Ltmp15:
0x133: {  	_ = 	snop;
	(pc) =	sbr.rel @!p3 .LBB2_20-.Ltmp15, $3  }
0x134: {  	_ =	sdelay $0x1  }
0x135: {  	v9 =	vxor.u32 $0x80000000, v9  }
0x136: {  	s15 =	sadd.s32 $0xFFFFFFFF, s2;
	p1 =	por $0x1, $0x1;
	(xrf0) =	vmax.scan.msk.u32 $0xffff, v9  }
0x137: {  	_ =	sdelay $0x4  }
0x138: {  	v9, _, _ =	vpop (xrf0)  }
0x139: {  	s2 =	sadd.s32 $0x0, s1;
	v9 =	vxor.u32 $0x80000000, v9  }
0x13a: {  	v10 =	vmov s2;
	vm1 =	vgt.s32 v9, s6  }
0x13b: {  	vm2 =	vlt.s32 v10, v8;
	v9 =	vnsel vm1, s6, v9  }
0x13c: {  	v11 =	vand.u32 $0x1, v9;
	v10 =	vshra.s32 v9, $0x1;
	v9 =	vxor.u32 $0x80000000, v9  }
0x13d: {  	vm1 =	veq.s32 v11, $0x0;
	(xrf0) =	vmax.scan.msk.u32 $0xffff, v9  }
0x13e: {  	vm1 =	vmand vm2, vm1  }
0x13f: {  	v10 =	vnsel vm1, $0x0, v10  }
0x140: {  	s31 =	sand.u32 $0xFFFFFE00, s11;
	v10 =	vadd.s32 v7, v10  }
0x141: {  	s16 =	sand.u32 $0x30, s11;
	s2 =	sshra.s32 s31, $0x2  }
0x142: {  	s2 =	sor.u32 s16, s2  }
0x143: {  	[tilespmem:s2+$0x2180] =	vst v10;
	v10, _, _ =	vpop (xrf0)  }
0x144: {  	(v2sf) =	vpush v10, $0xF;
	_ =	sdelay $0x1  }
0x145: {  	s2 =	simm.s32 $0x1190  }
0x146: {  	v9 =	vld [tilespmem:s2+$0x0];
	_ =	sdelay $0x2  }
0x147: {  	p3 =	sne.s32 s15, $0x1  }
.Ltmp16:
0x148: {  	_ = 	snop;
	(pc) =	sbr.rel @!p3 .LBB2_22-.Ltmp16, $4  }
0x149: {  	v9 =	vxor.u32 $0x80000000, v9  }
0x14a: {  	(xrf0) =	vmax.scan.msk.u32 $0xffff, v9  }
0x14b: {  	s19 =	sadd.s32 $0xFFFFFFFF, s15  }
0x14c: {  	p2 =	por $0x1, $0x1;
	s17 =	simm.s32 $0x0;
	s15 =	simm.s32 $0x0  }
.LBB2_23:
0x14d: {  	p3 =	sne.s32 s19, $0x1;
	_ =	sdelay $0x2  }
0x14e: {  	v9, _, _ =	vpop (xrf0);
	s16 =	spop (v2sf)  }
0x14f: {  	v9 =	vxor.u32 $0x80000000, v9;
	s16 =	sxor.u32 $0x80000000, s16  }
0x150: {  	s17 =	sadd.s32 $0x10, s17;
	vm1 =	vgt.s32 v9, s16  }
0x151: {  	v9 =	vnsel vm1, s16, v9;
	s16 =	sadd.s32 s17, s1  }
0x152: {  	v10 =	vmov s16;
	v11 =	vand.u32 $0x1, v9;
	v12 =	vxor.u32 $0x80000000, v9  }
0x153: {  	s15 =	sadd.s32 $0x80, s15;
	vm1 =	veq.s32 v11, $0x0;
	vm2 =	vlt.s32 v10, v8;
	(xrf0) =	vmax.scan.msk.u32 $0xffff, v12  }
0x154: {  	v9 =	vshra.s32 v9, $0x1;
	s16 =	sand.u32 $0xFFFFFE00, s15;
	vm1 =	vmand vm2, vm1  }
0x155: {  	s20 =	sand.u32 $0x30, s17;
	s16 =	sshra.s32 s16, $0x2;
	v9 =	vnsel vm1, $0x0, v9  }
0x156: {  	s16 =	sor.u32 s20, s16;
	v9 =	vadd.s32 v7, v9  }
0x157: {  	[tilespmem:s16+$0x2180] =	vst v9;
	_ =	sdelay $0x1  }
0x158: {  	v9, _, _ =	vpop (xrf0)  }
0x159: {  	(v2sf) =	vpush v9, $0xF;
	_ =	sdelay $0x1  }
0x15a: {  	s2 =	sadd.s32 $0x10, s2  }
0x15b: {  	v9 =	vld [tilespmem:s2+$0x0];
	_ =	sdelay $0x3  }
.Ltmp17:
0x15c: {  	(pc) =	sbr.rel @p3 .LBB2_23-.Ltmp17, $3  }
0x15d: {  	v9 =	vxor.u32 $0x80000000, v9  }
0x15e: {  	(xrf0) =	vmax.scan.msk.u32 $0xffff, v9;
	_ =	sdelay $0x1  }
0x15f: {  	s19 =	sadd.s32 $0xFFFFFFFF, s19  }
.LBB2_24:
0x160: {  	_ =	sdelay $0x2  }
0x161: {  	s16 =	spop @p2 (v2sf)  }
0x162: {  	s19 =	smov.u32 s6;
	v9, _, _ =	vpop @p1 (xrf0);
	s16 =	sxor.u32 @p2 $0x80000000, s16  }
0x163: {  	v9 =	vxor.u32 @p1 $0x80000000, v9;
	s19 =	smov.u32 @p2 s16  }
0x164: {  	vm1 =	vgt.s32 @p1 v9, s19  }
0x165: {  	v9 =	vnsel @p1 vm1, s19, v9  }
0x166: {  	v10 =	vxor.u32 @p1 $0x80000000, v9  }
0x167: {  	s16 =	sadd.s32 @p2 $0x10, s17;
	s17 =	simm.s32 $0x0;
	(xrf0) =	vmax.scan.msk.u32 @p1 $0xffff, v10  }
0x168: {  	s17 =	smov.u32 @p2 s16  }
0x169: {  	s16 =	sadd.s32 @p1 s17, s1  }
0x16a: {  	v10 =	vmov @p1 s16;
	_ =	sdelay $0x1  }
0x16b: {  	s15 =	sadd.s32 @p2 $0x80, s15;
	v11 =	vand.u32 @p1 $0x1, v9;
	s16 =	simm.s32 $0x0  }
0x16c: {  	vm1 =	veq.s32 @p1 v11, $0x0;
	vm2 =	vlt.s32 @p1 v10, v8;
	s16 =	smov.u32 @p2 s15;
	v10, _, _ =	vpop @p1 (xrf0)  }
0x16d: {  	v9 =	vshra.s32 @p1 v9, $0x1;
	vm1 =	vmand @p1 vm2, vm1;
	s15 =	sand.u32 @p1 $0xFFFFFE00, s16;
	(v2sf) =	vpush @p1 v10, $0xF  }
0x16e: {  	s19 =	sand.u32 @p1 $0x30, s17;
	v9 =	vnsel @p1 vm1, $0x0, v9;
	s15 =	sshra.s32 @p1 s15, $0x2  }
0x16f: {  	s2 =	sadd.s32 @p1 $0x10, s2;
	v9 =	vadd.s32 @p1 v7, v9;
	s15 =	sor.u32 @p1 s19, s15  }
0x170: {  	s12 =	smov.u32 @p1 s2;
	[tilespmem:s15+$0x2180] =	vst @p1 v9  }
0x171: {  	v9 =	vld [tilespmem:s12+$0x0];
	_ =	sdelay $0x4  }
0x172: {  	v9 =	vxor.u32 $0x80000000, v9  }
0x173: {  	(xrf0) =	vmax.scan.msk.u32 $0xffff, v9;
	_ =	sdelay $0x4  }
0x174: {  	s2 =	spop @p1 (v2sf)  }
0x175: {  	v9, _, _ =	vpop (xrf0);
	s2 =	sxor.u32 @p1 $0x80000000, s2  }
0x176: {  	v9 =	vxor.u32 $0x80000000, v9;
	s6 =	smov.u32 @p1 s2  }
0x177: {  	vm1 =	vgt.s32 v9, s6  }
0x178: {  	v9 =	vnsel vm1, s6, v9  }
0x179: {  	v61 =	vxor.u32 $0x80000000, v9  }
0x17a: {  	(xrf0) =	vmax.scan.msk.u32 $0xffff, v61;
	_ =	sdelay $0x5  }
0x17b: {  	v10, _, _ =	vpop (xrf0)  }
0x17c: {  	(v2sf) =	vpush v10, $0xF;
	_ =	sdelay $0x6  }
0x17d: {  	s2 =	sadd.s32 @p1 $0x10, s17;
	s6 =	simm.s32 $0x0  }
0x17e: {  	s6 =	smov.u32 @p1 s2  }
0x17f: {  	s2 =	sadd.s32 s6, s1  }
0x180: {  	v63 =	vand.u32 $0x1, v9;
	v62 =	vmov s2;
	s2 =	sadd.s32 @p1 $0x80, s16  }
0x181: {  	vm1 =	veq.s32 v63, $0x0;
	vm2 =	vlt.s32 v62, v8;
	s11 =	smov.u32 @p1 s2  }
0x182: {  	v8 =	vshra.s32 v9, $0x1;
	vm1 =	vmand vm2, vm1;
	s2 =	sand.u32 $0xFFFFFE00, s11  }
0x183: {  	s6 =	sand.u32 $0x30, s6;
	v8 =	vnsel vm1, $0x0, v8;
	s2 =	sshra.s32 s2, $0x2  }
0x184: {  	v7 =	vadd.s32 v7, v8;
	s2 =	sor.u32 s6, s2  }
0x185: {  	[tilespmem:s2+$0x2180] =	vst v7;
	s31 =	spop (v2sf)  }
.LBB2_25:
0x186: {  	v7 =	vld [tilespmem:$0x2180];
	_ =	sdelay $0x4  }
0x187: {  	v8 =	vshll.u32 v7, $0x1  }
0x188: {  	v7 =	vand.u32 $0x7, v7;
	v8 =	vand.u32 $0xFFFFFFF0, v8  }
0x189: {  	v7 =	vor.u32 v7, v8  }
0x18a: {  	v8 =	vperm.xlane v7, v4;
	_ =	sdelay $0x1  }
0x18b: {  	v7 =	vperm.xlane v7, v6;
	v8 =	vadd.s32 v5, v8;
	_ =	sdelay $0x1  }
0x18c: {  	v7 =	vadd.s32 v5, v7;
	_ =	sdelay $0x1  }
0x18d: {  	s2 =	simm.s32 $0x4180  }
0x18e: {  	[tilespmem:s2], [sflag:$0x1] =	stream.indirect_vreg.gather [hbm4b:s0+s7], $0x80, v8, vm0, $0x2000b8;
	[tilespmem:$0x18180] =	vst v63  }
0x18f: {  	s16 =	simm.s32 $0x4980  }
0x190: {  	[tilespmem:s16], [sflag:$0x1] =	stream.indirect_vreg.gather [hbm4b:s0+s7], $0x80, v7, vm0, $0x2000b8;
	[tilespmem:$0x18180] =	vst v63  }
0x191: {  	v7 =	vld [tilespmem:$0x2190];
	_ =	sdelay $0x4  }
0x192: {  	v8 =	vshll.u32 v7, $0x1  }
0x193: {  	v7 =	vand.u32 $0x7, v7;
	v8 =	vand.u32 $0xFFFFFFF0, v8  }
0x194: {  	v7 =	vor.u32 v7, v8  }
0x195: {  	v8 =	vperm.xlane v7, v4;
	_ =	sdelay $0x1  }
0x196: {  	v7 =	vperm.xlane v7, v6;
	v8 =	vadd.s32 v5, v8;
	_ =	sdelay $0x1  }
0x197: {  	v7 =	vadd.s32 v5, v7;
	_ =	sdelay $0x1  }
0x198: {  	s17 =	simm.s32 $0x5180  }
0x199: {  	[tilespmem:s17], [sflag:$0x1] =	stream.indirect_vreg.gather [hbm4b:s0+s7], $0x80, v8, vm0, $0x2000b8;
	[tilespmem:$0x18180] =	vst v63  }
0x19a: {  	s19 =	simm.s32 $0x5980  }
0x19b: {  	[tilespmem:s19], [sflag:$0x1] =	stream.indirect_vreg.gather [hbm4b:s0+s7], $0x80, v7, vm0, $0x2000b8;
	[tilespmem:$0x18180] =	vst v63  }
0x19c: {  	v7 =	vld [tilespmem:$0x21A0];
	_ =	sdelay $0x4  }
0x19d: {  	v8 =	vshll.u32 v7, $0x1  }
0x19e: {  	v7 =	vand.u32 $0x7, v7;
	v8 =	vand.u32 $0xFFFFFFF0, v8  }
0x19f: {  	v7 =	vor.u32 v7, v8  }
0x1a0: {  	v8 =	vperm.xlane v7, v4;
	_ =	sdelay $0x1  }
0x1a1: {  	v7 =	vperm.xlane v7, v6;
	v8 =	vadd.s32 v5, v8;
	_ =	sdelay $0x1  }
0x1a2: {  	v7 =	vadd.s32 v5, v7;
	_ =	sdelay $0x1  }
0x1a3: {  	s20 =	simm.s32 $0x6180  }
0x1a4: {  	[tilespmem:s20], [sflag:$0x1] =	stream.indirect_vreg.gather [hbm4b:s0+s7], $0x80, v8, vm0, $0x2000b8;
	[tilespmem:$0x18180] =	vst v63  }
0x1a5: {  	s22 =	simm.s32 $0x6980  }
0x1a6: {  	[tilespmem:s22], [sflag:$0x1] =	stream.indirect_vreg.gather [hbm4b:s0+s7], $0x80, v7, vm0, $0x2000b8;
	[tilespmem:$0x18180] =	vst v63  }
0x1a7: {  	v7 =	vld [tilespmem:$0x21B0];
	_ =	sdelay $0x4  }
0x1a8: {  	v8 =	vshll.u32 v7, $0x1  }
0x1a9: {  	v7 =	vand.u32 $0x7, v7;
	v8 =	vand.u32 $0xFFFFFFF0, v8  }
0x1aa: {  	v7 =	vor.u32 v7, v8  }
0x1ab: {  	v8 =	vperm.xlane v7, v4;
	_ =	sdelay $0x1  }
0x1ac: {  	v7 =	vperm.xlane v7, v6;
	v8 =	vadd.s32 v5, v8;
	_ =	sdelay $0x1  }
0x1ad: {  	v7 =	vadd.s32 v5, v7;
	_ =	sdelay $0x1  }
0x1ae: {  	s23 =	simm.s32 $0x7180  }
0x1af: {  	[tilespmem:s23], [sflag:$0x1] =	stream.indirect_vreg.gather [hbm4b:s0+s7], $0x80, v8, vm0, $0x2000b8;
	[tilespmem:$0x18180] =	vst v63  }
0x1b0: {  	s26 =	simm.s32 $0x7980;
	p1 =	slt.s32 s24, $0x2  }
0x1b1: {  	[tilespmem:s26], [sflag:$0x1] =	stream.indirect_vreg.gather [hbm4b:s0+s7], $0x80, v7, vm0, $0x2000b8;
	[tilespmem:$0x18180] =	vst v63  }
0x1b2: {  	v7 =	vld @!p1 [tilespmem:$0x2200];
	_ =	sdelay $0x4  }
0x1b3: {  	v8 =	vshll.u32 @!p1 v7, $0x1  }
0x1b4: {  	v9 =	vlaneseq.u32 @!p1;
	v7 =	vand.u32 @!p1 $0x7, v7;
	v8 =	vand.u32 @!p1 $0xFFFFFFF0, v8  }
0x1b5: {  	v10 =	vshrl.u32 @!p1 v9, $0x3;
	v7 =	vor.u32 @!p1 v7, v8;
	v8 =	vand.u32 @!p1 $0x7, v9  }
0x1b6: {  	v10 =	vmul.u32 @!p1 $0x8, v10;
	v11 =	vperm.xlane @!p1 v7, v8  }
0x1b7: {  	v9 =	vor.u32 @!p1 $0x8, v9  }
0x1b8: {  	v7 =	vperm.xlane @!p1 v7, v9;
	v11 =	vadd.s32 @!p1 v10, v11;
	_ =	sdelay $0x1  }
0x1b9: {  	v7 =	vadd.s32 @!p1 v10, v7;
	_ =	sdelay $0x1  }
0x1ba: {  	vm1 =	vmmov @!p1 $0xffff;
	s6 =	simm.s32 @!p1 $0x8180;
	s2 =	simm.s32 @!p1 $0x0  }
0x1bb: {  	[tilespmem:s6], [sflag:$0x2] =	stream.indirect_vreg.gather @!p1 [hbm4b:s0+s2], $0x80, v11, vm1, $0x2000b8;
	[tilespmem:$0x18180] =	vst v63  }
0x1bc: {  	s6 =	simm.s32 @!p1 $0x8980  }
0x1bd: {  	[tilespmem:s6], [sflag:$0x2] =	stream.indirect_vreg.gather @!p1 [hbm4b:s0+s2], $0x80, v7, vm1, $0x2000b8;
	[tilespmem:$0x18180] =	vst v63  }
0x1be: {  	v7 =	vld @!p1 [tilespmem:$0x2210];
	_ =	sdelay $0x4  }
0x1bf: {  	v11 =	vshll.u32 @!p1 v7, $0x1  }
0x1c0: {  	v7 =	vand.u32 @!p1 $0x7, v7;
	v11 =	vand.u32 @!p1 $0xFFFFFFF0, v11  }
0x1c1: {  	v7 =	vor.u32 @!p1 v7, v11  }
0x1c2: {  	v11 =	vperm.xlane @!p1 v7, v8;
	_ =	sdelay $0x1  }
0x1c3: {  	v7 =	vperm.xlane @!p1 v7, v9;
	v11 =	vadd.s32 @!p1 v10, v11;
	_ =	sdelay $0x1  }
0x1c4: {  	v7 =	vadd.s32 @!p1 v10, v7;
	_ =	sdelay $0x1  }
0x1c5: {  	s6 =	simm.s32 @!p1 $0x9180  }
0x1c6: {  	[tilespmem:s6], [sflag:$0x2] =	stream.indirect_vreg.gather @!p1 [hbm4b:s0+s2], $0x80, v11, vm1, $0x2000b8;
	[tilespmem:$0x18180] =	vst v63  }
0x1c7: {  	s6 =	simm.s32 @!p1 $0x9980  }
0x1c8: {  	[tilespmem:s6], [sflag:$0x2] =	stream.indirect_vreg.gather @!p1 [hbm4b:s0+s2], $0x80, v7, vm1, $0x2000b8;
	[tilespmem:$0x18180] =	vst v63  }
0x1c9: {  	v7 =	vld @!p1 [tilespmem:$0x2220];
	_ =	sdelay $0x4  }
0x1ca: {  	v11 =	vshll.u32 @!p1 v7, $0x1  }
0x1cb: {  	v7 =	vand.u32 @!p1 $0x7, v7;
	v11 =	vand.u32 @!p1 $0xFFFFFFF0, v11  }
0x1cc: {  	v7 =	vor.u32 @!p1 v7, v11  }
0x1cd: {  	v11 =	vperm.xlane @!p1 v7, v8;
	_ =	sdelay $0x1  }
0x1ce: {  	v7 =	vperm.xlane @!p1 v7, v9;
	v11 =	vadd.s32 @!p1 v10, v11;
	_ =	sdelay $0x1  }
0x1cf: {  	v7 =	vadd.s32 @!p1 v10, v7;
	_ =	sdelay $0x1  }
0x1d0: {  	s6 =	simm.s32 @!p1 $0xA180  }
0x1d1: {  	[tilespmem:s6], [sflag:$0x2] =	stream.indirect_vreg.gather @!p1 [hbm4b:s0+s2], $0x80, v11, vm1, $0x2000b8;
	[tilespmem:$0x18180] =	vst v63  }
0x1d2: {  	s6 =	simm.s32 @!p1 $0xA980  }
0x1d3: {  	[tilespmem:s6], [sflag:$0x2] =	stream.indirect_vreg.gather @!p1 [hbm4b:s0+s2], $0x80, v7, vm1, $0x2000b8;
	[tilespmem:$0x18180] =	vst v63  }
0x1d4: {  	v7 =	vld @!p1 [tilespmem:$0x2230];
	_ =	sdelay $0x4  }
0x1d5: {  	v11 =	vshll.u32 @!p1 v7, $0x1  }
0x1d6: {  	v7 =	vand.u32 @!p1 $0x7, v7;
	v11 =	vand.u32 @!p1 $0xFFFFFFF0, v11  }
0x1d7: {  	v7 =	vor.u32 @!p1 v7, v11  }
0x1d8: {  	v8 =	vperm.xlane @!p1 v7, v8;
	_ =	sdelay $0x1  }
0x1d9: {  	v7 =	vperm.xlane @!p1 v7, v9;
	v8 =	vadd.s32 @!p1 v10, v8;
	_ =	sdelay $0x1  }
0x1da: {  	v7 =	vadd.s32 @!p1 v10, v7  }
0x1db: {  	s28 =	sadd.s32 $0x3, s24  }
0x1dc: {  	s30 =	sand.u32 $0x3, s28;
	s31 =	sshra.s32 s28, $0x1F;
	s6 =	simm.s32 @!p1 $0xB180  }
0x1dd: {  	[tilespmem:s6], [sflag:$0x2] =	stream.indirect_vreg.gather @!p1 [hbm4b:s0+s2], $0x80, v8, vm1, $0x2000b8;
	[tilespmem:$0x18180] =	vst v63  }
0x1de: {  	p2 =	slt.s32 s28, $0x1;
	p6 =	sne.s32 s30, $0x0;
	s6 =	simm.s32 @!p1 $0xB980  }
0x1df: {  	[tilespmem:s6], [sflag:$0x2] =	stream.indirect_vreg.gather @!p1 [hbm4b:s0+s2], $0x80, v7, vm1, $0x2000b8;
	[tilespmem:$0x18180] =	vst v63  }
0x1e0: {  	s6 =	sshrl.u32 s31, $0x1E;
	p1 =	por !p2, !p6  }
0x1e1: {  	s2 =	sadd.s32 s6, s28;
	p1 =	por !p1, !p1;
	s6 =	simm.s32 $0x1  }
0x1e2: {  	s2 =	sshra.s32 s2, $0x2;
	s6 =	simm.s32 @!p1 $0x0  }
0x1e3: {  	s26 =	ssub.s32 s2, s6  }
0x1e4: {  	p1 =	slt.s32 s26, $0x1  }
.Ltmp18:
0x1e5: {  	_ = 	snop;
	(pc) =	sbr.rel @p1 .LBB2_56-.Ltmp18, $1  }
0x1e6: {  	_ =	sdelay $0x3  }
0x1e7: {  	s2 =	sshll.u32 s14, $0x15;
	s3 =	sshll.u32 s3, $0xE  }
.Ltmp19:
0x1e8: {  	s12 =	sadd.s32 $0xFFFFFFFF, s24;
	s25 =	ssub.s32 s25, s1;
	(pc) =	sbr.rel .LBB2_27-.Ltmp19, $4  }
0x1e9: {  	s31 =	sadd.s32 $0xFFFFFFFD, s24;
	s15 =	sadd.s32 $0xFFFFFFFC, s24;
	s30 =	simm.s32 $0x0  }
0x1ea: {  	s28 =	simm.s32 $0x40;
	s17 =	simm.s32 $0x80;
	s23 =	rddreg [dreg:$0xb]  }
0x1eb: {  	s6 =	simm.s32 $0xC0;
	s4 =	rddreg [dreg:$0xf];
	s11 =	simm.s32 $0x0  }
0x1ec: {  	s1 =	sadd.s32 s3, s2;
	s3 =	sadd.s32 $0xFFFFFFFE, s24;
	p1 =	sgt.s32 s4, s23  }
.LBB2_55:
0x1ed: {  	s11 =	sadd.s32 $0x1, s11  }
0x1ee: {  	p2 =	sne.s32 s11, s26  }
.Ltmp20:
0x1ef: {  	_ = 	snop;
	(pc) =	sbr.rel @!p2 .LBB2_56-.Ltmp20, $3  }
0x1f0: {  	_ =	sdelay $0x1  }
0x1f1: {  	s30 =	sadd.s32 $0x100, s30  }
0x1f2: {  	s28 =	sadd.s32 $0x100, s28;
	s17 =	sadd.s32 $0x100, s17;
	s6 =	sadd.s32 $0x100, s6  }
.LBB2_27:
0x1f3: {  	s2 =	sshll.u32 s11, $0x2  }
0x1f4: {  	p2 =	sge.s32 s2, s24  }
.Ltmp21:
0x1f5: {  	_ = 	snop;
	(pc) =	sbr.rel @p2 .LBB2_34-.Ltmp21, $1  }
0x1f6: {  	_ =	sdelay $0x3  }
0x1f7: {  	p2 =	sne.s32 @!p1 s2, s12  }
0x1f8: {  	p2 =	por p1, p2  }
.Ltmp22:
0x1f9: {  	_ = 	snop;
	(pc) =	sbr.rel @p2 .LBB2_32-.Ltmp22, $4  }
0x1fa: {  	s4 =	simm.s32 $0x1  }
0x1fb: {  	_ =	swait.ge [sflag:s4], $0x4000  }
0x1fc: {  	[sflag:s4] =	ssyncset.done $0x0  }
0x1fd: {  	s19 =	simm.s32 $0x0;
	[sflag:s4] =	ssyncadd.s32 $0xFFFFC000  }
0x1fe: {  	p2 =	slt.s32 s30, s25  }
0x1ff: {  	s16 =	sand.u32 @!p2 $0x3800, s19;
	s20 =	sand.u32 @!p2 $0x380, s19  }
0x200: {  	v7 =	vimm.f32 @!p2 $0.0e+00;
	s20 =	sor.u32 @!p2 s20, s16;
	p2 =	por p2, p2  }
0x201: {  	[tilespmem:s20+$0x45F0] =	vst @!p2 v7  }
0x202: {  	[tilespmem:s20+$0x4180] =	vst @!p2 v7  }
0x203: {  	[tilespmem:s20+$0x4190] =	vst @!p2 v7  }
0x204: {  	[tilespmem:s20+$0x41A0] =	vst @!p2 v7  }
0x205: {  	[tilespmem:s20+$0x41B0] =	vst @!p2 v7  }
0x206: {  	[tilespmem:s20+$0x41C0] =	vst @!p2 v7  }
0x207: {  	[tilespmem:s20+$0x41D0] =	vst @!p2 v7  }
0x208: {  	[tilespmem:s20+$0x41E0] =	vst @!p2 v7  }
0x209: {  	[tilespmem:s20+$0x41F0] =	vst @!p2 v7  }
0x20a: {  	[tilespmem:s20+$0x4580] =	vst @!p2 v7  }
0x20b: {  	[tilespmem:s20+$0x4590] =	vst @!p2 v7  }
0x20c: {  	[tilespmem:s20+$0x45A0] =	vst @!p2 v7  }
0x20d: {  	s22 =	simm.s32 $0x80;
	s16 =	sadd.s32 $0x1, s30;
	[tilespmem:s20+$0x45B0] =	vst @!p2 v7  }
.LBB2_30:
0x20e: {  	p4 =	slt.s32 s16, s25  }
0x20f: {  	[tilespmem:s20+$0x45C0] =	vst @!p2 v7;
	s19 =	sadd.s32 $0x100, s19;
	s23 =	smov.u32 s22;
	s22 =	sadd.s32 $0x80, s22  }
0x210: {  	s8 =	sand.u32 @!p4 $0x3800, s19;
	s23 =	sand.u32 @!p4 $0x380, s23;
	p3 =	sne.s32 s22, $0x2000;
	[tilespmem:s20+$0x45D0] =	vst @!p2 v7  }
0x211: {  	[tilespmem:s20+$0x45E0] =	vst @!p2 v7;
	v7 =	vimm.f32 @!p4 $0.0e+00;
	s20 =	sor.u32 @!p4 s23, s8;
	p2 =	por p4, p4  }
0x212: {  	[tilespmem:s20+$0x45F0] =	vst @!p2 v7  }
0x213: {  	[tilespmem:s20+$0x4180] =	vst @!p2 v7  }
0x214: {  	[tilespmem:s20+$0x4190] =	vst @!p2 v7  }
0x215: {  	[tilespmem:s20+$0x41A0] =	vst @!p2 v7  }
0x216: {  	[tilespmem:s20+$0x41B0] =	vst @!p2 v7  }
0x217: {  	[tilespmem:s20+$0x41C0] =	vst @!p2 v7  }
0x218: {  	[tilespmem:s20+$0x41D0] =	vst @!p2 v7  }
0x219: {  	[tilespmem:s20+$0x41E0] =	vst @!p2 v7  }
.Ltmp23:
0x21a: {  	[tilespmem:s20+$0x41F0] =	vst @!p2 v7;
	(pc) =	sbr.rel @p3 .LBB2_30-.Ltmp23, $4  }
0x21b: {  	[tilespmem:s20+$0x4580] =	vst @!p2 v7  }
0x21c: {  	[tilespmem:s20+$0x4590] =	vst @!p2 v7  }
0x21d: {  	[tilespmem:s20+$0x45A0] =	vst @!p2 v7  }
0x21e: {  	s16 =	sadd.s32 $0x1, s16;
	[tilespmem:s20+$0x45B0] =	vst @!p2 v7  }
0x21f: {  	[tilespmem:s20+$0x45C0] =	vst @!p2 v7  }
0x220: {  	[tilespmem:s20+$0x45D0] =	vst @!p2 v7  }
0x221: {  	[tilespmem:s20+$0x45E0] =	vst @!p2 v7  }
.LBB2_32:
0x222: {  	s16 =	sor.u32 $0x2, s2  }
0x223: {  	p2 =	sge.s32 s16, s24  }
.Ltmp24:
0x224: {  	s8 =	sshll.u32 s11, $0x10;
	(pc) =	sbr.rel @p2 .LBB2_34-.Ltmp24, $4  }
0x225: {  	s8 =	sadd.s32 s1, s8  }
0x226: {  	s8 =	sshrl.u32 s8, $0x3  }
0x227: {  	s4 =	simm.s32 $0x4180;
	s8 =	sadd.s32 s5, s8  }
0x228: {  	[hbm4b:s8+s7] =	stream.linear.scatter [tilespmem:s4], [sflag:$0x5], $0x4000, $0x200038;
	[tilespmem:$0x18180] =	vst v63  }
0x229: {  	p2 =	seq.s32 s2, $0x0  }
0x22a: {  	s8 =	simm.s32 @!p2 $0x7  }
0x22b: {  	_ =	swait.ge @!p2 [sflag:s8], $0x4000  }
0x22c: {  	s16 =	sshll.u32 s16, $0x9;
	[sflag:s8] =	ssyncset.done @!p2 $0x0  }
0x22d: {  	[sflag:s8] =	ssyncadd.s32 @!p2 $0xFFFFC000;
	s8 =	sshra.s32 s16, $0x2  }
0x22e: {  	v7 =	vld [tilespmem:s8+$0x2180];
	_ =	sdelay $0x4  }
0x22f: {  	v8 =	vshll.u32 v7, $0x1  }
0x230: {  	v7 =	vand.u32 $0x7, v7;
	v8 =	vand.u32 $0xFFFFFFF0, v8  }
0x231: {  	v7 =	vor.u32 v7, v8  }
0x232: {  	v8 =	vperm.xlane v7, v4;
	_ =	sdelay $0x1  }
0x233: {  	v7 =	vperm.xlane v7, v6;
	v8 =	vadd.s32 v5, v8;
	_ =	sdelay $0x1  }
0x234: {  	v7 =	vadd.s32 v5, v7;
	_ =	sdelay $0x1  }
0x235: {  	s4 =	simm.s32 $0xC180  }
0x236: {  	[tilespmem:s4], [sflag:$0x3] =	stream.indirect_vreg.gather [hbm4b:s0+s7], $0x80, v8, vm0, $0x2000b8;
	[tilespmem:$0x18180] =	vst v63  }
0x237: {  	s22 =	simm.s32 $0xC980  }
0x238: {  	[tilespmem:s22], [sflag:$0x3] =	stream.indirect_vreg.gather [hbm4b:s0+s7], $0x80, v7, vm0, $0x2000b8;
	[tilespmem:$0x18180] =	vst v63  }
0x239: {  	v7 =	vld [tilespmem:s8+$0x2190];
	_ =	sdelay $0x4  }
0x23a: {  	v8 =	vshll.u32 v7, $0x1  }
0x23b: {  	v7 =	vand.u32 $0x7, v7;
	v8 =	vand.u32 $0xFFFFFFF0, v8  }
0x23c: {  	v7 =	vor.u32 v7, v8  }
0x23d: {  	v8 =	vperm.xlane v7, v4;
	_ =	sdelay $0x1  }
0x23e: {  	v7 =	vperm.xlane v7, v6;
	v8 =	vadd.s32 v5, v8;
	_ =	sdelay $0x1  }
0x23f: {  	v7 =	vadd.s32 v5, v7;
	_ =	sdelay $0x1  }
0x240: {  	s23 =	simm.s32 $0xD180  }
0x241: {  	[tilespmem:s23], [sflag:$0x3] =	stream.indirect_vreg.gather [hbm4b:s0+s7], $0x80, v8, vm0, $0x2000b8;
	[tilespmem:$0x18180] =	vst v63  }
0x242: {  	s16 =	simm.s32 $0xD980  }
0x243: {  	[tilespmem:s16], [sflag:$0x3] =	stream.indirect_vreg.gather [hbm4b:s0+s7], $0x80, v7, vm0, $0x2000b8;
	[tilespmem:$0x18180] =	vst v63  }
0x244: {  	v7 =	vld [tilespmem:s8+$0x21A0];
	_ =	sdelay $0x4  }
0x245: {  	v8 =	vshll.u32 v7, $0x1  }
0x246: {  	v7 =	vand.u32 $0x7, v7;
	v8 =	vand.u32 $0xFFFFFFF0, v8  }
0x247: {  	v7 =	vor.u32 v7, v8  }
0x248: {  	v8 =	vperm.xlane v7, v4;
	_ =	sdelay $0x1  }
0x249: {  	v7 =	vperm.xlane v7, v6;
	v8 =	vadd.s32 v5, v8;
	_ =	sdelay $0x1  }
0x24a: {  	v7 =	vadd.s32 v5, v7;
	_ =	sdelay $0x1  }
0x24b: {  	s19 =	simm.s32 $0xE180  }
0x24c: {  	[tilespmem:s19], [sflag:$0x3] =	stream.indirect_vreg.gather [hbm4b:s0+s7], $0x80, v8, vm0, $0x2000b8;
	[tilespmem:$0x18180] =	vst v63  }
0x24d: {  	s20 =	simm.s32 $0xE980  }
0x24e: {  	[tilespmem:s20], [sflag:$0x3] =	stream.indirect_vreg.gather [hbm4b:s0+s7], $0x80, v7, vm0, $0x2000b8;
	[tilespmem:$0x18180] =	vst v63  }
0x24f: {  	v7 =	vld [tilespmem:s8+$0x21B0];
	_ =	sdelay $0x4  }
0x250: {  	v8 =	vshll.u32 v7, $0x1  }
0x251: {  	v7 =	vand.u32 $0x7, v7;
	v8 =	vand.u32 $0xFFFFFFF0, v8  }
0x252: {  	v7 =	vor.u32 v7, v8  }
0x253: {  	v8 =	vperm.xlane v7, v4;
	_ =	sdelay $0x1  }
0x254: {  	v7 =	vperm.xlane v7, v6;
	v8 =	vadd.s32 v5, v8;
	_ =	sdelay $0x1  }
0x255: {  	v7 =	vadd.s32 v5, v7;
	_ =	sdelay $0x1  }
0x256: {  	s22 =	simm.s32 $0xF180  }
0x257: {  	[tilespmem:s22], [sflag:$0x3] =	stream.indirect_vreg.gather [hbm4b:s0+s7], $0x80, v8, vm0, $0x2000b8;
	[tilespmem:$0x18180] =	vst v63  }
0x258: {  	s23 =	simm.s32 $0xF980  }
0x259: {  	[tilespmem:s23], [sflag:$0x3] =	stream.indirect_vreg.gather [hbm4b:s0+s7], $0x80, v7, vm0, $0x2000b8;
	[tilespmem:$0x18180] =	vst v63  }
.LBB2_34:
0x25a: {  	s19 =	sor.u32 $0x1, s2  }
0x25b: {  	p2 =	sge.s32 s19, s24  }
.Ltmp25:
0x25c: {  	_ = 	snop;
	(pc) =	sbr.rel @p2 .LBB2_41-.Ltmp25, $1  }
0x25d: {  	_ =	sdelay $0x3  }
0x25e: {  	p2 =	sne.s32 @!p1 s2, s3  }
0x25f: {  	p2 =	por p1, p2  }
.Ltmp26:
0x260: {  	_ = 	snop;
	(pc) =	sbr.rel @p2 .LBB2_39-.Ltmp26, $4  }
0x261: {  	s4 =	simm.s32 $0x2  }
0x262: {  	_ =	swait.ge [sflag:s4], $0x4000  }
0x263: {  	[sflag:s4] =	ssyncset.done $0x0  }
0x264: {  	s20 =	simm.s32 $0x0;
	[sflag:s4] =	ssyncadd.s32 $0xFFFFC000  }
0x265: {  	p2 =	slt.s32 s28, s25  }
0x266: {  	s8 =	sand.u32 @!p2 $0x3800, s20;
	s16 =	sand.u32 @!p2 $0x380, s20  }
0x267: {  	v7 =	vimm.f32 @!p2 $0.0e+00;
	s22 =	sor.u32 @!p2 s16, s8;
	p2 =	por p2, p2  }
0x268: {  	[tilespmem:s22+$0x85F0] =	vst @!p2 v7  }
0x269: {  	[tilespmem:s22+$0x8180] =	vst @!p2 v7  }
0x26a: {  	[tilespmem:s22+$0x8190] =	vst @!p2 v7  }
0x26b: {  	[tilespmem:s22+$0x81A0] =	vst @!p2 v7  }
0x26c: {  	[tilespmem:s22+$0x81B0] =	vst @!p2 v7  }
0x26d: {  	[tilespmem:s22+$0x81C0] =	vst @!p2 v7  }
0x26e: {  	[tilespmem:s22+$0x81D0] =	vst @!p2 v7  }
0x26f: {  	[tilespmem:s22+$0x81E0] =	vst @!p2 v7  }
0x270: {  	[tilespmem:s22+$0x81F0] =	vst @!p2 v7  }
0x271: {  	[tilespmem:s22+$0x8580] =	vst @!p2 v7  }
0x272: {  	[tilespmem:s22+$0x8590] =	vst @!p2 v7  }
0x273: {  	[tilespmem:s22+$0x85A0] =	vst @!p2 v7  }
0x274: {  	s23 =	simm.s32 $0x80;
	s16 =	sadd.s32 $0x1, s28;
	[tilespmem:s22+$0x85B0] =	vst @!p2 v7  }
.LBB2_37:
0x275: {  	p4 =	slt.s32 s16, s25  }
0x276: {  	[tilespmem:s22+$0x85C0] =	vst @!p2 v7;
	s20 =	sadd.s32 $0x100, s20;
	s8 =	smov.u32 s23;
	s23 =	sadd.s32 $0x80, s23  }
0x277: {  	s4 =	sand.u32 @!p4 $0x3800, s20;
	s8 =	sand.u32 @!p4 $0x380, s8;
	p3 =	sne.s32 s23, $0x2000;
	[tilespmem:s22+$0x85D0] =	vst @!p2 v7  }
0x278: {  	[tilespmem:s22+$0x85E0] =	vst @!p2 v7;
	v7 =	vimm.f32 @!p4 $0.0e+00;
	s22 =	sor.u32 @!p4 s8, s4;
	p2 =	por p4, p4  }
0x279: {  	[tilespmem:s22+$0x85F0] =	vst @!p2 v7  }
0x27a: {  	[tilespmem:s22+$0x8180] =	vst @!p2 v7  }
0x27b: {  	[tilespmem:s22+$0x8190] =	vst @!p2 v7  }
0x27c: {  	[tilespmem:s22+$0x81A0] =	vst @!p2 v7  }
0x27d: {  	[tilespmem:s22+$0x81B0] =	vst @!p2 v7  }
0x27e: {  	[tilespmem:s22+$0x81C0] =	vst @!p2 v7  }
0x27f: {  	[tilespmem:s22+$0x81D0] =	vst @!p2 v7  }
0x280: {  	[tilespmem:s22+$0x81E0] =	vst @!p2 v7  }
.Ltmp27:
0x281: {  	[tilespmem:s22+$0x81F0] =	vst @!p2 v7;
	(pc) =	sbr.rel @p3 .LBB2_37-.Ltmp27, $4  }
0x282: {  	[tilespmem:s22+$0x8580] =	vst @!p2 v7  }
0x283: {  	[tilespmem:s22+$0x8590] =	vst @!p2 v7  }
0x284: {  	[tilespmem:s22+$0x85A0] =	vst @!p2 v7  }
0x285: {  	s16 =	sadd.s32 $0x1, s16;
	[tilespmem:s22+$0x85B0] =	vst @!p2 v7  }
0x286: {  	[tilespmem:s22+$0x85C0] =	vst @!p2 v7  }
0x287: {  	[tilespmem:s22+$0x85D0] =	vst @!p2 v7  }
0x288: {  	[tilespmem:s22+$0x85E0] =	vst @!p2 v7  }
.LBB2_39:
0x289: {  	s16 =	sor.u32 $0x3, s2  }
0x28a: {  	p2 =	sge.s32 s16, s24  }
.Ltmp28:
0x28b: {  	s4 =	sshll.u32 s19, $0xE;
	(pc) =	sbr.rel @p2 .LBB2_41-.Ltmp28, $4  }
0x28c: {  	s4 =	sadd.s32 s1, s4  }
0x28d: {  	s4 =	sshrl.u32 s4, $0x3  }
0x28e: {  	s8 =	simm.s32 $0x8180;
	s4 =	sadd.s32 s5, s4  }
0x28f: {  	[hbm4b:s4+s7] =	stream.linear.scatter [tilespmem:s8], [sflag:$0x6], $0x4000, $0x200038;
	[tilespmem:$0x18180] =	vst v63  }
0x290: {  	p2 =	seq.s32 s2, $0x0  }
0x291: {  	s4 =	simm.s32 @!p2 $0x8  }
0x292: {  	_ =	swait.ge @!p2 [sflag:s4], $0x4000  }
0x293: {  	s8 =	sshll.u32 s16, $0x9;
	[sflag:s4] =	ssyncset.done @!p2 $0x0  }
0x294: {  	[sflag:s4] =	ssyncadd.s32 @!p2 $0xFFFFC000;
	s4 =	sshra.s32 s8, $0x2  }
0x295: {  	v7 =	vld [tilespmem:s4+$0x2180];
	_ =	sdelay $0x4  }
0x296: {  	v8 =	vshll.u32 v7, $0x1  }
0x297: {  	v7 =	vand.u32 $0x7, v7;
	v8 =	vand.u32 $0xFFFFFFF0, v8  }
0x298: {  	v7 =	vor.u32 v7, v8  }
0x299: {  	v8 =	vperm.xlane v7, v4;
	_ =	sdelay $0x1  }
0x29a: {  	v7 =	vperm.xlane v7, v6;
	v8 =	vadd.s32 v5, v8;
	_ =	sdelay $0x1  }
0x29b: {  	v7 =	vadd.s32 v5, v7;
	_ =	sdelay $0x1  }
0x29c: {  	s20 =	simm.s32 $0x10180  }
0x29d: {  	[tilespmem:s20], [sflag:$0x4] =	stream.indirect_vreg.gather [hbm4b:s0+s7], $0x80, v8, vm0, $0x2000b8;
	[tilespmem:$0x18180] =	vst v63  }
0x29e: {  	s22 =	simm.s32 $0x10980  }
0x29f: {  	[tilespmem:s22], [sflag:$0x4] =	stream.indirect_vreg.gather [hbm4b:s0+s7], $0x80, v7, vm0, $0x2000b8;
	[tilespmem:$0x18180] =	vst v63  }
0x2a0: {  	v7 =	vld [tilespmem:s4+$0x2190];
	_ =	sdelay $0x4  }
0x2a1: {  	v8 =	vshll.u32 v7, $0x1  }
0x2a2: {  	v7 =	vand.u32 $0x7, v7;
	v8 =	vand.u32 $0xFFFFFFF0, v8  }
0x2a3: {  	v7 =	vor.u32 v7, v8  }
0x2a4: {  	v8 =	vperm.xlane v7, v4;
	_ =	sdelay $0x1  }
0x2a5: {  	v7 =	vperm.xlane v7, v6;
	v8 =	vadd.s32 v5, v8;
	_ =	sdelay $0x1  }
0x2a6: {  	v7 =	vadd.s32 v5, v7;
	_ =	sdelay $0x1  }
0x2a7: {  	s23 =	simm.s32 $0x11180  }
0x2a8: {  	[tilespmem:s23], [sflag:$0x4] =	stream.indirect_vreg.gather [hbm4b:s0+s7], $0x80, v8, vm0, $0x2000b8;
	[tilespmem:$0x18180] =	vst v63  }
0x2a9: {  	s16 =	simm.s32 $0x11980  }
0x2aa: {  	[tilespmem:s16], [sflag:$0x4] =	stream.indirect_vreg.gather [hbm4b:s0+s7], $0x80, v7, vm0, $0x2000b8;
	[tilespmem:$0x18180] =	vst v63  }
0x2ab: {  	v7 =	vld [tilespmem:s4+$0x21A0];
	_ =	sdelay $0x4  }
0x2ac: {  	v8 =	vshll.u32 v7, $0x1  }
0x2ad: {  	v7 =	vand.u32 $0x7, v7;
	v8 =	vand.u32 $0xFFFFFFF0, v8  }
0x2ae: {  	v7 =	vor.u32 v7, v8  }
0x2af: {  	v8 =	vperm.xlane v7, v4;
	_ =	sdelay $0x1  }
0x2b0: {  	v7 =	vperm.xlane v7, v6;
	v8 =	vadd.s32 v5, v8;
	_ =	sdelay $0x1  }
0x2b1: {  	v7 =	vadd.s32 v5, v7;
	_ =	sdelay $0x1  }
0x2b2: {  	s19 =	simm.s32 $0x12180  }
0x2b3: {  	[tilespmem:s19], [sflag:$0x4] =	stream.indirect_vreg.gather [hbm4b:s0+s7], $0x80, v8, vm0, $0x2000b8;
	[tilespmem:$0x18180] =	vst v63  }
0x2b4: {  	s20 =	simm.s32 $0x12980  }
0x2b5: {  	[tilespmem:s20], [sflag:$0x4] =	stream.indirect_vreg.gather [hbm4b:s0+s7], $0x80, v7, vm0, $0x2000b8;
	[tilespmem:$0x18180] =	vst v63  }
0x2b6: {  	v7 =	vld [tilespmem:s4+$0x21B0];
	_ =	sdelay $0x4  }
0x2b7: {  	v8 =	vshll.u32 v7, $0x1  }
0x2b8: {  	v7 =	vand.u32 $0x7, v7;
	v8 =	vand.u32 $0xFFFFFFF0, v8  }
0x2b9: {  	v7 =	vor.u32 v7, v8  }
0x2ba: {  	v8 =	vperm.xlane v7, v4;
	_ =	sdelay $0x1  }
0x2bb: {  	v7 =	vperm.xlane v7, v6;
	v8 =	vadd.s32 v5, v8;
	_ =	sdelay $0x1  }
0x2bc: {  	v7 =	vadd.s32 v5, v7;
	_ =	sdelay $0x1  }
0x2bd: {  	s22 =	simm.s32 $0x13180  }
0x2be: {  	[tilespmem:s22], [sflag:$0x4] =	stream.indirect_vreg.gather [hbm4b:s0+s7], $0x80, v8, vm0, $0x2000b8;
	[tilespmem:$0x18180] =	vst v63  }
0x2bf: {  	s23 =	simm.s32 $0x13980  }
0x2c0: {  	[tilespmem:s23], [sflag:$0x4] =	stream.indirect_vreg.gather [hbm4b:s0+s7], $0x80, v7, vm0, $0x2000b8;
	[tilespmem:$0x18180] =	vst v63  }
.LBB2_41:
0x2c1: {  	s19 =	sor.u32 $0x2, s2  }
0x2c2: {  	p2 =	sge.s32 s19, s24  }
.Ltmp29:
0x2c3: {  	_ = 	snop;
	(pc) =	sbr.rel @p2 .LBB2_48-.Ltmp29, $1  }
0x2c4: {  	_ =	sdelay $0x3  }
0x2c5: {  	p2 =	sne.s32 @!p1 s2, s31  }
0x2c6: {  	p2 =	por p1, p2  }
.Ltmp30:
0x2c7: {  	_ = 	snop;
	(pc) =	sbr.rel @p2 .LBB2_46-.Ltmp30, $4  }
0x2c8: {  	s4 =	simm.s32 $0x3  }
0x2c9: {  	_ =	swait.ge [sflag:s4], $0x4000  }
0x2ca: {  	[sflag:s4] =	ssyncset.done $0x0  }
0x2cb: {  	s20 =	simm.s32 $0x0;
	[sflag:s4] =	ssyncadd.s32 $0xFFFFC000  }
0x2cc: {  	p2 =	slt.s32 s17, s25  }
0x2cd: {  	s4 =	sand.u32 @!p2 $0x3800, s20;
	s8 =	sand.u32 @!p2 $0x380, s20  }
0x2ce: {  	v7 =	vimm.f32 @!p2 $0.0e+00;
	s22 =	sor.u32 @!p2 s8, s4;
	p2 =	por p2, p2  }
0x2cf: {  	[tilespmem:s22+$0xC5F0] =	vst @!p2 v7  }
0x2d0: {  	[tilespmem:s22+$0xC180] =	vst @!p2 v7  }
0x2d1: {  	[tilespmem:s22+$0xC190] =	vst @!p2 v7  }
0x2d2: {  	[tilespmem:s22+$0xC1A0] =	vst @!p2 v7  }
0x2d3: {  	[tilespmem:s22+$0xC1B0] =	vst @!p2 v7  }
0x2d4: {  	[tilespmem:s22+$0xC1C0] =	vst @!p2 v7  }
0x2d5: {  	[tilespmem:s22+$0xC1D0] =	vst @!p2 v7  }
0x2d6: {  	[tilespmem:s22+$0xC1E0] =	vst @!p2 v7  }
0x2d7: {  	[tilespmem:s22+$0xC1F0] =	vst @!p2 v7  }
0x2d8: {  	[tilespmem:s22+$0xC580] =	vst @!p2 v7  }
0x2d9: {  	[tilespmem:s22+$0xC590] =	vst @!p2 v7  }
0x2da: {  	[tilespmem:s22+$0xC5A0] =	vst @!p2 v7  }
0x2db: {  	s23 =	simm.s32 $0x80;
	s16 =	sadd.s32 $0x1, s17;
	[tilespmem:s22+$0xC5B0] =	vst @!p2 v7  }
.LBB2_44:
0x2dc: {  	p4 =	slt.s32 s16, s25  }
0x2dd: {  	[tilespmem:s22+$0xC5C0] =	vst @!p2 v7;
	s20 =	sadd.s32 $0x100, s20;
	s4 =	smov.u32 s23;
	s23 =	sadd.s32 $0x80, s23  }
0x2de: {  	s8 =	sand.u32 @!p4 $0x3800, s20;
	s4 =	sand.u32 @!p4 $0x380, s4;
	p3 =	sne.s32 s23, $0x2000;
	[tilespmem:s22+$0xC5D0] =	vst @!p2 v7  }
0x2df: {  	[tilespmem:s22+$0xC5E0] =	vst @!p2 v7;
	v7 =	vimm.f32 @!p4 $0.0e+00;
	s22 =	sor.u32 @!p4 s4, s8;
	p2 =	por p4, p4  }
0x2e0: {  	[tilespmem:s22+$0xC5F0] =	vst @!p2 v7  }
0x2e1: {  	[tilespmem:s22+$0xC180] =	vst @!p2 v7  }
0x2e2: {  	[tilespmem:s22+$0xC190] =	vst @!p2 v7  }
0x2e3: {  	[tilespmem:s22+$0xC1A0] =	vst @!p2 v7  }
0x2e4: {  	[tilespmem:s22+$0xC1B0] =	vst @!p2 v7  }
0x2e5: {  	[tilespmem:s22+$0xC1C0] =	vst @!p2 v7  }
0x2e6: {  	[tilespmem:s22+$0xC1D0] =	vst @!p2 v7  }
0x2e7: {  	[tilespmem:s22+$0xC1E0] =	vst @!p2 v7  }
.Ltmp31:
0x2e8: {  	[tilespmem:s22+$0xC1F0] =	vst @!p2 v7;
	(pc) =	sbr.rel @p3 .LBB2_44-.Ltmp31, $4  }
0x2e9: {  	[tilespmem:s22+$0xC580] =	vst @!p2 v7  }
0x2ea: {  	[tilespmem:s22+$0xC590] =	vst @!p2 v7  }
0x2eb: {  	[tilespmem:s22+$0xC5A0] =	vst @!p2 v7  }
0x2ec: {  	s16 =	sadd.s32 $0x1, s16;
	[tilespmem:s22+$0xC5B0] =	vst @!p2 v7  }
0x2ed: {  	[tilespmem:s22+$0xC5C0] =	vst @!p2 v7  }
0x2ee: {  	[tilespmem:s22+$0xC5D0] =	vst @!p2 v7  }
0x2ef: {  	[tilespmem:s22+$0xC5E0] =	vst @!p2 v7  }
.LBB2_46:
0x2f0: {  	s16 =	sadd.s32 $0x4, s2  }
0x2f1: {  	p2 =	sge.s32 s16, s24  }
.Ltmp32:
0x2f2: {  	s4 =	sshll.u32 s19, $0xE;
	(pc) =	sbr.rel @p2 .LBB2_48-.Ltmp32, $4  }
0x2f3: {  	s4 =	sadd.s32 s1, s4  }
0x2f4: {  	s4 =	sshrl.u32 s4, $0x3  }
0x2f5: {  	s8 =	simm.s32 $0xC180;
	s4 =	sadd.s32 s5, s4  }
0x2f6: {  	[hbm4b:s4+s7] =	stream.linear.scatter [tilespmem:s8], [sflag:$0x7], $0x4000, $0x200038;
	[tilespmem:$0x18180] =	vst v63  }
0x2f7: {  	s8 =	simm.s32 $0x5  }
0x2f8: {  	_ =	swait.ge [sflag:s8], $0x4000  }
0x2f9: {  	s4 =	sshll.u32 s16, $0x9;
	[sflag:s8] =	ssyncset.done $0x0  }
0x2fa: {  	s4 =	sshra.s32 s4, $0x2;
	[sflag:s8] =	ssyncadd.s32 $0xFFFFC000  }
0x2fb: {  	v7 =	vld [tilespmem:s4+$0x2180];
	_ =	sdelay $0x4  }
0x2fc: {  	v8 =	vshll.u32 v7, $0x1  }
0x2fd: {  	v7 =	vand.u32 $0x7, v7;
	v8 =	vand.u32 $0xFFFFFFF0, v8  }
0x2fe: {  	v7 =	vor.u32 v7, v8  }
0x2ff: {  	v8 =	vperm.xlane v7, v4;
	_ =	sdelay $0x1  }
0x300: {  	v7 =	vperm.xlane v7, v6;
	v8 =	vadd.s32 v5, v8;
	_ =	sdelay $0x1  }
0x301: {  	v7 =	vadd.s32 v5, v7;
	_ =	sdelay $0x1  }
0x302: {  	s20 =	simm.s32 $0x4180  }
0x303: {  	[tilespmem:s20], [sflag:$0x1] =	stream.indirect_vreg.gather [hbm4b:s0+s7], $0x80, v8, vm0, $0x2000b8;
	[tilespmem:$0x18180] =	vst v63  }
0x304: {  	s22 =	simm.s32 $0x4980  }
0x305: {  	[tilespmem:s22], [sflag:$0x1] =	stream.indirect_vreg.gather [hbm4b:s0+s7], $0x80, v7, vm0, $0x2000b8;
	[tilespmem:$0x18180] =	vst v63  }
0x306: {  	v7 =	vld [tilespmem:s4+$0x2190];
	_ =	sdelay $0x4  }
0x307: {  	v8 =	vshll.u32 v7, $0x1  }
0x308: {  	v7 =	vand.u32 $0x7, v7;
	v8 =	vand.u32 $0xFFFFFFF0, v8  }
0x309: {  	v7 =	vor.u32 v7, v8  }
0x30a: {  	v8 =	vperm.xlane v7, v4;
	_ =	sdelay $0x1  }
0x30b: {  	v7 =	vperm.xlane v7, v6;
	v8 =	vadd.s32 v5, v8;
	_ =	sdelay $0x1  }
0x30c: {  	v7 =	vadd.s32 v5, v7;
	_ =	sdelay $0x1  }
0x30d: {  	s23 =	simm.s32 $0x5180  }
0x30e: {  	[tilespmem:s23], [sflag:$0x1] =	stream.indirect_vreg.gather [hbm4b:s0+s7], $0x80, v8, vm0, $0x2000b8;
	[tilespmem:$0x18180] =	vst v63  }
0x30f: {  	s16 =	simm.s32 $0x5980  }
0x310: {  	[tilespmem:s16], [sflag:$0x1] =	stream.indirect_vreg.gather [hbm4b:s0+s7], $0x80, v7, vm0, $0x2000b8;
	[tilespmem:$0x18180] =	vst v63  }
0x311: {  	v7 =	vld [tilespmem:s4+$0x21A0];
	_ =	sdelay $0x4  }
0x312: {  	v8 =	vshll.u32 v7, $0x1  }
0x313: {  	v7 =	vand.u32 $0x7, v7;
	v8 =	vand.u32 $0xFFFFFFF0, v8  }
0x314: {  	v7 =	vor.u32 v7, v8  }
0x315: {  	v8 =	vperm.xlane v7, v4;
	_ =	sdelay $0x1  }
0x316: {  	v7 =	vperm.xlane v7, v6;
	v8 =	vadd.s32 v5, v8;
	_ =	sdelay $0x1  }
0x317: {  	v7 =	vadd.s32 v5, v7;
	_ =	sdelay $0x1  }
0x318: {  	s19 =	simm.s32 $0x6180  }
0x319: {  	[tilespmem:s19], [sflag:$0x1] =	stream.indirect_vreg.gather [hbm4b:s0+s7], $0x80, v8, vm0, $0x2000b8;
	[tilespmem:$0x18180] =	vst v63  }
0x31a: {  	s20 =	simm.s32 $0x6980  }
0x31b: {  	[tilespmem:s20], [sflag:$0x1] =	stream.indirect_vreg.gather [hbm4b:s0+s7], $0x80, v7, vm0, $0x2000b8;
	[tilespmem:$0x18180] =	vst v63  }
0x31c: {  	v7 =	vld [tilespmem:s4+$0x21B0];
	_ =	sdelay $0x4  }
0x31d: {  	v8 =	vshll.u32 v7, $0x1  }
0x31e: {  	v7 =	vand.u32 $0x7, v7;
	v8 =	vand.u32 $0xFFFFFFF0, v8  }
0x31f: {  	v7 =	vor.u32 v7, v8  }
0x320: {  	v8 =	vperm.xlane v7, v4;
	_ =	sdelay $0x1  }
0x321: {  	v7 =	vperm.xlane v7, v6;
	v8 =	vadd.s32 v5, v8;
	_ =	sdelay $0x1  }
0x322: {  	v7 =	vadd.s32 v5, v7;
	_ =	sdelay $0x1  }
0x323: {  	s22 =	simm.s32 $0x7180  }
0x324: {  	[tilespmem:s22], [sflag:$0x1] =	stream.indirect_vreg.gather [hbm4b:s0+s7], $0x80, v8, vm0, $0x2000b8;
	[tilespmem:$0x18180] =	vst v63  }
0x325: {  	s23 =	simm.s32 $0x7980  }
0x326: {  	[tilespmem:s23], [sflag:$0x1] =	stream.indirect_vreg.gather [hbm4b:s0+s7], $0x80, v7, vm0, $0x2000b8;
	[tilespmem:$0x18180] =	vst v63  }
.LBB2_48:
0x327: {  	s19 =	sor.u32 $0x3, s2  }
0x328: {  	p2 =	sge.s32 s19, s24  }
.Ltmp33:
0x329: {  	_ = 	snop;
	(pc) =	sbr.rel @p2 .LBB2_55-.Ltmp33, $1  }
0x32a: {  	_ =	sdelay $0x3  }
0x32b: {  	p2 =	sne.s32 @!p1 s2, s15  }
0x32c: {  	p2 =	por p1, p2  }
.Ltmp34:
0x32d: {  	_ = 	snop;
	(pc) =	sbr.rel @p2 .LBB2_53-.Ltmp34, $4  }
0x32e: {  	_ = 	snop  }
0x32f: {  	_ =	swait.ge [sflag:s10], $0x4000  }
0x330: {  	[sflag:s10] =	ssyncset.done $0x0  }
0x331: {  	s20 =	simm.s32 $0x0;
	[sflag:s10] =	ssyncadd.s32 $0xFFFFC000  }
0x332: {  	p2 =	slt.s32 s6, s25  }
0x333: {  	s4 =	sand.u32 @!p2 $0x3800, s20;
	s8 =	sand.u32 @!p2 $0x380, s20  }
0x334: {  	v7 =	vimm.f32 @!p2 $0.0e+00;
	s4 =	sor.u32 @!p2 s8, s4;
	p2 =	por p2, p2  }
0x335: {  	s22 =	sadd.s32 @!p2 $0x10180, s4;
	[tilespmem:s4+$0x10180] =	vst @!p2 v7  }
0x336: {  	[tilespmem:s22+$0x10] =	vst @!p2 v7  }
0x337: {  	[tilespmem:s22+$0x20] =	vst @!p2 v7  }
0x338: {  	[tilespmem:s22+$0x30] =	vst @!p2 v7  }
0x339: {  	[tilespmem:s22+$0x40] =	vst @!p2 v7  }
0x33a: {  	[tilespmem:s22+$0x50] =	vst @!p2 v7  }
0x33b: {  	[tilespmem:s22+$0x60] =	vst @!p2 v7  }
0x33c: {  	[tilespmem:s22+$0x70] =	vst @!p2 v7  }
0x33d: {  	[tilespmem:s22+$0x400] =	vst @!p2 v7  }
0x33e: {  	[tilespmem:s22+$0x410] =	vst @!p2 v7  }
0x33f: {  	[tilespmem:s22+$0x420] =	vst @!p2 v7  }
0x340: {  	[tilespmem:s22+$0x430] =	vst @!p2 v7  }
0x341: {  	s23 =	simm.s32 $0x80;
	s16 =	sadd.s32 $0x1, s6;
	[tilespmem:s22+$0x440] =	vst @!p2 v7  }
.LBB2_51:
0x342: {  	p4 =	slt.s32 s16, s25  }
0x343: {  	[tilespmem:s22+$0x450] =	vst @!p2 v7;
	s20 =	sadd.s32 $0x100, s20;
	s4 =	smov.u32 s23;
	s23 =	sadd.s32 $0x80, s23  }
0x344: {  	s8 =	sand.u32 @!p4 $0x3800, s20;
	s4 =	sand.u32 @!p4 $0x380, s4;
	p3 =	sne.s32 s23, $0x2000;
	[tilespmem:s22+$0x460] =	vst @!p2 v7  }
0x345: {  	s4 =	sor.u32 @!p4 s4, s8;
	[tilespmem:s22+$0x470] =	vst @!p2 v7;
	v7 =	vimm.f32 @!p4 $0.0e+00;
	p2 =	por p4, p4  }
0x346: {  	s22 =	sadd.s32 @!p2 $0x10180, s4;
	[tilespmem:s4+$0x10180] =	vst @!p2 v7  }
0x347: {  	[tilespmem:s22+$0x10] =	vst @!p2 v7  }
0x348: {  	[tilespmem:s22+$0x20] =	vst @!p2 v7  }
0x349: {  	[tilespmem:s22+$0x30] =	vst @!p2 v7  }
0x34a: {  	[tilespmem:s22+$0x40] =	vst @!p2 v7  }
0x34b: {  	[tilespmem:s22+$0x50] =	vst @!p2 v7  }
0x34c: {  	[tilespmem:s22+$0x60] =	vst @!p2 v7  }
0x34d: {  	[tilespmem:s22+$0x70] =	vst @!p2 v7  }
.Ltmp35:
0x34e: {  	[tilespmem:s22+$0x400] =	vst @!p2 v7;
	(pc) =	sbr.rel @p3 .LBB2_51-.Ltmp35, $4  }
0x34f: {  	[tilespmem:s22+$0x410] =	vst @!p2 v7  }
0x350: {  	[tilespmem:s22+$0x420] =	vst @!p2 v7  }
0x351: {  	[tilespmem:s22+$0x430] =	vst @!p2 v7  }
0x352: {  	s16 =	sadd.s32 $0x1, s16;
	[tilespmem:s22+$0x440] =	vst @!p2 v7  }
0x353: {  	[tilespmem:s22+$0x450] =	vst @!p2 v7  }
0x354: {  	[tilespmem:s22+$0x460] =	vst @!p2 v7  }
0x355: {  	[tilespmem:s22+$0x470] =	vst @!p2 v7  }
.LBB2_53:
0x356: {  	s2 =	sadd.s32 $0x5, s2  }
0x357: {  	p2 =	sge.s32 s2, s24  }
.Ltmp36:
0x358: {  	s4 =	sshll.u32 s19, $0xE;
	(pc) =	sbr.rel @p2 .LBB2_55-.Ltmp36, $4  }
0x359: {  	s4 =	sadd.s32 s1, s4  }
0x35a: {  	s4 =	sshrl.u32 s4, $0x3  }
0x35b: {  	s8 =	simm.s32 $0x10180;
	s4 =	sadd.s32 s5, s4  }
0x35c: {  	[hbm4b:s4+s7] =	stream.linear.scatter [tilespmem:s8], [sflag:$0x8], $0x4000, $0x200038;
	[tilespmem:$0x18180] =	vst v63  }
0x35d: {  	s4 =	simm.s32 $0x6  }
0x35e: {  	_ =	swait.ge [sflag:s4], $0x4000  }
0x35f: {  	s2 =	sshll.u32 s2, $0x9;
	[sflag:s4] =	ssyncset.done $0x0  }
0x360: {  	s2 =	sshra.s32 s2, $0x2;
	[sflag:s4] =	ssyncadd.s32 $0xFFFFC000  }
0x361: {  	v7 =	vld [tilespmem:s2+$0x2180];
	_ =	sdelay $0x4  }
0x362: {  	v8 =	vshll.u32 v7, $0x1  }
0x363: {  	v7 =	vand.u32 $0x7, v7;
	v8 =	vand.u32 $0xFFFFFFF0, v8  }
0x364: {  	v7 =	vor.u32 v7, v8  }
0x365: {  	v8 =	vperm.xlane v7, v4;
	_ =	sdelay $0x1  }
0x366: {  	v7 =	vperm.xlane v7, v6;
	v8 =	vadd.s32 v5, v8;
	_ =	sdelay $0x1  }
0x367: {  	v7 =	vadd.s32 v5, v7;
	_ =	sdelay $0x1  }
0x368: {  	s22 =	simm.s32 $0x8180  }
0x369: {  	[tilespmem:s22], [sflag:$0x2] =	stream.indirect_vreg.gather [hbm4b:s0+s7], $0x80, v8, vm0, $0x2000b8;
	[tilespmem:$0x18180] =	vst v63  }
0x36a: {  	s23 =	simm.s32 $0x8980  }
0x36b: {  	[tilespmem:s23], [sflag:$0x2] =	stream.indirect_vreg.gather [hbm4b:s0+s7], $0x80, v7, vm0, $0x2000b8;
	[tilespmem:$0x18180] =	vst v63  }
0x36c: {  	v7 =	vld [tilespmem:s2+$0x2190];
	_ =	sdelay $0x4  }
0x36d: {  	v8 =	vshll.u32 v7, $0x1  }
0x36e: {  	v7 =	vand.u32 $0x7, v7;
	v8 =	vand.u32 $0xFFFFFFF0, v8  }
0x36f: {  	v7 =	vor.u32 v7, v8  }
0x370: {  	v8 =	vperm.xlane v7, v4;
	_ =	sdelay $0x1  }
0x371: {  	v7 =	vperm.xlane v7, v6;
	v8 =	vadd.s32 v5, v8;
	_ =	sdelay $0x1  }
0x372: {  	v7 =	vadd.s32 v5, v7;
	_ =	sdelay $0x1  }
0x373: {  	s8 =	simm.s32 $0x9180  }
0x374: {  	[tilespmem:s8], [sflag:$0x2] =	stream.indirect_vreg.gather [hbm4b:s0+s7], $0x80, v8, vm0, $0x2000b8;
	[tilespmem:$0x18180] =	vst v63  }
0x375: {  	s16 =	simm.s32 $0x9980  }
0x376: {  	[tilespmem:s16], [sflag:$0x2] =	stream.indirect_vreg.gather [hbm4b:s0+s7], $0x80, v7, vm0, $0x2000b8;
	[tilespmem:$0x18180] =	vst v63  }
0x377: {  	v7 =	vld [tilespmem:s2+$0x21A0];
	_ =	sdelay $0x4  }
0x378: {  	v8 =	vshll.u32 v7, $0x1  }
0x379: {  	v7 =	vand.u32 $0x7, v7;
	v8 =	vand.u32 $0xFFFFFFF0, v8  }
0x37a: {  	v7 =	vor.u32 v7, v8  }
0x37b: {  	v8 =	vperm.xlane v7, v4;
	_ =	sdelay $0x1  }
0x37c: {  	v7 =	vperm.xlane v7, v6;
	v8 =	vadd.s32 v5, v8;
	_ =	sdelay $0x1  }
0x37d: {  	v7 =	vadd.s32 v5, v7;
	_ =	sdelay $0x1  }
0x37e: {  	s19 =	simm.s32 $0xA180  }
0x37f: {  	[tilespmem:s19], [sflag:$0x2] =	stream.indirect_vreg.gather [hbm4b:s0+s7], $0x80, v8, vm0, $0x2000b8;
	[tilespmem:$0x18180] =	vst v63  }
0x380: {  	s20 =	simm.s32 $0xA980  }
0x381: {  	[tilespmem:s20], [sflag:$0x2] =	stream.indirect_vreg.gather [hbm4b:s0+s7], $0x80, v7, vm0, $0x2000b8;
	[tilespmem:$0x18180] =	vst v63  }
0x382: {  	v7 =	vld [tilespmem:s2+$0x21B0];
	_ =	sdelay $0x4  }
0x383: {  	v8 =	vshll.u32 v7, $0x1  }
0x384: {  	v7 =	vand.u32 $0x7, v7;
	v8 =	vand.u32 $0xFFFFFFF0, v8  }
0x385: {  	v7 =	vor.u32 v7, v8  }
0x386: {  	v8 =	vperm.xlane v7, v4;
	_ =	sdelay $0x1  }
0x387: {  	v7 =	vperm.xlane v7, v6;
	v8 =	vadd.s32 v5, v8;
	_ =	sdelay $0x1  }
0x388: {  	v7 =	vadd.s32 v5, v7  }
.Ltmp37:
0x389: {  	_ = 	snop;
	(pc) =	sbr.rel .LBB2_55-.Ltmp37, $4  }
0x38a: {  	s22 =	simm.s32 $0xB180  }
0x38b: {  	[tilespmem:s22], [sflag:$0x2] =	stream.indirect_vreg.gather [hbm4b:s0+s7], $0x80, v8, vm0, $0x2000b8;
	[tilespmem:$0x18180] =	vst v63  }
0x38c: {  	s23 =	simm.s32 $0xB980  }
0x38d: {  	[tilespmem:s23], [sflag:$0x2] =	stream.indirect_vreg.gather [hbm4b:s0+s7], $0x80, v7, vm0, $0x2000b8;
	[tilespmem:$0x18180] =	vst v63  }
.LBB2_56:
0x38e: {  	p1 =	slt.s32 s24, $0x1  }
0x38f: {  	p2 =	slt.s32 @!p1 s24, $0x2;
	s1 =	simm.s32 @!p1 $0x5  }
0x390: {  	_ =	swait.ge @!p1 [sflag:s1], $0x4000;
	p3 =	por p2, p1  }
0x391: {  	[sflag:s1] =	ssyncset.done @!p1 $0x0;
	p4 =	seq.s32 @!p3 s24, $0x2  }
0x392: {  	[sflag:s1] =	ssyncadd.s32 @!p1 $0xFFFFC000;
	s1 =	simm.s32 @!p3 $0x6;
	p5 =	por @!p1 p4, p2  }
0x393: {  	_ =	swait.ge @!p3 [sflag:s1], $0x4000;
	p5 =	por p5, p1  }
0x394: {  	[sflag:s1] =	ssyncset.done @!p3 $0x0;
	p6 =	slt.u32 @!p5 s24, $0x4  }
0x395: {  	p4 =	por @!p3 p6, p4;
	[sflag:s1] =	ssyncadd.s32 @!p3 $0xFFFFC000;
	s1 =	simm.s32 @!p5 $0x7  }
0x396: {  	_ =	swait.ge @!p5 [sflag:s1], $0x4000;
	p2 =	por @!p1 p4, p2  }
0x397: {  	[sflag:s1] =	ssyncset.done @!p5 $0x0;
	p1 =	por p2, p1  }
0x398: {  	[sflag:s1] =	ssyncadd.s32 @!p5 $0xFFFFC000;
	s1 =	simm.s32 @!p1 $0x8  }
0x399: {  	_ =	swait.ge @!p1 [sflag:s1], $0x4000  }
0x39a: {  	s12 =	rddreg [dreg:$0xc]  }
0x39b: {  	s20 =	rddreg [dreg:$0xd]  }
0x39c: {  	s22 =	rddreg [dreg:$0xe]  }
0x39d: {  	s23 =	rddreg [dreg:$0xf]  }
0x39e: {  	[sflag:s1] =	ssyncset.done @!p1 $0x0;
	s6 =	rddreg [dreg:$0x10]  }
0x39f: {  	s11 =	rddreg [dreg:$0x11];
	[sflag:s1] =	ssyncadd.s32 @!p1 $0xFFFFC000  }
0x3a0: {  	s15 =	rddreg [dreg:$0x1]  }
0x3a1: {  	s17 =	simm.s32 $0x80;
	s19 =	simm.s32 $0x400;
	s16 =	rddreg [dreg:$0x2]  }
.LBB2_57:
0x3a2: {  	s2 =	ssub.s32 s21, s11  }
0x3a3: {  	s1 =	sadd.s32 $0x80, s2  }
0x3a4: {  	p1 =	sgt.s32 s22, s21;
	p2 =	slt.s32 s12, s1;
	s3 =	smov.u32 s1  }
0x3a5: {  	s21 =	smov.u32 @p1 s22;
	s3 =	smov.u32 @p2 s12  }
0x3a6: {  	p1 =	sle.s32 s3, s21  }
0x3a7: {  	s4 =	sadd.s32 @!p1 s6, s21;
	s8 =	sadd.s32 @!p1 s6, s11  }
0x3a8: {  	s6 =	sadd.s32 @!p1 s11, s4;
	s4 =	sadd.s32 @!p1 s3, s8  }
0x3a9: {  	p2 =	sge.s32 @!p1 s6, s4  }
0x3aa: {  	p1 =	por p1, p2  }
.Ltmp38:
0x3ab: {  	_ = 	snop;
	(pc) =	sbr.rel @p1 .LBB2_61-.Ltmp38, $1  }
0x3ac: {  	_ =	sdelay $0x3  }
0x3ad: {  	s3 =	ssub.s32 s3, s21  }
0x3ae: {  	p1 =	sne.s32 s3, $0x1  }
.Ltmp39:
0x3af: {  	_ = 	snop;
	(pc) =	sbr.rel @!p1 .LBB2_60-.Ltmp39, $4  }
0x3b0: {  	s4 =	sshll.u32 s6, $0xE  }
0x3b1: {  	s4 =	sadd.s32 s4, s13  }
0x3b2: {  	s31 =	sshrl.u32 s4, $0x3  }
0x3b3: {  	s3 =	sadd.s32 $0xFFFFFFFF, s3;
	s6 =	sadd.s32 $0x4000, s4;
	s11 =	sadd.s32 s5, s31  }
.LBB2_59:
0x3b4: {  	[hbm4b:s11+s7] =	stream.linear.scatter [tilespmem:s9], [sflag:$0x9], $0x4000, $0x200038;
	[tilespmem:$0x18180] =	vst v63  }
0x3b5: {  	p1 =	sne.s32 s3, $0x1  }
.Ltmp40:
0x3b6: {  	s3 =	sadd.s32 $0xFFFFFFFF, s3;
	(pc) =	sbr.rel @p1 .LBB2_59-.Ltmp40, $3  }
0x3b7: {  	_ =	sdelay $0x1  }
0x3b8: {  	s4 =	sshrl.u32 s6, $0x3  }
0x3b9: {  	s6 =	sadd.s32 $0x4000, s6;
	s11 =	sadd.s32 s5, s4  }
.Ltmp41:
0x3ba: {  	_ = 	snop;
	(pc) =	sbr.rel .LBB2_60-.Ltmp41, $1  }
0x3bb: {  	_ =	sdelay $0x3  }
.LBB2_16:
.Ltmp42:
0x3bc: {  	(pc) =	sbr.rel .LBB2_24-.Ltmp42, $2  }
0x3bd: {  	_ =	sdelay $0x2  }
0x3be: {  	s17 =	simm.s32 $0x0;
	s15 =	simm.s32 $0x0;
	s2 =	simm.s32 $0x1180  }
.LBB2_20:
.Ltmp43:
0x3bf: {  	(pc) =	sbr.rel .LBB2_24-.Ltmp43, $2  }
0x3c0: {  	_ =	sdelay $0x2  }
0x3c1: {  	s17 =	simm.s32 $0x0;
	s15 =	simm.s32 $0x0;
	s2 =	simm.s32 $0x1180  }
.LBB2_22:
.Ltmp44:
0x3c2: {  	(pc) =	sbr.rel .LBB2_24-.Ltmp44, $2  }
0x3c3: {  	_ =	sdelay $0x2  }
0x3c4: {  	s17 =	simm.s32 $0x0;
	s15 =	simm.s32 $0x0  }
.LBB2_62:
0x3c5: {  	s1 =	ssub.s32 s12, s22  }
0x3c6: {  	p1 =	slt.s32 s1, $0x1  }
.Ltmp45:
0x3c7: {  	_ = 	snop;
	(pc) =	sbr.rel @p1 .LBB2_66-.Ltmp45, $4  }
0x3c8: {  	_ =	strace $0x9000004A  }
0x3c9: {  	_ =	strace $0x8000004B  }
0x3ca: {  	s2 =	simm.s32 $0x0;
	s4 =	rddreg [dreg:$0x8]  }
0x3cb: {  	s8 =	stileid.u32;
	s13 =	simm.s32 $0xB;
	s3 =	rddreg [dreg:$0xa]  }
0x3cc: {  	s2 =	sadd.s32 $0x1, s2  }
0x3cd: {  	p1 =	slt.s32 s2, s1  }
.Ltmp46:
0x3ce: {  	_ = 	snop;
	(pc) =	sbr.rel @!p1 .LBB2_65-.Ltmp46, $3  }
0x3cf: {  	_ =	sdelay $0x1  }
0x3d0: {  	_ =	swait.ge [sflag:s29], $0x4000  }
0x3d1: {  	[sflag:s29] =	ssyncset.done $0x0  }
.LBB2_64:
0x3d2: {  	s2 =	sadd.s32 $0x1, s2  }
0x3d3: {  	[sflag:s29] =	ssyncadd.s32 $0xFFFFC000;
	p1 =	slt.s32 s2, s1  }
.Ltmp47:
0x3d4: {  	(pc) =	sbr.rel @p1 .LBB2_64-.Ltmp47, $3  }
0x3d5: {  	_ =	sdelay $0x1  }
0x3d6: {  	_ =	swait.ge [sflag:s29], $0x4000  }
0x3d7: {  	[sflag:s29] =	ssyncset.done $0x0  }
.Ltmp48:
0x3d8: {  	_ = 	snop;
	(pc) =	sbr.rel .LBB2_65-.Ltmp48, $1  }
0x3d9: {  	_ =	sdelay $0x3  }
.LBB2_67:
0x3da: {  	_ =	sfence.sel $0x180000  }
0x3db: {  	[bflag:$0x0] =	sbarrier.arrive $0xFFFF  }
0x3dc: {  	_ =	strace $0x90000047  }
0x3dd: {  	[bflag:$0x2] =	sbarrier.arrive $0xFFFF  }
0x3de: {  	p0 =	sne.s32 s8, $0x0;
	s0 =	rddreg [dreg:$0x6]  }
0x3df: {  	s0 =	sadd.s32 @!p0 $0x100000, s0  }
0x3e0: {  	[sflag:s0] =	ssyncadd.tile.s32 @!p0 $0x1;
	_ =	shalt  }
.Lfunc_end2:
_tile_overlayer_lowered:
.L_overlay_start_2:
0x3e1: {  	(tag) =	ssettag $0x2  }
0x3e2: {  	s0 =	rddreg [dreg:$0x0];
	s2 =	stileid.u32  }
0x3e3: {  	s1 =	rddreg [dreg:$0x1];
	p0 =	sne.s32 s2, $0x0  }
0x3e4: {  	s3 =	rddreg [dreg:$0x2];
	[bflag:$0x3] =	sbarrier.arrive $0xFFFF;
	s2 =	simm.s32 @!p0 $0x1C0A  }
0x3e5: {  	[timem:s3], [sflag:s2] =	dma.local @!p0 [hbm:s0], s1  }
0x3e6: {  	s0 =	simm.s32 @!p0 $0xA  }
0x3e7: {  	_ =	swait.ge @!p0 [sflag:s0], s1  }
0x3e8: {  	s1 =	ssub.s32 @!p0 $0x0, s1;
	[sflag:s0] =	ssyncset.done @!p0 $0x0  }
0x3e9: {  	[sflag:s0] =	ssyncadd.s32 @!p0 s1  }
0x3ea: {  	[bflag:$0x3] =	sbarrier.arrive $0xFFFF  }
0x3eb: {  	_ =	shalt  }

</sc_bundles>
